<compile_context>
chip_gen: v7x
topology: tpu7x:2x2x1
jax: 0.10.2.dev20260603
libtpu: 0.0.44.dev20260713+nightly
codegen_flags: <defaults>
</compile_context>

<pallas_src>
import functools

import jax
import jax.numpy as jnp
from jax import lax
from jax.experimental import pallas as pl
from jax.experimental.pallas import tpu as pltpu
from jax.experimental.pallas import tpu_sc as plsc

NC, NS, L = 2, 16, 16
NW = NC * NS


def _tables_and_edge_proj(node_emb, edge_emb, w_s, w_r, b_msg, w_e, *, bn, be, e_out):
    n, d = node_emb.shape
    e, de = edge_emb.shape
    msg = w_e.shape[1]
    nreal = e // be
    nblk = n // bn

    def body(x_ref, we_ref, nd_ref, ws_ref, wr_ref, b_ref, o_ref, a_ref, bb_ref):
        i = pl.program_id(0)
        o_ref[...] = jnp.dot(x_ref[...], we_ref[...], preferred_element_type=jnp.float32)

        @pl.when(i < nblk)
        def _():
            x = nd_ref[...]
            a_ref[...] = jnp.dot(x, ws_ref[...], preferred_element_type=jnp.float32)
            bb_ref[...] = (
                jnp.dot(x, wr_ref[...], preferred_element_type=jnp.float32)
                + b_ref[...]
            )

    clamp_n = lambda i: (jnp.minimum(i, nblk - 1), 0)
    return pl.pallas_call(
        body,
        grid=(e_out // be,),
        in_specs=[
            pl.BlockSpec((be, de), lambda i: (jnp.minimum(i, nreal - 1), 0)),
            pl.BlockSpec((de, msg), lambda i: (0, 0)),
            pl.BlockSpec((bn, d), clamp_n),
            pl.BlockSpec((d, msg), lambda i: (0, 0)),
            pl.BlockSpec((d, msg), lambda i: (0, 0)),
            pl.BlockSpec((1, msg), lambda i: (0, 0)),
        ],
        out_specs=[
            pl.BlockSpec((be, msg), lambda i: (i, 0)),
            pl.BlockSpec((bn, msg), clamp_n),
            pl.BlockSpec((bn, msg), clamp_n),
        ],
        out_shape=[
            jax.ShapeDtypeStruct((e_out, msg), jnp.float32),
            jax.ShapeDtypeStruct((n, msg), jnp.float32),
            jax.ShapeDtypeStruct((n, msg), jnp.float32),
        ],
    )(edge_emb, w_e, node_emb, w_s, w_r, b_msg)


def _sc_messages(a_tab, b_flat, ce_flat, snd_p, rcv_p, bnd, *, n, msg, k, wr):
    nvec = msg // L
    last_rows = n - wr * (NW - 1)
    assert 0 < last_rows <= wr
    mesh = plsc.VectorSubcoreMesh(core_axis_name="c", subcore_axis_name="s")

    @functools.partial(
        pl.kernel,
        out_type=jax.ShapeDtypeStruct((n * msg,), jnp.float32),
        mesh=mesh,
        scratch_types=[
            pltpu.VMEM(((wr + 1) * msg,), jnp.float32),
            pltpu.VMEM((wr * msg,), jnp.float32),
            pltpu.VMEM((k, msg), jnp.float32),
            pltpu.VMEM((k * msg,), jnp.float32),
            pltpu.VMEM((k,), jnp.int32),
            pltpu.VMEM((k + L,), jnp.int32),
            pltpu.VMEM((k + L,), jnp.int32),
            pltpu.VMEM((k, msg), jnp.float32),
            pltpu.VMEM((k * msg,), jnp.float32),
            pltpu.VMEM((k,), jnp.int32),
            pltpu.VMEM((k + L,), jnp.int32),
            pltpu.VMEM((k + L,), jnp.int32),
            pltpu.VMEM((48,), jnp.int32),
            pltpu.SemaphoreType.DMA,
            pltpu.SemaphoreType.DMA,
            pltpu.SemaphoreType.DMA,
            pltpu.SemaphoreType.DMA,
            pltpu.SemaphoreType.DMA,
            pltpu.SemaphoreType.DMA,
        ],
    )
    def sc_kernel(
        a_hbm, b_hbm, ce_hbm, snd_hbm, rcv_hbm, bnd_hbm, out_hbm,
        outbuf, bstripe,
        ba0, bc0, is0, ir0, irc0, ba1, bc1, is1, ir1, irc1, bndv,
        sa0, sc0, si0, sa1, sc1, si1,
    ):
        cid = lax.axis_index("c")
        sid = lax.axis_index("s")
        wid = sid * NC + cid
        ba, bc = (ba0, ba1), (bc0, bc1)
        isx, irx, irc = (is0, is1), (ir0, ir1), (irc0, irc1)
        sa, sc, si = (sa0, sa1), (sc0, sc1), (si0, si1)

        pltpu.sync_copy(bnd_hbm, bndv)
        e0 = bndv[pl.ds(wid, L)][0]
        e1 = bndv[pl.ds(wid + 1, L)][0]
        base_row = wid * wr
        ec0 = (e0 // 8) * 8
        nch2 = (e1 - ec0 + 2 * k - 1) // (2 * k)

        def idx_start(c, b):
            off = ec0 + c * k
            pltpu.async_copy(snd_hbm.at[pl.ds(off, k)], isx[b], si[b])
            pltpu.async_copy(rcv_hbm.at[pl.ds(off, k)], irx[b].at[pl.ds(0, k)], si[b])

        def idx_wait(c, b):
            off = ec0 + c * k
            pltpu.make_async_copy(snd_hbm.at[pl.ds(off, k)], isx[b], si[b]).wait()
            pltpu.make_async_copy(
                rcv_hbm.at[pl.ds(off, k)], irx[b].at[pl.ds(0, k)], si[b]
            ).wait()

        def gather_start(c, b):
            pltpu.async_copy(a_hbm.at[isx[b]], ba[b], sa[b])
            pltpu.async_copy(
                ce_hbm.at[pl.ds((ec0 + c * k) * msg, k * msg)], bc[b], sc[b]
            )

        def gather_wait(c, b):
            pltpu.make_async_copy(a_hbm.at[isx[b]], ba[b], sa[b]).wait()
            pltpu.make_async_copy(
                ce_hbm.at[pl.ds((ec0 + c * k) * msg, k * msg)], bc[b], sc[b]
            ).wait()

        def _prime():
            idx_start(0, 0)
            idx_start(1, 1)

        pl.when(nch2 > 0)(_prime)

        def _bs_full():
            pltpu.async_copy(
                b_hbm.at[pl.ds(base_row * msg, wr * msg)],
                bstripe.at[pl.ds(0, wr * msg)],
                sa0,
            )

        def _bs_last():
            pltpu.async_copy(
                b_hbm.at[pl.ds(base_row * msg, last_rows * msg)],
                bstripe.at[pl.ds(0, last_rows * msg)],
                sa0,
            )

        pl.when(wid < NW - 1)(_bs_full)
        pl.when(wid == NW - 1)(_bs_last)

        def zvec(i, carry):
            outbuf[pl.ds(i * L, L)] = jnp.zeros((L,), jnp.float32)
            return carry

        lax.fori_loop(0, (wr + 1) * nvec, zvec, 0)

        def _bsw_full():
            pltpu.make_async_copy(
                b_hbm.at[pl.ds(base_row * msg, wr * msg)],
                bstripe.at[pl.ds(0, wr * msg)],
                sa0,
            ).wait()

        def _bsw_last():
            pltpu.make_async_copy(
                b_hbm.at[pl.ds(base_row * msg, last_rows * msg)],
                bstripe.at[pl.ds(0, last_rows * msg)],
                sa0,
            ).wait()

        pl.when(wid < NW - 1)(_bsw_full)
        pl.when(wid == NW - 1)(_bsw_last)

        def _first_gathers():
            idx_wait(0, 0)
            gather_start(0, 0)

        pl.when(nch2 > 0)(_first_gathers)

        zero16 = jnp.zeros((L,), jnp.float32)
        init = (jnp.array(-1, jnp.int32), (zero16,) * nvec)

        def process(c, b, carry, more):
            gather_wait(c, b)
            for j in range((k + L) // L):
                irc[b][pl.ds(j * L, L)] = irx[b][pl.ds(j * L, L)]
            pl.when(more)(lambda: idx_start(c + 2, b))

            def _next_gathers():
                idx_wait(c + 1, 1 - b)
                gather_start(c + 1, 1 - b)

            if b == 0:
                _next_gathers()
            else:
                pl.when(more)(_next_gathers)

            def one_edge(i, ecar):
                r_cur, accs = ecar
                e_abs = ec0 + c * k + i
                in_r = jnp.logical_and(e_abs >= e0, e_abs < e1)
                r_i = irc[b][pl.ds(i, L)][0]
                same = r_i == r_cur

                def flush():
                    rl_old = jnp.clip(
                        jnp.where(r_cur >= 0, r_cur - base_row, wr), 0, wr
                    )
                    for j in range(nvec):
                        outbuf[pl.ds(rl_old * msg + j * L, L)] = accs[j]

                pl.when(jnp.logical_and(in_r, jnp.logical_not(same)))(flush)
                r_new = jnp.where(in_r, r_i, r_cur)
                rl = jnp.clip(r_new - base_row, 0, wr - 1)
                new_accs = []
                for j in range(nvec):
                    m = jnp.maximum(
                        bc[b][pl.ds(i * msg + j * L, L)]
                        + ba[b][i, pl.ds(j * L, L)]
                        + bstripe[pl.ds(rl * msg + j * L, L)],
                        0.0,
                    )
                    a_prev = jnp.where(same, accs[j], 0.0)
                    new_accs.append(jnp.where(in_r, a_prev + m, accs[j]))
                return (r_new, tuple(new_accs))

            return lax.fori_loop(0, k, one_edge, carry)

        def pair(g, carry):
            more = g < nch2 - 1
            carry = process(2 * g, 0, carry, more)
            carry = process(2 * g + 1, 1, carry, more)
            return carry

        r_fin, accs_fin = lax.fori_loop(0, nch2, pair, init)
        rl_fin = jnp.clip(jnp.where(r_fin >= 0, r_fin - base_row, wr), 0, wr)
        for j in range(nvec):
            outbuf[pl.ds(rl_fin * msg + j * L, L)] = accs_fin[j]

        def _store_full():
            pltpu.sync_copy(
                outbuf.at[pl.ds(0, wr * msg)],
                out_hbm.at[pl.ds(base_row * msg, wr * msg)],
            )

        def _store_last():
            pltpu.sync_copy(
                outbuf.at[pl.ds(0, last_rows * msg)],
                out_hbm.at[pl.ds(base_row * msg, last_rows * msg)],
            )

        pl.when(wid < NW - 1)(_store_full)
        pl.when(wid == NW - 1)(_store_last)

    return sc_kernel(a_tab, b_flat, ce_flat, snd_p, rcv_p, bnd)


def _update(node_emb, msgs, w_upd, b_upd, *, bn):
    n, d = node_emb.shape
    msg = msgs.shape[-1]

    def body(x_ref, p_ref, w_ref, b_ref, o_ref):
        x = x_ref[...]
        p = p_ref[...]
        w1 = w_ref[:d]
        w2 = w_ref[d:]
        o_ref[...] = jnp.tanh(
            jnp.dot(x, w1, preferred_element_type=jnp.float32)
            + jnp.dot(p, w2, preferred_element_type=jnp.float32)
            + b_ref[...]
        )

    return pl.pallas_call(
        body,
        grid=(n // bn,),
        in_specs=[
            pl.BlockSpec((bn, d), lambda i: (i, 0)),
            pl.BlockSpec((bn, msg), lambda i: (i, 0)),
            pl.BlockSpec((d + msg, d), lambda i: (0, 0)),
            pl.BlockSpec((1, d), lambda i: (0, 0)),
        ],
        out_specs=pl.BlockSpec((bn, d), lambda i: (i, 0)),
        out_shape=jax.ShapeDtypeStruct((n, d), jnp.float32),
    )(node_emb, msgs, w_upd, b_upd)


def kernel(node_emb, edge_emb, senders, receivers, W_msg, b_msg, W_upd, b_upd):
    n, d = node_emb.shape
    e, de = edge_emb.shape
    msg = W_msg.shape[1]
    w_e = W_msg[:de]
    w_s = W_msg[de : de + d]
    w_r = W_msg[de + d :]

    k = 64
    wr = -(-n // NW)
    pad = 2000

    snd_p = jnp.concatenate([senders, jnp.zeros((pad,), jnp.int32)])
    rcv_p = jnp.concatenate([receivers, jnp.zeros((pad,), jnp.int32)])

    ce, a_tab, b_tab = _tables_and_edge_proj(
        node_emb, edge_emb, w_s, w_r, b_msg.reshape(1, msg), w_e,
        bn=2000, be=2000, e_out=e + pad,
    )

    bnd = jnp.searchsorted(
        receivers, (wr * jnp.arange(NW + 1)).astype(jnp.int32)
    ).astype(jnp.int32)
    bnd = jnp.concatenate([bnd, jnp.full((48 - (NW + 1),), e, jnp.int32)])

    msgs_flat = _sc_messages(
        a_tab, b_tab.reshape(-1), ce.reshape(-1), snd_p, rcv_p, bnd,
        n=n, msg=msg, k=k, wr=wr,
    )
    return _update(node_emb, msgs_flat.reshape(n, msg), W_upd, b_upd.reshape(1, d), bn=1000)

# --- scband reference (transcript-rebuilt; emitter-appended) ---
"""Pipeline reference for scband-message-passing-10754598109837 (READ-ONLY COPY).

The authoritative reference and input builder live on the scoring server;
editing this copy changes nothing except your own understanding.
"""

import jax, jax.numpy as jnp
import numpy as np

N, E, D, DE, MSG = 10000, 320000, 128, 16, 128

def setup_inputs(seed: int = 0) -> dict:
    key = jax.random.key(seed)
    ks = jax.random.split(key, 8)
    node_emb = jax.random.normal(ks[0], (N, D), dtype=jnp.float32)
    edge_emb = jax.random.normal(ks[1], (E, DE), dtype=jnp.float32)
    senders = jax.random.randint(ks[2], (E,), 0, N, dtype=jnp.int32)
    receivers = jnp.sort(jax.random.randint(ks[3], (E,), 0, N, dtype=jnp.int32))
    W_msg = jax.random.normal(ks[4], (DE + D + D, MSG), dtype=jnp.float32) * 0.02
    b_msg = jnp.zeros((MSG,), dtype=jnp.float32)
    W_upd = jax.random.normal(ks[5], (D + MSG, D), dtype=jnp.float32) * 0.02
    b_upd = jnp.zeros((D,), dtype=jnp.float32)
    return {"node_emb": node_emb, "edge_emb": edge_emb, "senders": senders,
            "receivers": receivers, "W_msg": W_msg, "b_msg": b_msg,
            "W_upd": W_upd, "b_upd": b_upd}

def reference(node_emb, edge_emb, senders, receivers, W_msg, b_msg, W_upd, b_upd):
    # message(edge, sender, receiver): linear on concat, relu (concrete MessagePassing.message)
    sender_feats = node_emb[senders]
    receiver_feats = node_emb[receivers]
    msg_in = jnp.concatenate([edge_emb, sender_feats, receiver_feats], axis=-1)
    edge_messages = jax.nn.relu(msg_in @ W_msg + b_msg)
    # segment_reduce('sum', ...) over receivers with num_segments = n_total_nodes
    node_messages = jax.ops.segment_sum(edge_messages, receivers, num_segments=node_emb.shape[0])
    # node_update(node, message): linear on concat, tanh (concrete MessagePassing.node_update)
    upd_in = jnp.concatenate([node_emb, node_messages], axis=-1)
    new_node_emb = jnp.tanh(upd_in @ W_upd + b_upd)
    return new_node_emb

if __name__ == "__main__":
    import jax
    _d = setup_inputs()
    print(jax.jit(kernel)(*tuple(_d.values())))

</pallas_src>

<mosaic_0001>
#map = affine_map<(d0, d1) -> (0, 0)>
#map1 = affine_map<(d0, d1) -> (0)>
module attributes {stable_mosaic.version = 14 : i64} {
  func.func @sc_kernel(%arg0: i32, %arg1: i32, %arg2: memref<10000x128xf32, #tpu.memory_space<hbm>>, %arg3: memref<1280000xf32, #tpu.memory_space<hbm>>, %arg4: memref<41216000xf32, #tpu.memory_space<hbm>>, %arg5: memref<322000xi32, #tpu.memory_space<hbm>>, %arg6: memref<322000xi32, #tpu.memory_space<hbm>>, %arg7: memref<48xi32, #tpu.memory_space<hbm>>, %arg8: memref<1280000xf32, #tpu.memory_space<hbm>>, %arg9: memref<40192xf32, #tpu.memory_space<vmem>>, %arg10: memref<40064xf32, #tpu.memory_space<vmem>>, %arg11: memref<64x128xf32, #tpu.memory_space<vmem>>, %arg12: memref<8192xf32, #tpu.memory_space<vmem>>, %arg13: memref<64xi32, #tpu.memory_space<vmem>>, %arg14: memref<80xi32, #tpu.memory_space<vmem>>, %arg15: memref<80xi32, #tpu.memory_space<vmem>>, %arg16: memref<64x128xf32, #tpu.memory_space<vmem>>, %arg17: memref<8192xf32, #tpu.memory_space<vmem>>, %arg18: memref<64xi32, #tpu.memory_space<vmem>>, %arg19: memref<80xi32, #tpu.memory_space<vmem>>, %arg20: memref<80xi32, #tpu.memory_space<vmem>>, %arg21: memref<48xi32, #tpu.memory_space<vmem>>, %arg22: memref<!tpu.dma_semaphore, #tpu.memory_space<semaphore_mem>>, %arg23: memref<!tpu.dma_semaphore, #tpu.memory_space<semaphore_mem>>, %arg24: memref<!tpu.dma_semaphore, #tpu.memory_space<semaphore_mem>>, %arg25: memref<!tpu.dma_semaphore, #tpu.memory_space<semaphore_mem>>, %arg26: memref<!tpu.dma_semaphore, #tpu.memory_space<semaphore_mem>>, %arg27: memref<!tpu.dma_semaphore, #tpu.memory_space<semaphore_mem>>) attributes {dimension_semantics = [#tpu.dimension_semantics<core_parallel>, #tpu.dimension_semantics<subcore_parallel>], iteration_bounds = array<i64: 2, 16>, scalar_prefetch = 0 : i64, scratch_operands = 19 : i64, tpu.core_type = #tpu.core_type<sc_vector_subcore>, window_params = [{transform_indices = #map}, {transform_indices = #map1}, {transform_indices = #map1}, {transform_indices = #map1}, {transform_indices = #map1}, {transform_indices = #map1}, {transform_indices = #map1}]} {
    %mul3A = arith.constant 2 : i32
    %mul3A_0 = arith.muli %arg1, %mul3A : i32
    %add3A = arith.addi %mul3A_0, %arg0 : i32
    "tpu.region"() ({
      %run_scoped3A = tpu.sem_alloc : memref<!tpu.dma_semaphore, #tpu.memory_space<semaphore_mem>>
      tpu.enqueue_dma source(%arg7 : memref<48xi32, #tpu.memory_space<hbm>>) target(%arg21 : memref<48xi32, #tpu.memory_space<vmem>>) target_semaphore(%run_scoped3A : memref<!tpu.dma_semaphore, #tpu.memory_space<semaphore_mem>>)
      tpu.wait_dma2 semaphore(%run_scoped3A : memref<!tpu.dma_semaphore, #tpu.memory_space<semaphore_mem>>) src(%arg7 : memref<48xi32, #tpu.memory_space<hbm>>) dst(%arg21 : memref<48xi32, #tpu.memory_space<vmem>>)
      tpu.yield
    }) : () -> ()
    %get3A = arith.index_cast %add3A : i32 to index
    %get3A_1 = tpu.vector_load %arg21[%get3A] {strides = array<i32>} : memref<48xi32, #tpu.memory_space<vmem>>, vector<16xi32>,
    %get3A_2 = vector.shape_cast %get3A_1 : vector<16xi32> to vector<16xi32>
    %slice3A = vector.extract_strided_slice %get3A_2 {offsets = [0], sizes = [1], strides = [1]} : vector<16xi32> to vector<1xi32>
    %squeeze3A = vector.extract %slice3A[0] : i32 from vector<1xi32>
    %add3A_3 = arith.constant 1 : i32
    %add3A_4 = arith.addi %add3A, %add3A_3 : i32
    %get3A_5 = arith.index_cast %add3A_4 : i32 to index
    %get3A_6 = tpu.vector_load %arg21[%get3A_5] {strides = array<i32>} : memref<48xi32, #tpu.memory_space<vmem>>, vector<16xi32>,
    %get3A_7 = vector.shape_cast %get3A_6 : vector<16xi32> to vector<16xi32>
    %slice3A_8 = vector.extract_strided_slice %get3A_7 {offsets = [0], sizes = [1], strides = [1]} : vector<16xi32> to vector<1xi32>
    %squeeze3A_9 = vector.extract %slice3A_8[0] : i32 from vector<1xi32>
    %mul3A_10 = arith.constant 313 : i32
    %mul3A_11 = arith.muli %add3A, %mul3A_10 : i32
    %jit3A = arith.constant 8 : i32
    %div3A = arith.divsi %squeeze3A, %jit3A : i32
    %sign3A = arith.constant 0 : i32
    %sign3A_12 = arith.cmpi sgt, %squeeze3A, %sign3A : i32
    %sign3A_13 = arith.extui %sign3A_12 : i1 to i32
    %sign3A_14 = arith.constant 0 : i32
    %sign3A_15 = arith.cmpi slt, %squeeze3A, %sign3A_14 : i32
    %sign3A_16 = arith.extui %sign3A_15 : i1 to i32
    %sign3A_17 = arith.subi %sign3A_13, %sign3A_16 : i32
    %sign3A_18 = arith.constant 0 : i32
    %sign3A_19 = arith.cmpi sgt, %jit3A, %sign3A_18 : i32
    %sign3A_20 = arith.extui %sign3A_19 : i1 to i32
    %sign3A_21 = arith.constant 0 : i32
    %sign3A_22 = arith.cmpi slt, %jit3A, %sign3A_21 : i32
    %sign3A_23 = arith.extui %sign3A_22 : i1 to i32
    %sign3A_24 = arith.subi %sign3A_20, %sign3A_23 : i32
    %ne3A = arith.cmpi ne, %sign3A_17, %sign3A_24 : i32
    %rem3A = arith.remsi %squeeze3A, %jit3A : i32
    %ne3A_25 = arith.constant 0 : i32
    %ne3A_26 = arith.cmpi ne, %rem3A, %ne3A_25 : i32
    %and3A = arith.andi %ne3A, %ne3A_26 : i1
    %sub3A = arith.constant 1 : i32
    %sub3A_27 = arith.subi %div3A, %sub3A : i32
    %select_n3A = arith.select %and3A, %sub3A_27, %div3A : i32
    %mul3A_28 = arith.constant 8 : i32
    %mul3A_29 = arith.muli %select_n3A, %mul3A_28 : i32
    %sub3A_30 = arith.subi %squeeze3A_9, %mul3A_29 : i32
    %add3A_31 = arith.constant 128 : i32
    %add3A_32 = arith.addi %sub3A_30, %add3A_31 : i32
    %sub3A_33 = arith.constant 1 : i32
    %sub3A_34 = arith.subi %add3A_32, %sub3A_33 : i32
    %jit3A_35 = arith.constant 128 : i32
    %div3A_36 = arith.divsi %sub3A_34, %jit3A_35 : i32
    %sign3A_37 = arith.constant 0 : i32
    %sign3A_38 = arith.cmpi sgt, %sub3A_34, %sign3A_37 : i32
    %sign3A_39 = arith.extui %sign3A_38 : i1 to i32
    %sign3A_40 = arith.constant 0 : i32
    %sign3A_41 = arith.cmpi slt, %sub3A_34, %sign3A_40 : i32
    %sign3A_42 = arith.extui %sign3A_41 : i1 to i32
    %sign3A_43 = arith.subi %sign3A_39, %sign3A_42 : i32
    %sign3A_44 = arith.constant 0 : i32
    %sign3A_45 = arith.cmpi sgt, %jit3A_35, %sign3A_44 : i32
    %sign3A_46 = arith.extui %sign3A_45 : i1 to i32
    %sign3A_47 = arith.constant 0 : i32
    %sign3A_48 = arith.cmpi slt, %jit3A_35, %sign3A_47 : i32
    %sign3A_49 = arith.extui %sign3A_48 : i1 to i32
    %sign3A_50 = arith.subi %sign3A_46, %sign3A_49 : i32
    %ne3A_51 = arith.cmpi ne, %sign3A_43, %sign3A_50 : i32
    %rem3A_52 = arith.remsi %sub3A_34, %jit3A_35 : i32
    %ne3A_53 = arith.constant 0 : i32
    %ne3A_54 = arith.cmpi ne, %rem3A_52, %ne3A_53 : i32
    %and3A_55 = arith.andi %ne3A_51, %ne3A_54 : i1
    %sub3A_56 = arith.constant 1 : i32
    %sub3A_57 = arith.subi %div3A_36, %sub3A_56 : i32
    %select_n3A_58 = arith.select %and3A_55, %sub3A_57, %div3A_36 : i32
    %gt3A = arith.constant 0 : i32
    %gt3A_59 = arith.cmpi sgt, %select_n3A_58, %gt3A : i32
    %convert_element_type3A = arith.extui %gt3A_59 : i1 to i32
    %cond3A = arith.constant 0 : i32
    %cond3A_60 = arith.cmpi ne, %convert_element_type3A, %cond3A : i32
    scf.if %cond3A_60 {
      %add3A_180 = arith.constant 0 : i32
      %add3A_181 = arith.addi %mul3A_29, %add3A_180 : i32
      %dma_start3A = tpu.memref_slice %arg5[%add3A_181] : memref<322000xi32, #tpu.memory_space<hbm>> -> memref<64xi32, #tpu.memory_space<hbm>>
      %dma_start3A_182 = tpu.memref_slice %arg5[%add3A_181] : memref<322000xi32, #tpu.memory_space<hbm>> -> memref<64xi32, #tpu.memory_space<hbm>>
      tpu.enqueue_dma source(%dma_start3A_182 : memref<64xi32, #tpu.memory_space<hbm>>) target(%arg13 : memref<64xi32, #tpu.memory_space<vmem>>) target_semaphore(%arg24 : memref<!tpu.dma_semaphore, #tpu.memory_space<semaphore_mem>>)
      %dma_start3A_183 = arith.constant 0 : i32
      %dma_start3A_184 = tpu.memref_slice %arg14[%dma_start3A_183] : memref<80xi32, #tpu.memory_space<vmem>> -> memref<64xi32, #tpu.memory_space<vmem>>
      %dma_start3A_185 = tpu.memref_slice %arg6[%add3A_181] : memref<322000xi32, #tpu.memory_space<hbm>> -> memref<64xi32, #tpu.memory_space<hbm>>
      %dma_start3A_186 = arith.constant 0 : i32
      %dma_start3A_187 = tpu.memref_slice %arg14[%dma_start3A_186] : memref<80xi32, #tpu.memory_space<vmem>> -> memref<64xi32, #tpu.memory_space<vmem>>
      %dma_start3A_188 = tpu.memref_slice %arg6[%add3A_181] : memref<322000xi32, #tpu.memory_space<hbm>> -> memref<64xi32, #tpu.memory_space<hbm>>
      tpu.enqueue_dma source(%dma_start3A_188 : memref<64xi32, #tpu.memory_space<hbm>>) target(%dma_start3A_187 : memref<64xi32, #tpu.memory_space<vmem>>) target_semaphore(%arg24 : memref<!tpu.dma_semaphore, #tpu.memory_space<semaphore_mem>>)
      %add3A_189 = arith.constant 64 : i32
      %add3A_190 = arith.addi %mul3A_29, %add3A_189 : i32
      %dma_start3A_191 = tpu.memref_slice %arg5[%add3A_190] : memref<322000xi32, #tpu.memory_space<hbm>> -> memref<64xi32, #tpu.memory_space<hbm>>
      %dma_start3A_192 = tpu.memref_slice %arg5[%add3A_190] : memref<322000xi32, #tpu.memory_space<hbm>> -> memref<64xi32, #tpu.memory_space<hbm>>
      tpu.enqueue_dma source(%dma_start3A_192 : memref<64xi32, #tpu.memory_space<hbm>>) target(%arg18 : memref<64xi32, #tpu.memory_space<vmem>>) target_semaphore(%arg27 : memref<!tpu.dma_semaphore, #tpu.memory_space<semaphore_mem>>)
      %dma_start3A_193 = arith.constant 0 : i32
      %dma_start3A_194 = tpu.memref_slice %arg19[%dma_start3A_193] : memref<80xi32, #tpu.memory_space<vmem>> -> memref<64xi32, #tpu.memory_space<vmem>>
      %dma_start3A_195 = tpu.memref_slice %arg6[%add3A_190] : memref<322000xi32, #tpu.memory_space<hbm>> -> memref<64xi32, #tpu.memory_space<hbm>>
      %dma_start3A_196 = arith.constant 0 : i32
      %dma_start3A_197 = tpu.memref_slice %arg19[%dma_start3A_196] : memref<80xi32, #tpu.memory_space<vmem>> -> memref<64xi32, #tpu.memory_space<vmem>>
      %dma_start3A_198 = tpu.memref_slice %arg6[%add3A_190] : memref<322000xi32, #tpu.memory_space<hbm>> -> memref<64xi32, #tpu.memory_space<hbm>>
      tpu.enqueue_dma source(%dma_start3A_198 : memref<64xi32, #tpu.memory_space<hbm>>) target(%dma_start3A_197 : memref<64xi32, #tpu.memory_space<vmem>>) target_semaphore(%arg27 : memref<!tpu.dma_semaphore, #tpu.memory_space<semaphore_mem>>)
    } else {
    }
    %lt3A = arith.constant 31 : i32
    %lt3A_61 = arith.cmpi slt, %add3A, %lt3A : i32
    %convert_element_type3A_62 = arith.extui %lt3A_61 : i1 to i32
    %cond3A_63 = arith.constant 0 : i32
    %cond3A_64 = arith.cmpi ne, %convert_element_type3A_62, %cond3A_63 : i32
    scf.if %cond3A_64 {
      %mul3A_180 = arith.constant 128 : i32
      %mul3A_181 = arith.muli %mul3A_11, %mul3A_180 : i32
      %dma_start3A = arith.constant 0 : i32
      %dma_start3A_182 = tpu.memref_slice %arg10[%dma_start3A] : memref<40064xf32, #tpu.memory_space<vmem>> -> memref<40064xf32, #tpu.memory_space<vmem>>
      %dma_start3A_183 = tpu.memref_slice %arg3[%mul3A_181] : memref<1280000xf32, #tpu.memory_space<hbm>> -> memref<40064xf32, #tpu.memory_space<hbm>>
      %dma_start3A_184 = arith.constant 0 : i32
      %dma_start3A_185 = tpu.memref_slice %arg10[%dma_start3A_184] : memref<40064xf32, #tpu.memory_space<vmem>> -> memref<40064xf32, #tpu.memory_space<vmem>>
      %dma_start3A_186 = tpu.memref_slice %arg3[%mul3A_181] : memref<1280000xf32, #tpu.memory_space<hbm>> -> memref<40064xf32, #tpu.memory_space<hbm>>
      tpu.enqueue_dma source(%dma_start3A_186 : memref<40064xf32, #tpu.memory_space<hbm>>) target(%dma_start3A_185 : memref<40064xf32, #tpu.memory_space<vmem>>) target_semaphore(%arg22 : memref<!tpu.dma_semaphore, #tpu.memory_space<semaphore_mem>>)
    } else {
    }
    %eq3A = arith.constant 31 : i32
    %eq3A_65 = arith.cmpi eq, %add3A, %eq3A : i32
    %convert_element_type3A_66 = arith.extui %eq3A_65 : i1 to i32
    %cond3A_67 = arith.constant 0 : i32
    %cond3A_68 = arith.cmpi ne, %convert_element_type3A_66, %cond3A_67 : i32
    scf.if %cond3A_68 {
      %mul3A_180 = arith.constant 128 : i32
      %mul3A_181 = arith.muli %mul3A_11, %mul3A_180 : i32
      %dma_start3A = arith.constant 0 : i32
      %dma_start3A_182 = tpu.memref_slice %arg10[%dma_start3A] : memref<40064xf32, #tpu.memory_space<vmem>> -> memref<38016xf32, #tpu.memory_space<vmem>>
      %dma_start3A_183 = tpu.memref_slice %arg3[%mul3A_181] : memref<1280000xf32, #tpu.memory_space<hbm>> -> memref<38016xf32, #tpu.memory_space<hbm>>
      %dma_start3A_184 = arith.constant 0 : i32
      %dma_start3A_185 = tpu.memref_slice %arg10[%dma_start3A_184] : memref<40064xf32, #tpu.memory_space<vmem>> -> memref<38016xf32, #tpu.memory_space<vmem>>
      %dma_start3A_186 = tpu.memref_slice %arg3[%mul3A_181] : memref<1280000xf32, #tpu.memory_space<hbm>> -> memref<38016xf32, #tpu.memory_space<hbm>>
      tpu.enqueue_dma source(%dma_start3A_186 : memref<38016xf32, #tpu.memory_space<hbm>>) target(%dma_start3A_185 : memref<38016xf32, #tpu.memory_space<vmem>>) target_semaphore(%arg22 : memref<!tpu.dma_semaphore, #tpu.memory_space<semaphore_mem>>)
    } else {
    }
    %scan3A = arith.constant 0 : i32
    %scan3A_69 = arith.constant 0 : i32
    %scan3A_70 = arith.constant 2512 : i32
    %scan3A_71 = arith.addi %scan3A_69, %scan3A_70 : i32
    %scan3A_72 = arith.constant 1 : i32
    scf.for %scan3A_180 = %scan3A_69 to %scan3A_71 step %scan3A_72  : i32 {
      %broadcast_in_dim3A_181 = arith.constant 0.000000e+00 : f32
      %broadcast_in_dim3A_182 = vector.broadcast %broadcast_in_dim3A_181 : f32 to vector<16xf32>
      %mul3A_183 = arith.constant 16 : i32
      %mul3A_184 = arith.muli %scan3A_180, %mul3A_183 : i32
      %swap3A_185 = arith.index_cast %mul3A_184 : i32 to index
      %swap3A_186 = tpu.vector_load %arg9[%swap3A_185] {strides = array<i32>} : memref<40192xf32, #tpu.memory_space<vmem>>, vector<16xf32>,
      %swap3A_187 = vector.shape_cast %swap3A_186 : vector<16xf32> to vector<16xf32>
      %swap3A_188 = vector.shape_cast %broadcast_in_dim3A_182 : vector<16xf32> to vector<16xf32>
      tpu.vector_store %arg9[%swap3A_185], %swap3A_188 {strides = array<i32>} : memref<40192xf32, #tpu.memory_space<vmem>>, vector<16xf32>,
    }
    %scan3A_73 = arith.constant 2512 : i32
    %lt3A_74 = arith.constant 31 : i32
    %lt3A_75 = arith.cmpi slt, %add3A, %lt3A_74 : i32
    %convert_element_type3A_76 = arith.extui %lt3A_75 : i1 to i32
    %cond3A_77 = arith.constant 0 : i32
    %cond3A_78 = arith.cmpi ne, %convert_element_type3A_76, %cond3A_77 : i32
    scf.if %cond3A_78 {
      %mul3A_180 = arith.constant 128 : i32
      %mul3A_181 = arith.muli %mul3A_11, %mul3A_180 : i32
      %dma_wait3A = arith.constant 0 : i32
      %dma_wait3A_182 = tpu.memref_slice %arg10[%dma_wait3A] : memref<40064xf32, #tpu.memory_space<vmem>> -> memref<40064xf32, #tpu.memory_space<vmem>>
      %dma_wait3A_183 = tpu.memref_slice %arg3[%mul3A_181] : memref<1280000xf32, #tpu.memory_space<hbm>> -> memref<40064xf32, #tpu.memory_space<hbm>>
      %dma_wait3A_184 = arith.constant 0 : i32
      %dma_wait3A_185 = tpu.memref_slice %arg10[%dma_wait3A_184] : memref<40064xf32, #tpu.memory_space<vmem>> -> memref<40064xf32, #tpu.memory_space<vmem>>
      %dma_wait3A_186 = tpu.memref_slice %arg3[%mul3A_181] : memref<1280000xf32, #tpu.memory_space<hbm>> -> memref<40064xf32, #tpu.memory_space<hbm>>
      tpu.wait_dma2 semaphore(%arg22 : memref<!tpu.dma_semaphore, #tpu.memory_space<semaphore_mem>>) src(%dma_wait3A_186 : memref<40064xf32, #tpu.memory_space<hbm>>) dst(%dma_wait3A_185 : memref<40064xf32, #tpu.memory_space<vmem>>)
    } else {
    }
    %eq3A_79 = arith.constant 31 : i32
    %eq3A_80 = arith.cmpi eq, %add3A, %eq3A_79 : i32
    %convert_element_type3A_81 = arith.extui %eq3A_80 : i1 to i32
    %cond3A_82 = arith.constant 0 : i32
    %cond3A_83 = arith.cmpi ne, %convert_element_type3A_81, %cond3A_82 : i32
    scf.if %cond3A_83 {
      %mul3A_180 = arith.constant 128 : i32
      %mul3A_181 = arith.muli %mul3A_11, %mul3A_180 : i32
      %dma_wait3A = arith.constant 0 : i32
      %dma_wait3A_182 = tpu.memref_slice %arg10[%dma_wait3A] : memref<40064xf32, #tpu.memory_space<vmem>> -> memref<38016xf32, #tpu.memory_space<vmem>>
      %dma_wait3A_183 = tpu.memref_slice %arg3[%mul3A_181] : memref<1280000xf32, #tpu.memory_space<hbm>> -> memref<38016xf32, #tpu.memory_space<hbm>>
      %dma_wait3A_184 = arith.constant 0 : i32
      %dma_wait3A_185 = tpu.memref_slice %arg10[%dma_wait3A_184] : memref<40064xf32, #tpu.memory_space<vmem>> -> memref<38016xf32, #tpu.memory_space<vmem>>
      %dma_wait3A_186 = tpu.memref_slice %arg3[%mul3A_181] : memref<1280000xf32, #tpu.memory_space<hbm>> -> memref<38016xf32, #tpu.memory_space<hbm>>
      tpu.wait_dma2 semaphore(%arg22 : memref<!tpu.dma_semaphore, #tpu.memory_space<semaphore_mem>>) src(%dma_wait3A_186 : memref<38016xf32, #tpu.memory_space<hbm>>) dst(%dma_wait3A_185 : memref<38016xf32, #tpu.memory_space<vmem>>)
    } else {
    }
    %gt3A_84 = arith.constant 0 : i32
    %gt3A_85 = arith.cmpi sgt, %select_n3A_58, %gt3A_84 : i32
    %convert_element_type3A_86 = arith.extui %gt3A_85 : i1 to i32
    %cond3A_87 = arith.constant 0 : i32
    %cond3A_88 = arith.cmpi ne, %convert_element_type3A_86, %cond3A_87 : i32
    scf.if %cond3A_88 {
      %add3A_180 = arith.constant 0 : i32
      %add3A_181 = arith.addi %mul3A_29, %add3A_180 : i32
      %dma_wait3A = tpu.memref_slice %arg5[%add3A_181] : memref<322000xi32, #tpu.memory_space<hbm>> -> memref<64xi32, #tpu.memory_space<hbm>>
      %dma_wait3A_182 = tpu.memref_slice %arg5[%add3A_181] : memref<322000xi32, #tpu.memory_space<hbm>> -> memref<64xi32, #tpu.memory_space<hbm>>
      tpu.wait_dma2 semaphore(%arg24 : memref<!tpu.dma_semaphore, #tpu.memory_space<semaphore_mem>>) src(%dma_wait3A_182 : memref<64xi32, #tpu.memory_space<hbm>>) dst(%arg13 : memref<64xi32, #tpu.memory_space<vmem>>)
      %dma_wait3A_183 = arith.constant 0 : i32
      %dma_wait3A_184 = tpu.memref_slice %arg14[%dma_wait3A_183] : memref<80xi32, #tpu.memory_space<vmem>> -> memref<64xi32, #tpu.memory_space<vmem>>
      %dma_wait3A_185 = tpu.memref_slice %arg6[%add3A_181] : memref<322000xi32, #tpu.memory_space<hbm>> -> memref<64xi32, #tpu.memory_space<hbm>>
      %dma_wait3A_186 = arith.constant 0 : i32
      %dma_wait3A_187 = tpu.memref_slice %arg14[%dma_wait3A_186] : memref<80xi32, #tpu.memory_space<vmem>> -> memref<64xi32, #tpu.memory_space<vmem>>
      %dma_wait3A_188 = tpu.memref_slice %arg6[%add3A_181] : memref<322000xi32, #tpu.memory_space<hbm>> -> memref<64xi32, #tpu.memory_space<hbm>>
      tpu.wait_dma2 semaphore(%arg24 : memref<!tpu.dma_semaphore, #tpu.memory_space<semaphore_mem>>) src(%dma_wait3A_188 : memref<64xi32, #tpu.memory_space<hbm>>) dst(%dma_wait3A_187 : memref<64xi32, #tpu.memory_space<vmem>>)
      %dma_start3A = arith.constant 0 : i32
      %dma_start3A_189 = arith.constant 0 : i32
      %dma_start3A_190 = tpu.memref_slice %arg2[%dma_start3A, %dma_start3A_189] : memref<10000x128xf32, #tpu.memory_space<hbm>> -> memref<10000x128xf32, #tpu.memory_space<hbm>>
      tpu.enqueue_indirect_dma source(%dma_start3A_190 : memref<10000x128xf32, #tpu.memory_space<hbm>>) target(%arg11 : memref<64x128xf32, #tpu.memory_space<vmem>>) offsets(%arg13 : memref<64xi32, #tpu.memory_space<vmem>>) semaphore(%arg22 : memref<!tpu.dma_semaphore, #tpu.memory_space<semaphore_mem>>)
      %add3A_191 = arith.constant 0 : i32
      %add3A_192 = arith.addi %mul3A_29, %add3A_191 : i32
      %mul3A_193 = arith.constant 128 : i32
      %mul3A_194 = arith.muli %add3A_192, %mul3A_193 : i32
      %dma_start3A_195 = tpu.memref_slice %arg4[%mul3A_194] : memref<41216000xf32, #tpu.memory_space<hbm>> -> memref<8192xf32, #tpu.memory_space<hbm>>
      %dma_start3A_196 = tpu.memref_slice %arg4[%mul3A_194] : memref<41216000xf32, #tpu.memory_space<hbm>> -> memref<8192xf32, #tpu.memory_space<hbm>>
      tpu.enqueue_dma source(%dma_start3A_196 : memref<8192xf32, #tpu.memory_space<hbm>>) target(%arg12 : memref<8192xf32, #tpu.memory_space<vmem>>) target_semaphore(%arg23 : memref<!tpu.dma_semaphore, #tpu.memory_space<semaphore_mem>>)
    } else {
    }
    %broadcast_in_dim3A = arith.constant 0.000000e+00 : f32
    %broadcast_in_dim3A_89 = vector.broadcast %broadcast_in_dim3A : f32 to vector<16xf32>
    %while3A = arith.constant 0 : i32
    %while3A_90 = arith.constant -1 : i32
    %while3A_91 = arith.subi %select_n3A_58, %while3A : i32
    %while3A_92 = arith.addi %while3A, %while3A_91 : i32
    %while3A_93 = arith.constant 1 : i32
    %while3A_94 = arith.divsi %while3A_91, %while3A_93 : i32
    %while3A_95 = arith.muli %while3A_94, %while3A_93 : i32
    %while3A_96 = arith.addi %while3A, %while3A_95 : i32
    %while3A_97 = arith.constant 1 : i32
    %while3A_98:9 = scf.for %while3A_180 = %while3A to %while3A_96 step %while3A_97 iter_args(%while3A_181 = %while3A_90, %while3A_182 = %broadcast_in_dim3A_89, %while3A_183 = %broadcast_in_dim3A_89, %while3A_184 = %broadcast_in_dim3A_89, %while3A_185 = %broadcast_in_dim3A_89, %while3A_186 = %broadcast_in_dim3A_89, %while3A_187 = %broadcast_in_dim3A_89, %while3A_188 = %broadcast_in_dim3A_89, %while3A_189 = %broadcast_in_dim3A_89) -> (i32, vector<16xf32>, vector<16xf32>, vector<16xf32>, vector<16xf32>, vector<16xf32>, vector<16xf32>, vector<16xf32>, vector<16xf32>)  : i32 {
      %sub3A_190 = arith.constant 1 : i32
      %sub3A_191 = arith.subi %select_n3A_58, %sub3A_190 : i32
      %lt3A_192 = arith.cmpi slt, %while3A_180, %sub3A_191 : i32
      %mul3A_193 = arith.constant 2 : i32
      %mul3A_194 = arith.muli %mul3A_193, %while3A_180 : i32
      %dma_wait3A = arith.constant 0 : i32
      %dma_wait3A_195 = arith.constant 0 : i32
      %dma_wait3A_196 = tpu.memref_slice %arg2[%dma_wait3A, %dma_wait3A_195] : memref<10000x128xf32, #tpu.memory_space<hbm>> -> memref<10000x128xf32, #tpu.memory_space<hbm>>
      tpu.wait_indirect_dma semaphore(%arg22 : memref<!tpu.dma_semaphore, #tpu.memory_space<semaphore_mem>>) src(%dma_wait3A_196 : memref<10000x128xf32, #tpu.memory_space<hbm>>) dst(%arg11 : memref<64x128xf32, #tpu.memory_space<vmem>>)
      %mul3A_197 = arith.constant 64 : i32
      %mul3A_198 = arith.muli %mul3A_194, %mul3A_197 : i32
      %add3A_199 = arith.addi %mul3A_29, %mul3A_198 : i32
      %mul3A_200 = arith.constant 128 : i32
      %mul3A_201 = arith.muli %add3A_199, %mul3A_200 : i32
      %dma_wait3A_202 = tpu.memref_slice %arg4[%mul3A_201] : memref<41216000xf32, #tpu.memory_space<hbm>> -> memref<8192xf32, #tpu.memory_space<hbm>>
      %dma_wait3A_203 = tpu.memref_slice %arg4[%mul3A_201] : memref<41216000xf32, #tpu.memory_space<hbm>> -> memref<8192xf32, #tpu.memory_space<hbm>>
      tpu.wait_dma2 semaphore(%arg23 : memref<!tpu.dma_semaphore, #tpu.memory_space<semaphore_mem>>) src(%dma_wait3A_203 : memref<8192xf32, #tpu.memory_space<hbm>>) dst(%arg12 : memref<8192xf32, #tpu.memory_space<vmem>>)
      %get3A_204 = arith.constant 0 : index
      %get3A_205 = tpu.vector_load %arg14[%get3A_204] {strides = array<i32>} : memref<80xi32, #tpu.memory_space<vmem>>, vector<16xi32>,
      %get3A_206 = vector.shape_cast %get3A_205 : vector<16xi32> to vector<16xi32>
      %swap3A_207 = arith.constant 0 : index
      %swap3A_208 = tpu.vector_load %arg15[%swap3A_207] {strides = array<i32>} : memref<80xi32, #tpu.memory_space<vmem>>, vector<16xi32>,
      %swap3A_209 = vector.shape_cast %swap3A_208 : vector<16xi32> to vector<16xi32>
      %swap3A_210 = vector.shape_cast %get3A_206 : vector<16xi32> to vector<16xi32>
      tpu.vector_store %arg15[%swap3A_207], %swap3A_210 {strides = array<i32>} : memref<80xi32, #tpu.memory_space<vmem>>, vector<16xi32>,
      %get3A_211 = arith.constant 16 : index
      %get3A_212 = tpu.vector_load %arg14[%get3A_211] {strides = array<i32>} : memref<80xi32, #tpu.memory_space<vmem>>, vector<16xi32>,
      %get3A_213 = vector.shape_cast %get3A_212 : vector<16xi32> to vector<16xi32>
      %swap3A_214 = arith.constant 16 : index
      %swap3A_215 = tpu.vector_load %arg15[%swap3A_214] {strides = array<i32>} : memref<80xi32, #tpu.memory_space<vmem>>, vector<16xi32>,
      %swap3A_216 = vector.shape_cast %swap3A_215 : vector<16xi32> to vector<16xi32>
      %swap3A_217 = vector.shape_cast %get3A_213 : vector<16xi32> to vector<16xi32>
      tpu.vector_store %arg15[%swap3A_214], %swap3A_217 {strides = array<i32>} : memref<80xi32, #tpu.memory_space<vmem>>, vector<16xi32>,
      %get3A_218 = arith.constant 32 : index
      %get3A_219 = tpu.vector_load %arg14[%get3A_218] {strides = array<i32>} : memref<80xi32, #tpu.memory_space<vmem>>, vector<16xi32>,
      %get3A_220 = vector.shape_cast %get3A_219 : vector<16xi32> to vector<16xi32>
      %swap3A_221 = arith.constant 32 : index
      %swap3A_222 = tpu.vector_load %arg15[%swap3A_221] {strides = array<i32>} : memref<80xi32, #tpu.memory_space<vmem>>, vector<16xi32>,
      %swap3A_223 = vector.shape_cast %swap3A_222 : vector<16xi32> to vector<16xi32>
      %swap3A_224 = vector.shape_cast %get3A_220 : vector<16xi32> to vector<16xi32>
      tpu.vector_store %arg15[%swap3A_221], %swap3A_224 {strides = array<i32>} : memref<80xi32, #tpu.memory_space<vmem>>, vector<16xi32>,
      %get3A_225 = arith.constant 48 : index
      %get3A_226 = tpu.vector_load %arg14[%get3A_225] {strides = array<i32>} : memref<80xi32, #tpu.memory_space<vmem>>, vector<16xi32>,
      %get3A_227 = vector.shape_cast %get3A_226 : vector<16xi32> to vector<16xi32>
      %swap3A_228 = arith.constant 48 : index
      %swap3A_229 = tpu.vector_load %arg15[%swap3A_228] {strides = array<i32>} : memref<80xi32, #tpu.memory_space<vmem>>, vector<16xi32>,
      %swap3A_230 = vector.shape_cast %swap3A_229 : vector<16xi32> to vector<16xi32>
      %swap3A_231 = vector.shape_cast %get3A_227 : vector<16xi32> to vector<16xi32>
      tpu.vector_store %arg15[%swap3A_228], %swap3A_231 {strides = array<i32>} : memref<80xi32, #tpu.memory_space<vmem>>, vector<16xi32>,
      %get3A_232 = arith.constant 64 : index
      %get3A_233 = tpu.vector_load %arg14[%get3A_232] {strides = array<i32>} : memref<80xi32, #tpu.memory_space<vmem>>, vector<16xi32>,
      %get3A_234 = vector.shape_cast %get3A_233 : vector<16xi32> to vector<16xi32>
      %swap3A_235 = arith.constant 64 : index
      %swap3A_236 = tpu.vector_load %arg15[%swap3A_235] {strides = array<i32>} : memref<80xi32, #tpu.memory_space<vmem>>, vector<16xi32>,
      %swap3A_237 = vector.shape_cast %swap3A_236 : vector<16xi32> to vector<16xi32>
      %swap3A_238 = vector.shape_cast %get3A_234 : vector<16xi32> to vector<16xi32>
      tpu.vector_store %arg15[%swap3A_235], %swap3A_238 {strides = array<i32>} : memref<80xi32, #tpu.memory_space<vmem>>, vector<16xi32>,
      %convert_element_type3A_239 = arith.extui %lt3A_192 : i1 to i32
      %cond3A_240 = arith.constant 0 : i32
      %cond3A_241 = arith.cmpi ne, %convert_element_type3A_239, %cond3A_240 : i32
      scf.if %cond3A_241 {
        %add3A_333 = arith.constant 2 : i32
        %add3A_334 = arith.addi %mul3A_194, %add3A_333 : i32
        %mul3A_335 = arith.constant 64 : i32
        %mul3A_336 = arith.muli %add3A_334, %mul3A_335 : i32
        %add3A_337 = arith.addi %mul3A_29, %mul3A_336 : i32
        %dma_start3A_338 = tpu.memref_slice %arg5[%add3A_337] : memref<322000xi32, #tpu.memory_space<hbm>> -> memref<64xi32, #tpu.memory_space<hbm>>
        %dma_start3A_339 = tpu.memref_slice %arg5[%add3A_337] : memref<322000xi32, #tpu.memory_space<hbm>> -> memref<64xi32, #tpu.memory_space<hbm>>
        tpu.enqueue_dma source(%dma_start3A_339 : memref<64xi32, #tpu.memory_space<hbm>>) target(%arg13 : memref<64xi32, #tpu.memory_space<vmem>>) target_semaphore(%arg24 : memref<!tpu.dma_semaphore, #tpu.memory_space<semaphore_mem>>)
        %dma_start3A_340 = arith.constant 0 : i32
        %dma_start3A_341 = tpu.memref_slice %arg14[%dma_start3A_340] : memref<80xi32, #tpu.memory_space<vmem>> -> memref<64xi32, #tpu.memory_space<vmem>>
        %dma_start3A_342 = tpu.memref_slice %arg6[%add3A_337] : memref<322000xi32, #tpu.memory_space<hbm>> -> memref<64xi32, #tpu.memory_space<hbm>>
        %dma_start3A_343 = arith.constant 0 : i32
        %dma_start3A_344 = tpu.memref_slice %arg14[%dma_start3A_343] : memref<80xi32, #tpu.memory_space<vmem>> -> memref<64xi32, #tpu.memory_space<vmem>>
        %dma_start3A_345 = tpu.memref_slice %arg6[%add3A_337] : memref<322000xi32, #tpu.memory_space<hbm>> -> memref<64xi32, #tpu.memory_space<hbm>>
        tpu.enqueue_dma source(%dma_start3A_345 : memref<64xi32, #tpu.memory_space<hbm>>) target(%dma_start3A_344 : memref<64xi32, #tpu.memory_space<vmem>>) target_semaphore(%arg24 : memref<!tpu.dma_semaphore, #tpu.memory_space<semaphore_mem>>)
      } else {
      }
      %add3A_242 = arith.constant 1 : i32
      %add3A_243 = arith.addi %mul3A_194, %add3A_242 : i32
      %mul3A_244 = arith.constant 64 : i32
      %mul3A_245 = arith.muli %add3A_243, %mul3A_244 : i32
      %add3A_246 = arith.addi %mul3A_29, %mul3A_245 : i32
      %dma_wait3A_247 = tpu.memref_slice %arg5[%add3A_246] : memref<322000xi32, #tpu.memory_space<hbm>> -> memref<64xi32, #tpu.memory_space<hbm>>
      %dma_wait3A_248 = tpu.memref_slice %arg5[%add3A_246] : memref<322000xi32, #tpu.memory_space<hbm>> -> memref<64xi32, #tpu.memory_space<hbm>>
      tpu.wait_dma2 semaphore(%arg27 : memref<!tpu.dma_semaphore, #tpu.memory_space<semaphore_mem>>) src(%dma_wait3A_248 : memref<64xi32, #tpu.memory_space<hbm>>) dst(%arg18 : memref<64xi32, #tpu.memory_space<vmem>>)
      %dma_wait3A_249 = arith.constant 0 : i32
      %dma_wait3A_250 = tpu.memref_slice %arg19[%dma_wait3A_249] : memref<80xi32, #tpu.memory_space<vmem>> -> memref<64xi32, #tpu.memory_space<vmem>>
      %dma_wait3A_251 = tpu.memref_slice %arg6[%add3A_246] : memref<322000xi32, #tpu.memory_space<hbm>> -> memref<64xi32, #tpu.memory_space<hbm>>
      %dma_wait3A_252 = arith.constant 0 : i32
      %dma_wait3A_253 = tpu.memref_slice %arg19[%dma_wait3A_252] : memref<80xi32, #tpu.memory_space<vmem>> -> memref<64xi32, #tpu.memory_space<vmem>>
      %dma_wait3A_254 = tpu.memref_slice %arg6[%add3A_246] : memref<322000xi32, #tpu.memory_space<hbm>> -> memref<64xi32, #tpu.memory_space<hbm>>
      tpu.wait_dma2 semaphore(%arg27 : memref<!tpu.dma_semaphore, #tpu.memory_space<semaphore_mem>>) src(%dma_wait3A_254 : memref<64xi32, #tpu.memory_space<hbm>>) dst(%dma_wait3A_253 : memref<64xi32, #tpu.memory_space<vmem>>)
      %add3A_255 = arith.constant 1 : i32
      %add3A_256 = arith.addi %mul3A_194, %add3A_255 : i32
      %dma_start3A = arith.constant 0 : i32
      %dma_start3A_257 = arith.constant 0 : i32
      %dma_start3A_258 = tpu.memref_slice %arg2[%dma_start3A, %dma_start3A_257] : memref<10000x128xf32, #tpu.memory_space<hbm>> -> memref<10000x128xf32, #tpu.memory_space<hbm>>
      tpu.enqueue_indirect_dma source(%dma_start3A_258 : memref<10000x128xf32, #tpu.memory_space<hbm>>) target(%arg16 : memref<64x128xf32, #tpu.memory_space<vmem>>) offsets(%arg18 : memref<64xi32, #tpu.memory_space<vmem>>) semaphore(%arg25 : memref<!tpu.dma_semaphore, #tpu.memory_space<semaphore_mem>>)
      %mul3A_259 = arith.constant 64 : i32
      %mul3A_260 = arith.muli %add3A_256, %mul3A_259 : i32
      %add3A_261 = arith.addi %mul3A_29, %mul3A_260 : i32
      %mul3A_262 = arith.constant 128 : i32
      %mul3A_263 = arith.muli %add3A_261, %mul3A_262 : i32
      %dma_start3A_264 = tpu.memref_slice %arg4[%mul3A_263] : memref<41216000xf32, #tpu.memory_space<hbm>> -> memref<8192xf32, #tpu.memory_space<hbm>>
      %dma_start3A_265 = tpu.memref_slice %arg4[%mul3A_263] : memref<41216000xf32, #tpu.memory_space<hbm>> -> memref<8192xf32, #tpu.memory_space<hbm>>
      tpu.enqueue_dma source(%dma_start3A_265 : memref<8192xf32, #tpu.memory_space<hbm>>) target(%arg17 : memref<8192xf32, #tpu.memory_space<vmem>>) target_semaphore(%arg26 : memref<!tpu.dma_semaphore, #tpu.memory_space<semaphore_mem>>)
      %scan3A_266 = arith.constant 0 : i32
      %scan3A_267 = arith.constant 64 : i32
      %scan3A_268 = arith.addi %scan3A_266, %scan3A_267 : i32
      %scan3A_269 = arith.constant 1 : i32
      %scan3A_270:9 = scf.for %scan3A_333 = %scan3A_266 to %scan3A_268 step %scan3A_269 iter_args(%scan3A_334 = %while3A_181, %scan3A_335 = %while3A_182, %scan3A_336 = %while3A_183, %scan3A_337 = %while3A_184, %scan3A_338 = %while3A_185, %scan3A_339 = %while3A_186, %scan3A_340 = %while3A_187, %scan3A_341 = %while3A_188, %scan3A_342 = %while3A_189) -> (i32, vector<16xf32>, vector<16xf32>, vector<16xf32>, vector<16xf32>, vector<16xf32>, vector<16xf32>, vector<16xf32>, vector<16xf32>)  : i32 {
        %mul3A_343 = arith.constant 64 : i32
        %mul3A_344 = arith.muli %mul3A_194, %mul3A_343 : i32
        %add3A_345 = arith.addi %mul3A_29, %mul3A_344 : i32
        %add3A_346 = arith.addi %add3A_345, %scan3A_333 : i32
        %ge3A_347 = arith.cmpi sge, %add3A_346, %squeeze3A : i32
        %lt3A_348 = arith.cmpi slt, %add3A_346, %squeeze3A_9 : i32
        %and3A_349 = arith.andi %ge3A_347, %lt3A_348 : i1
        %get3A_350 = arith.index_cast %scan3A_333 : i32 to index
        %get3A_351 = tpu.vector_load %arg15[%get3A_350] {strides = array<i32>} : memref<80xi32, #tpu.memory_space<vmem>>, vector<16xi32>,
        %get3A_352 = vector.shape_cast %get3A_351 : vector<16xi32> to vector<16xi32>
        %slice3A_353 = vector.extract_strided_slice %get3A_352 {offsets = [0], sizes = [1], strides = [1]} : vector<16xi32> to vector<1xi32>
        %squeeze3A_354 = vector.extract %slice3A_353[0] : i32 from vector<1xi32>
        %eq3A_355 = arith.cmpi eq, %squeeze3A_354, %scan3A_334 : i32
        %not3A = arith.constant true
        %not3A_356 = arith.xori %eq3A_355, %not3A : i1
        %and3A_357 = arith.andi %and3A_349, %not3A_356 : i1
        %convert_element_type3A_358 = arith.extui %and3A_357 : i1 to i32
        %cond3A_359 = arith.constant 0 : i32
        %cond3A_360 = arith.cmpi ne, %convert_element_type3A_358, %cond3A_359 : i32
        scf.if %cond3A_360 {
          %ge3A_591 = arith.constant 0 : i32
          %ge3A_592 = arith.cmpi sge, %scan3A_334, %ge3A_591 : i32
          %sub3A_593 = arith.subi %scan3A_334, %mul3A_11 : i32
          %jit3A_594 = arith.constant 313 : i32
          %select_n3A_595 = arith.select %ge3A_592, %sub3A_593, %jit3A_594 : i32
          %jit3A_596 = arith.constant 0 : i32
          %jit3A_597 = arith.constant 313 : i32
          %max3A_598 = arith.maxsi %jit3A_596, %select_n3A_595 : i32
          %min3A_599 = arith.minsi %jit3A_597, %max3A_598 : i32
          %mul3A_600 = arith.constant 128 : i32
          %mul3A_601 = arith.muli %min3A_599, %mul3A_600 : i32
          %add3A_602 = arith.constant 0 : i32
          %add3A_603 = arith.addi %mul3A_601, %add3A_602 : i32
          %swap3A_604 = arith.index_cast %add3A_603 : i32 to index
          %swap3A_605 = tpu.vector_load %arg9[%swap3A_604] {strides = array<i32>} : memref<40192xf32, #tpu.memory_space<vmem>>, vector<16xf32>,
          %swap3A_606 = vector.shape_cast %swap3A_605 : vector<16xf32> to vector<16xf32>
          %swap3A_607 = vector.shape_cast %scan3A_335 : vector<16xf32> to vector<16xf32>
          tpu.vector_store %arg9[%swap3A_604], %swap3A_607 {strides = array<i32>} : memref<40192xf32, #tpu.memory_space<vmem>>, vector<16xf32>,
          %mul3A_608 = arith.constant 128 : i32
          %mul3A_609 = arith.muli %min3A_599, %mul3A_608 : i32
          %add3A_610 = arith.constant 16 : i32
          %add3A_611 = arith.addi %mul3A_609, %add3A_610 : i32
          %swap3A_612 = arith.index_cast %add3A_611 : i32 to index
          %swap3A_613 = tpu.vector_load %arg9[%swap3A_612] {strides = array<i32>} : memref<40192xf32, #tpu.memory_space<vmem>>, vector<16xf32>,
          %swap3A_614 = vector.shape_cast %swap3A_613 : vector<16xf32> to vector<16xf32>
          %swap3A_615 = vector.shape_cast %scan3A_336 : vector<16xf32> to vector<16xf32>
          tpu.vector_store %arg9[%swap3A_612], %swap3A_615 {strides = array<i32>} : memref<40192xf32, #tpu.memory_space<vmem>>, vector<16xf32>,
          %mul3A_616 = arith.constant 128 : i32
          %mul3A_617 = arith.muli %min3A_599, %mul3A_616 : i32
          %add3A_618 = arith.constant 32 : i32
          %add3A_619 = arith.addi %mul3A_617, %add3A_618 : i32
          %swap3A_620 = arith.index_cast %add3A_619 : i32 to index
          %swap3A_621 = tpu.vector_load %arg9[%swap3A_620] {strides = array<i32>} : memref<40192xf32, #tpu.memory_space<vmem>>, vector<16xf32>,
          %swap3A_622 = vector.shape_cast %swap3A_621 : vector<16xf32> to vector<16xf32>
          %swap3A_623 = vector.shape_cast %scan3A_337 : vector<16xf32> to vector<16xf32>
          tpu.vector_store %arg9[%swap3A_620], %swap3A_623 {strides = array<i32>} : memref<40192xf32, #tpu.memory_space<vmem>>, vector<16xf32>,
          %mul3A_624 = arith.constant 128 : i32
          %mul3A_625 = arith.muli %min3A_599, %mul3A_624 : i32
          %add3A_626 = arith.constant 48 : i32
          %add3A_627 = arith.addi %mul3A_625, %add3A_626 : i32
          %swap3A_628 = arith.index_cast %add3A_627 : i32 to index
          %swap3A_629 = tpu.vector_load %arg9[%swap3A_628] {strides = array<i32>} : memref<40192xf32, #tpu.memory_space<vmem>>, vector<16xf32>,
          %swap3A_630 = vector.shape_cast %swap3A_629 : vector<16xf32> to vector<16xf32>
          %swap3A_631 = vector.shape_cast %scan3A_338 : vector<16xf32> to vector<16xf32>
          tpu.vector_store %arg9[%swap3A_628], %swap3A_631 {strides = array<i32>} : memref<40192xf32, #tpu.memory_space<vmem>>, vector<16xf32>,
          %mul3A_632 = arith.constant 128 : i32
          %mul3A_633 = arith.muli %min3A_599, %mul3A_632 : i32
          %add3A_634 = arith.constant 64 : i32
          %add3A_635 = arith.addi %mul3A_633, %add3A_634 : i32
          %swap3A_636 = arith.index_cast %add3A_635 : i32 to index
          %swap3A_637 = tpu.vector_load %arg9[%swap3A_636] {strides = array<i32>} : memref<40192xf32, #tpu.memory_space<vmem>>, vector<16xf32>,
          %swap3A_638 = vector.shape_cast %swap3A_637 : vector<16xf32> to vector<16xf32>
          %swap3A_639 = vector.shape_cast %scan3A_339 : vector<16xf32> to vector<16xf32>
          tpu.vector_store %arg9[%swap3A_636], %swap3A_639 {strides = array<i32>} : memref<40192xf32, #tpu.memory_space<vmem>>, vector<16xf32>,
          %mul3A_640 = arith.constant 128 : i32
          %mul3A_641 = arith.muli %min3A_599, %mul3A_640 : i32
          %add3A_642 = arith.constant 80 : i32
          %add3A_643 = arith.addi %mul3A_641, %add3A_642 : i32
          %swap3A_644 = arith.index_cast %add3A_643 : i32 to index
          %swap3A_645 = tpu.vector_load %arg9[%swap3A_644] {strides = array<i32>} : memref<40192xf32, #tpu.memory_space<vmem>>, vector<16xf32>,
          %swap3A_646 = vector.shape_cast %swap3A_645 : vector<16xf32> to vector<16xf32>
          %swap3A_647 = vector.shape_cast %scan3A_340 : vector<16xf32> to vector<16xf32>
          tpu.vector_store %arg9[%swap3A_644], %swap3A_647 {strides = array<i32>} : memref<40192xf32, #tpu.memory_space<vmem>>, vector<16xf32>,
          %mul3A_648 = arith.constant 128 : i32
          %mul3A_649 = arith.muli %min3A_599, %mul3A_648 : i32
          %add3A_650 = arith.constant 96 : i32
          %add3A_651 = arith.addi %mul3A_649, %add3A_650 : i32
          %swap3A_652 = arith.index_cast %add3A_651 : i32 to index
          %swap3A_653 = tpu.vector_load %arg9[%swap3A_652] {strides = array<i32>} : memref<40192xf32, #tpu.memory_space<vmem>>, vector<16xf32>,
          %swap3A_654 = vector.shape_cast %swap3A_653 : vector<16xf32> to vector<16xf32>
          %swap3A_655 = vector.shape_cast %scan3A_341 : vector<16xf32> to vector<16xf32>
          tpu.vector_store %arg9[%swap3A_652], %swap3A_655 {strides = array<i32>} : memref<40192xf32, #tpu.memory_space<vmem>>, vector<16xf32>,
          %mul3A_656 = arith.constant 128 : i32
          %mul3A_657 = arith.muli %min3A_599, %mul3A_656 : i32
          %add3A_658 = arith.constant 112 : i32
          %add3A_659 = arith.addi %mul3A_657, %add3A_658 : i32
          %swap3A_660 = arith.index_cast %add3A_659 : i32 to index
          %swap3A_661 = tpu.vector_load %arg9[%swap3A_660] {strides = array<i32>} : memref<40192xf32, #tpu.memory_space<vmem>>, vector<16xf32>,
          %swap3A_662 = vector.shape_cast %swap3A_661 : vector<16xf32> to vector<16xf32>
          %swap3A_663 = vector.shape_cast %scan3A_342 : vector<16xf32> to vector<16xf32>
          tpu.vector_store %arg9[%swap3A_660], %swap3A_663 {strides = array<i32>} : memref<40192xf32, #tpu.memory_space<vmem>>, vector<16xf32>,
        } else {
        }
        %select_n3A_361 = arith.select %and3A_349, %squeeze3A_354, %scan3A_334 : i32
        %sub3A_362 = arith.subi %select_n3A_361, %mul3A_11 : i32
        %jit3A_363 = arith.constant 0 : i32
        %jit3A_364 = arith.constant 312 : i32
        %max3A_365 = arith.maxsi %jit3A_363, %sub3A_362 : i32
        %min3A_366 = arith.minsi %jit3A_364, %max3A_365 : i32
        %mul3A_367 = arith.constant 128 : i32
        %mul3A_368 = arith.muli %scan3A_333, %mul3A_367 : i32
        %add3A_369 = arith.constant 0 : i32
        %add3A_370 = arith.addi %mul3A_368, %add3A_369 : i32
        %get3A_371 = arith.index_cast %add3A_370 : i32 to index
        %get3A_372 = tpu.vector_load %arg12[%get3A_371] {strides = array<i32>} : memref<8192xf32, #tpu.memory_space<vmem>>, vector<16xf32>,
        %get3A_373 = vector.shape_cast %get3A_372 : vector<16xf32> to vector<16xf32>
        %get3A_374 = arith.index_cast %scan3A_333 : i32 to index
        %get3A_375 = arith.constant 0 : index
        %get3A_376 = tpu.vector_load %arg11[%get3A_374, %get3A_375] {strides = array<i32>} : memref<64x128xf32, #tpu.memory_space<vmem>>, vector<1x16xf32>,
        %get3A_377 = vector.shape_cast %get3A_376 : vector<1x16xf32> to vector<16xf32>
        %add3A_378 = arith.addf %get3A_373, %get3A_377 : vector<16xf32>
        %mul3A_379 = arith.constant 128 : i32
        %mul3A_380 = arith.muli %min3A_366, %mul3A_379 : i32
        %add3A_381 = arith.constant 0 : i32
        %add3A_382 = arith.addi %mul3A_380, %add3A_381 : i32
        %get3A_383 = arith.index_cast %add3A_382 : i32 to index
        %get3A_384 = tpu.vector_load %arg10[%get3A_383] {strides = array<i32>} : memref<40064xf32, #tpu.memory_space<vmem>>, vector<16xf32>,
        %get3A_385 = vector.shape_cast %get3A_384 : vector<16xf32> to vector<16xf32>
        %add3A_386 = arith.addf %add3A_378, %get3A_385 : vector<16xf32>
        %max3A_387 = arith.constant 0.000000e+00 : f32
        %max3A_388 = vector.broadcast %max3A_387 : f32 to vector<16xf32>
        %max3A_389 = arith.maximumf %add3A_386, %max3A_388 : vector<16xf32>
        %jit3A_390 = arith.constant 0.000000e+00 : f32
        %broadcast_in_dim3A_391 = vector.broadcast %jit3A_390 : f32 to vector<16xf32>
        %select_n3A_392 = arith.select %eq3A_355, %scan3A_335, %broadcast_in_dim3A_391 : vector<16xf32>
        %add3A_393 = arith.addf %select_n3A_392, %max3A_389 : vector<16xf32>
        %select_n3A_394 = arith.select %and3A_349, %add3A_393, %scan3A_335 : vector<16xf32>
        %mul3A_395 = arith.constant 128 : i32
        %mul3A_396 = arith.muli %scan3A_333, %mul3A_395 : i32
        %add3A_397 = arith.constant 16 : i32
        %add3A_398 = arith.addi %mul3A_396, %add3A_397 : i32
        %get3A_399 = arith.index_cast %add3A_398 : i32 to index
        %get3A_400 = tpu.vector_load %arg12[%get3A_399] {strides = array<i32>} : memref<8192xf32, #tpu.memory_space<vmem>>, vector<16xf32>,
        %get3A_401 = vector.shape_cast %get3A_400 : vector<16xf32> to vector<16xf32>
        %get3A_402 = arith.index_cast %scan3A_333 : i32 to index
        %get3A_403 = arith.constant 16 : index
        %get3A_404 = tpu.vector_load %arg11[%get3A_402, %get3A_403] {strides = array<i32>} : memref<64x128xf32, #tpu.memory_space<vmem>>, vector<1x16xf32>,
        %get3A_405 = vector.shape_cast %get3A_404 : vector<1x16xf32> to vector<16xf32>
        %add3A_406 = arith.addf %get3A_401, %get3A_405 : vector<16xf32>
        %mul3A_407 = arith.constant 128 : i32
        %mul3A_408 = arith.muli %min3A_366, %mul3A_407 : i32
        %add3A_409 = arith.constant 16 : i32
        %add3A_410 = arith.addi %mul3A_408, %add3A_409 : i32
        %get3A_411 = arith.index_cast %add3A_410 : i32 to index
        %get3A_412 = tpu.vector_load %arg10[%get3A_411] {strides = array<i32>} : memref<40064xf32, #tpu.memory_space<vmem>>, vector<16xf32>,
        %get3A_413 = vector.shape_cast %get3A_412 : vector<16xf32> to vector<16xf32>
        %add3A_414 = arith.addf %add3A_406, %get3A_413 : vector<16xf32>
        %max3A_415 = arith.constant 0.000000e+00 : f32
        %max3A_416 = vector.broadcast %max3A_415 : f32 to vector<16xf32>
        %max3A_417 = arith.maximumf %add3A_414, %max3A_416 : vector<16xf32>
        %jit3A_418 = arith.constant 0.000000e+00 : f32
        %broadcast_in_dim3A_419 = vector.broadcast %jit3A_418 : f32 to vector<16xf32>
        %select_n3A_420 = arith.select %eq3A_355, %scan3A_336, %broadcast_in_dim3A_419 : vector<16xf32>
        %add3A_421 = arith.addf %select_n3A_420, %max3A_417 : vector<16xf32>
        %select_n3A_422 = arith.select %and3A_349, %add3A_421, %scan3A_336 : vector<16xf32>
        %mul3A_423 = arith.constant 128 : i32
        %mul3A_424 = arith.muli %scan3A_333, %mul3A_423 : i32
        %add3A_425 = arith.constant 32 : i32
        %add3A_426 = arith.addi %mul3A_424, %add3A_425 : i32
        %get3A_427 = arith.index_cast %add3A_426 : i32 to index
        %get3A_428 = tpu.vector_load %arg12[%get3A_427] {strides = array<i32>} : memref<8192xf32, #tpu.memory_space<vmem>>, vector<16xf32>,
        %get3A_429 = vector.shape_cast %get3A_428 : vector<16xf32> to vector<16xf32>
        %get3A_430 = arith.index_cast %scan3A_333 : i32 to index
        %get3A_431 = arith.constant 32 : index
        %get3A_432 = tpu.vector_load %arg11[%get3A_430, %get3A_431] {strides = array<i32>} : memref<64x128xf32, #tpu.memory_space<vmem>>, vector<1x16xf32>,
        %get3A_433 = vector.shape_cast %get3A_432 : vector<1x16xf32> to vector<16xf32>
        %add3A_434 = arith.addf %get3A_429, %get3A_433 : vector<16xf32>
        %mul3A_435 = arith.constant 128 : i32
        %mul3A_436 = arith.muli %min3A_366, %mul3A_435 : i32
        %add3A_437 = arith.constant 32 : i32
        %add3A_438 = arith.addi %mul3A_436, %add3A_437 : i32
        %get3A_439 = arith.index_cast %add3A_438 : i32 to index
        %get3A_440 = tpu.vector_load %arg10[%get3A_439] {strides = array<i32>} : memref<40064xf32, #tpu.memory_space<vmem>>, vector<16xf32>,
        %get3A_441 = vector.shape_cast %get3A_440 : vector<16xf32> to vector<16xf32>
        %add3A_442 = arith.addf %add3A_434, %get3A_441 : vector<16xf32>
        %max3A_443 = arith.constant 0.000000e+00 : f32
        %max3A_444 = vector.broadcast %max3A_443 : f32 to vector<16xf32>
        %max3A_445 = arith.maximumf %add3A_442, %max3A_444 : vector<16xf32>
        %jit3A_446 = arith.constant 0.000000e+00 : f32
        %broadcast_in_dim3A_447 = vector.broadcast %jit3A_446 : f32 to vector<16xf32>
        %select_n3A_448 = arith.select %eq3A_355, %scan3A_337, %broadcast_in_dim3A_447 : vector<16xf32>
        %add3A_449 = arith.addf %select_n3A_448, %max3A_445 : vector<16xf32>
        %select_n3A_450 = arith.select %and3A_349, %add3A_449, %scan3A_337 : vector<16xf32>
        %mul3A_451 = arith.constant 128 : i32
        %mul3A_452 = arith.muli %scan3A_333, %mul3A_451 : i32
        %add3A_453 = arith.constant 48 : i32
        %add3A_454 = arith.addi %mul3A_452, %add3A_453 : i32
        %get3A_455 = arith.index_cast %add3A_454 : i32 to index
        %get3A_456 = tpu.vector_load %arg12[%get3A_455] {strides = array<i32>} : memref<8192xf32, #tpu.memory_space<vmem>>, vector<16xf32>,
        %get3A_457 = vector.shape_cast %get3A_456 : vector<16xf32> to vector<16xf32>
        %get3A_458 = arith.index_cast %scan3A_333 : i32 to index
        %get3A_459 = arith.constant 48 : index
        %get3A_460 = tpu.vector_load %arg11[%get3A_458, %get3A_459] {strides = array<i32>} : memref<64x128xf32, #tpu.memory_space<vmem>>, vector<1x16xf32>,
        %get3A_461 = vector.shape_cast %get3A_460 : vector<1x16xf32> to vector<16xf32>
        %add3A_462 = arith.addf %get3A_457, %get3A_461 : vector<16xf32>
        %mul3A_463 = arith.constant 128 : i32
        %mul3A_464 = arith.muli %min3A_366, %mul3A_463 : i32
        %add3A_465 = arith.constant 48 : i32
        %add3A_466 = arith.addi %mul3A_464, %add3A_465 : i32
        %get3A_467 = arith.index_cast %add3A_466 : i32 to index
        %get3A_468 = tpu.vector_load %arg10[%get3A_467] {strides = array<i32>} : memref<40064xf32, #tpu.memory_space<vmem>>, vector<16xf32>,
        %get3A_469 = vector.shape_cast %get3A_468 : vector<16xf32> to vector<16xf32>
        %add3A_470 = arith.addf %add3A_462, %get3A_469 : vector<16xf32>
        %max3A_471 = arith.constant 0.000000e+00 : f32
        %max3A_472 = vector.broadcast %max3A_471 : f32 to vector<16xf32>
        %max3A_473 = arith.maximumf %add3A_470, %max3A_472 : vector<16xf32>
        %jit3A_474 = arith.constant 0.000000e+00 : f32
        %broadcast_in_dim3A_475 = vector.broadcast %jit3A_474 : f32 to vector<16xf32>
        %select_n3A_476 = arith.select %eq3A_355, %scan3A_338, %broadcast_in_dim3A_475 : vector<16xf32>
        %add3A_477 = arith.addf %select_n3A_476, %max3A_473 : vector<16xf32>
        %select_n3A_478 = arith.select %and3A_349, %add3A_477, %scan3A_338 : vector<16xf32>
        %mul3A_479 = arith.constant 128 : i32
        %mul3A_480 = arith.muli %scan3A_333, %mul3A_479 : i32
        %add3A_481 = arith.constant 64 : i32
        %add3A_482 = arith.addi %mul3A_480, %add3A_481 : i32
        %get3A_483 = arith.index_cast %add3A_482 : i32 to index
        %get3A_484 = tpu.vector_load %arg12[%get3A_483] {strides = array<i32>} : memref<8192xf32, #tpu.memory_space<vmem>>, vector<16xf32>,
        %get3A_485 = vector.shape_cast %get3A_484 : vector<16xf32> to vector<16xf32>
        %get3A_486 = arith.index_cast %scan3A_333 : i32 to index
        %get3A_487 = arith.constant 64 : index
        %get3A_488 = tpu.vector_load %arg11[%get3A_486, %get3A_487] {strides = array<i32>} : memref<64x128xf32, #tpu.memory_space<vmem>>, vector<1x16xf32>,
        %get3A_489 = vector.shape_cast %get3A_488 : vector<1x16xf32> to vector<16xf32>
        %add3A_490 = arith.addf %get3A_485, %get3A_489 : vector<16xf32>
        %mul3A_491 = arith.constant 128 : i32
        %mul3A_492 = arith.muli %min3A_366, %mul3A_491 : i32
        %add3A_493 = arith.constant 64 : i32
        %add3A_494 = arith.addi %mul3A_492, %add3A_493 : i32
        %get3A_495 = arith.index_cast %add3A_494 : i32 to index
        %get3A_496 = tpu.vector_load %arg10[%get3A_495] {strides = array<i32>} : memref<40064xf32, #tpu.memory_space<vmem>>, vector<16xf32>,
        %get3A_497 = vector.shape_cast %get3A_496 : vector<16xf32> to vector<16xf32>
        %add3A_498 = arith.addf %add3A_490, %get3A_497 : vector<16xf32>
        %max3A_499 = arith.constant 0.000000e+00 : f32
        %max3A_500 = vector.broadcast %max3A_499 : f32 to vector<16xf32>
        %max3A_501 = arith.maximumf %add3A_498, %max3A_500 : vector<16xf32>
        %jit3A_502 = arith.constant 0.000000e+00 : f32
        %broadcast_in_dim3A_503 = vector.broadcast %jit3A_502 : f32 to vector<16xf32>
        %select_n3A_504 = arith.select %eq3A_355, %scan3A_339, %broadcast_in_dim3A_503 : vector<16xf32>
        %add3A_505 = arith.addf %select_n3A_504, %max3A_501 : vector<16xf32>
        %select_n3A_506 = arith.select %and3A_349, %add3A_505, %scan3A_339 : vector<16xf32>
        %mul3A_507 = arith.constant 128 : i32
        %mul3A_508 = arith.muli %scan3A_333, %mul3A_507 : i32
        %add3A_509 = arith.constant 80 : i32
        %add3A_510 = arith.addi %mul3A_508, %add3A_509 : i32
        %get3A_511 = arith.index_cast %add3A_510 : i32 to index
        %get3A_512 = tpu.vector_load %arg12[%get3A_511] {strides = array<i32>} : memref<8192xf32, #tpu.memory_space<vmem>>, vector<16xf32>,
        %get3A_513 = vector.shape_cast %get3A_512 : vector<16xf32> to vector<16xf32>
        %get3A_514 = arith.index_cast %scan3A_333 : i32 to index
        %get3A_515 = arith.constant 80 : index
        %get3A_516 = tpu.vector_load %arg11[%get3A_514, %get3A_515] {strides = array<i32>} : memref<64x128xf32, #tpu.memory_space<vmem>>, vector<1x16xf32>,
        %get3A_517 = vector.shape_cast %get3A_516 : vector<1x16xf32> to vector<16xf32>
        %add3A_518 = arith.addf %get3A_513, %get3A_517 : vector<16xf32>
        %mul3A_519 = arith.constant 128 : i32
        %mul3A_520 = arith.muli %min3A_366, %mul3A_519 : i32
        %add3A_521 = arith.constant 80 : i32
        %add3A_522 = arith.addi %mul3A_520, %add3A_521 : i32
        %get3A_523 = arith.index_cast %add3A_522 : i32 to index
        %get3A_524 = tpu.vector_load %arg10[%get3A_523] {strides = array<i32>} : memref<40064xf32, #tpu.memory_space<vmem>>, vector<16xf32>,
        %get3A_525 = vector.shape_cast %get3A_524 : vector<16xf32> to vector<16xf32>
        %add3A_526 = arith.addf %add3A_518, %get3A_525 : vector<16xf32>
        %max3A_527 = arith.constant 0.000000e+00 : f32
        %max3A_528 = vector.broadcast %max3A_527 : f32 to vector<16xf32>
        %max3A_529 = arith.maximumf %add3A_526, %max3A_528 : vector<16xf32>
        %jit3A_530 = arith.constant 0.000000e+00 : f32
        %broadcast_in_dim3A_531 = vector.broadcast %jit3A_530 : f32 to vector<16xf32>
        %select_n3A_532 = arith.select %eq3A_355, %scan3A_340, %broadcast_in_dim3A_531 : vector<16xf32>
        %add3A_533 = arith.addf %select_n3A_532, %max3A_529 : vector<16xf32>
        %select_n3A_534 = arith.select %and3A_349, %add3A_533, %scan3A_340 : vector<16xf32>
        %mul3A_535 = arith.constant 128 : i32
        %mul3A_536 = arith.muli %scan3A_333, %mul3A_535 : i32
        %add3A_537 = arith.constant 96 : i32
        %add3A_538 = arith.addi %mul3A_536, %add3A_537 : i32
        %get3A_539 = arith.index_cast %add3A_538 : i32 to index
        %get3A_540 = tpu.vector_load %arg12[%get3A_539] {strides = array<i32>} : memref<8192xf32, #tpu.memory_space<vmem>>, vector<16xf32>,
        %get3A_541 = vector.shape_cast %get3A_540 : vector<16xf32> to vector<16xf32>
        %get3A_542 = arith.index_cast %scan3A_333 : i32 to index
        %get3A_543 = arith.constant 96 : index
        %get3A_544 = tpu.vector_load %arg11[%get3A_542, %get3A_543] {strides = array<i32>} : memref<64x128xf32, #tpu.memory_space<vmem>>, vector<1x16xf32>,
        %get3A_545 = vector.shape_cast %get3A_544 : vector<1x16xf32> to vector<16xf32>
        %add3A_546 = arith.addf %get3A_541, %get3A_545 : vector<16xf32>
        %mul3A_547 = arith.constant 128 : i32
        %mul3A_548 = arith.muli %min3A_366, %mul3A_547 : i32
        %add3A_549 = arith.constant 96 : i32
        %add3A_550 = arith.addi %mul3A_548, %add3A_549 : i32
        %get3A_551 = arith.index_cast %add3A_550 : i32 to index
        %get3A_552 = tpu.vector_load %arg10[%get3A_551] {strides = array<i32>} : memref<40064xf32, #tpu.memory_space<vmem>>, vector<16xf32>,
        %get3A_553 = vector.shape_cast %get3A_552 : vector<16xf32> to vector<16xf32>
        %add3A_554 = arith.addf %add3A_546, %get3A_553 : vector<16xf32>
        %max3A_555 = arith.constant 0.000000e+00 : f32
        %max3A_556 = vector.broadcast %max3A_555 : f32 to vector<16xf32>
        %max3A_557 = arith.maximumf %add3A_554, %max3A_556 : vector<16xf32>
        %jit3A_558 = arith.constant 0.000000e+00 : f32
        %broadcast_in_dim3A_559 = vector.broadcast %jit3A_558 : f32 to vector<16xf32>
        %select_n3A_560 = arith.select %eq3A_355, %scan3A_341, %broadcast_in_dim3A_559 : vector<16xf32>
        %add3A_561 = arith.addf %select_n3A_560, %max3A_557 : vector<16xf32>
        %select_n3A_562 = arith.select %and3A_349, %add3A_561, %scan3A_341 : vector<16xf32>
        %mul3A_563 = arith.constant 128 : i32
        %mul3A_564 = arith.muli %scan3A_333, %mul3A_563 : i32
        %add3A_565 = arith.constant 112 : i32
        %add3A_566 = arith.addi %mul3A_564, %add3A_565 : i32
        %get3A_567 = arith.index_cast %add3A_566 : i32 to index
        %get3A_568 = tpu.vector_load %arg12[%get3A_567] {strides = array<i32>} : memref<8192xf32, #tpu.memory_space<vmem>>, vector<16xf32>,
        %get3A_569 = vector.shape_cast %get3A_568 : vector<16xf32> to vector<16xf32>
        %get3A_570 = arith.index_cast %scan3A_333 : i32 to index
        %get3A_571 = arith.constant 112 : index
        %get3A_572 = tpu.vector_load %arg11[%get3A_570, %get3A_571] {strides = array<i32>} : memref<64x128xf32, #tpu.memory_space<vmem>>, vector<1x16xf32>,
        %get3A_573 = vector.shape_cast %get3A_572 : vector<1x16xf32> to vector<16xf32>
        %add3A_574 = arith.addf %get3A_569, %get3A_573 : vector<16xf32>
        %mul3A_575 = arith.constant 128 : i32
        %mul3A_576 = arith.muli %min3A_366, %mul3A_575 : i32
        %add3A_577 = arith.constant 112 : i32
        %add3A_578 = arith.addi %mul3A_576, %add3A_577 : i32
        %get3A_579 = arith.index_cast %add3A_578 : i32 to index
        %get3A_580 = tpu.vector_load %arg10[%get3A_579] {strides = array<i32>} : memref<40064xf32, #tpu.memory_space<vmem>>, vector<16xf32>,
        %get3A_581 = vector.shape_cast %get3A_580 : vector<16xf32> to vector<16xf32>
        %add3A_582 = arith.addf %add3A_574, %get3A_581 : vector<16xf32>
        %max3A_583 = arith.constant 0.000000e+00 : f32
        %max3A_584 = vector.broadcast %max3A_583 : f32 to vector<16xf32>
        %max3A_585 = arith.maximumf %add3A_582, %max3A_584 : vector<16xf32>
        %jit3A_586 = arith.constant 0.000000e+00 : f32
        %broadcast_in_dim3A_587 = vector.broadcast %jit3A_586 : f32 to vector<16xf32>
        %select_n3A_588 = arith.select %eq3A_355, %scan3A_342, %broadcast_in_dim3A_587 : vector<16xf32>
        %add3A_589 = arith.addf %select_n3A_588, %max3A_585 : vector<16xf32>
        %select_n3A_590 = arith.select %and3A_349, %add3A_589, %scan3A_342 : vector<16xf32>
        scf.yield %select_n3A_361, %select_n3A_394, %select_n3A_422, %select_n3A_450, %select_n3A_478, %select_n3A_506, %select_n3A_534, %select_n3A_562, %select_n3A_590 : i32, vector<16xf32>, vector<16xf32>, vector<16xf32>, vector<16xf32>, vector<16xf32>, vector<16xf32>, vector<16xf32>, vector<16xf32>
      }
      %scan3A_271 = arith.constant 64 : i32
      %mul3A_272 = arith.constant 2 : i32
      %mul3A_273 = arith.muli %mul3A_272, %while3A_180 : i32
      %add3A_274 = arith.constant 1 : i32
      %add3A_275 = arith.addi %mul3A_273, %add3A_274 : i32
      %dma_wait3A_276 = arith.constant 0 : i32
      %dma_wait3A_277 = arith.constant 0 : i32
      %dma_wait3A_278 = tpu.memref_slice %arg2[%dma_wait3A_276, %dma_wait3A_277] : memref<10000x128xf32, #tpu.memory_space<hbm>> -> memref<10000x128xf32, #tpu.memory_space<hbm>>
      tpu.wait_indirect_dma semaphore(%arg25 : memref<!tpu.dma_semaphore, #tpu.memory_space<semaphore_mem>>) src(%dma_wait3A_278 : memref<10000x128xf32, #tpu.memory_space<hbm>>) dst(%arg16 : memref<64x128xf32, #tpu.memory_space<vmem>>)
      %mul3A_279 = arith.constant 64 : i32
      %mul3A_280 = arith.muli %add3A_275, %mul3A_279 : i32
      %add3A_281 = arith.addi %mul3A_29, %mul3A_280 : i32
      %mul3A_282 = arith.constant 128 : i32
      %mul3A_283 = arith.muli %add3A_281, %mul3A_282 : i32
      %dma_wait3A_284 = tpu.memref_slice %arg4[%mul3A_283] : memref<41216000xf32, #tpu.memory_space<hbm>> -> memref<8192xf32, #tpu.memory_space<hbm>>
      %dma_wait3A_285 = tpu.memref_slice %arg4[%mul3A_283] : memref<41216000xf32, #tpu.memory_space<hbm>> -> memref<8192xf32, #tpu.memory_space<hbm>>
      tpu.wait_dma2 semaphore(%arg26 : memref<!tpu.dma_semaphore, #tpu.memory_space<semaphore_mem>>) src(%dma_wait3A_285 : memref<8192xf32, #tpu.memory_space<hbm>>) dst(%arg17 : memref<8192xf32, #tpu.memory_space<vmem>>)
      %get3A_286 = arith.constant 0 : index
      %get3A_287 = tpu.vector_load %arg19[%get3A_286] {strides = array<i32>} : memref<80xi32, #tpu.memory_space<vmem>>, vector<16xi32>,
      %get3A_288 = vector.shape_cast %get3A_287 : vector<16xi32> to vector<16xi32>
      %swap3A_289 = arith.constant 0 : index
      %swap3A_290 = tpu.vector_load %arg20[%swap3A_289] {strides = array<i32>} : memref<80xi32, #tpu.memory_space<vmem>>, vector<16xi32>,
      %swap3A_291 = vector.shape_cast %swap3A_290 : vector<16xi32> to vector<16xi32>
      %swap3A_292 = vector.shape_cast %get3A_288 : vector<16xi32> to vector<16xi32>
      tpu.vector_store %arg20[%swap3A_289], %swap3A_292 {strides = array<i32>} : memref<80xi32, #tpu.memory_space<vmem>>, vector<16xi32>,
      %get3A_293 = arith.constant 16 : index
      %get3A_294 = tpu.vector_load %arg19[%get3A_293] {strides = array<i32>} : memref<80xi32, #tpu.memory_space<vmem>>, vector<16xi32>,
      %get3A_295 = vector.shape_cast %get3A_294 : vector<16xi32> to vector<16xi32>
      %swap3A_296 = arith.constant 16 : index
      %swap3A_297 = tpu.vector_load %arg20[%swap3A_296] {strides = array<i32>} : memref<80xi32, #tpu.memory_space<vmem>>, vector<16xi32>,
      %swap3A_298 = vector.shape_cast %swap3A_297 : vector<16xi32> to vector<16xi32>
      %swap3A_299 = vector.shape_cast %get3A_295 : vector<16xi32> to vector<16xi32>
      tpu.vector_store %arg20[%swap3A_296], %swap3A_299 {strides = array<i32>} : memref<80xi32, #tpu.memory_space<vmem>>, vector<16xi32>,
      %get3A_300 = arith.constant 32 : index
      %get3A_301 = tpu.vector_load %arg19[%get3A_300] {strides = array<i32>} : memref<80xi32, #tpu.memory_space<vmem>>, vector<16xi32>,
      %get3A_302 = vector.shape_cast %get3A_301 : vector<16xi32> to vector<16xi32>
      %swap3A_303 = arith.constant 32 : index
      %swap3A_304 = tpu.vector_load %arg20[%swap3A_303] {strides = array<i32>} : memref<80xi32, #tpu.memory_space<vmem>>, vector<16xi32>,
      %swap3A_305 = vector.shape_cast %swap3A_304 : vector<16xi32> to vector<16xi32>
      %swap3A_306 = vector.shape_cast %get3A_302 : vector<16xi32> to vector<16xi32>
      tpu.vector_store %arg20[%swap3A_303], %swap3A_306 {strides = array<i32>} : memref<80xi32, #tpu.memory_space<vmem>>, vector<16xi32>,
      %get3A_307 = arith.constant 48 : index
      %get3A_308 = tpu.vector_load %arg19[%get3A_307] {strides = array<i32>} : memref<80xi32, #tpu.memory_space<vmem>>, vector<16xi32>,
      %get3A_309 = vector.shape_cast %get3A_308 : vector<16xi32> to vector<16xi32>
      %swap3A_310 = arith.constant 48 : index
      %swap3A_311 = tpu.vector_load %arg20[%swap3A_310] {strides = array<i32>} : memref<80xi32, #tpu.memory_space<vmem>>, vector<16xi32>,
      %swap3A_312 = vector.shape_cast %swap3A_311 : vector<16xi32> to vector<16xi32>
      %swap3A_313 = vector.shape_cast %get3A_309 : vector<16xi32> to vector<16xi32>
      tpu.vector_store %arg20[%swap3A_310], %swap3A_313 {strides = array<i32>} : memref<80xi32, #tpu.memory_space<vmem>>, vector<16xi32>,
      %get3A_314 = arith.constant 64 : index
      %get3A_315 = tpu.vector_load %arg19[%get3A_314] {strides = array<i32>} : memref<80xi32, #tpu.memory_space<vmem>>, vector<16xi32>,
      %get3A_316 = vector.shape_cast %get3A_315 : vector<16xi32> to vector<16xi32>
      %swap3A_317 = arith.constant 64 : index
      %swap3A_318 = tpu.vector_load %arg20[%swap3A_317] {strides = array<i32>} : memref<80xi32, #tpu.memory_space<vmem>>, vector<16xi32>,
      %swap3A_319 = vector.shape_cast %swap3A_318 : vector<16xi32> to vector<16xi32>
      %swap3A_320 = vector.shape_cast %get3A_316 : vector<16xi32> to vector<16xi32>
      tpu.vector_store %arg20[%swap3A_317], %swap3A_320 {strides = array<i32>} : memref<80xi32, #tpu.memory_space<vmem>>, vector<16xi32>,
      %convert_element_type3A_321 = arith.extui %lt3A_192 : i1 to i32
      %cond3A_322 = arith.constant 0 : i32
      %cond3A_323 = arith.cmpi ne, %convert_element_type3A_321, %cond3A_322 : i32
      scf.if %cond3A_323 {
        %add3A_333 = arith.constant 2 : i32
        %add3A_334 = arith.addi %add3A_275, %add3A_333 : i32
        %mul3A_335 = arith.constant 64 : i32
        %mul3A_336 = arith.muli %add3A_334, %mul3A_335 : i32
        %add3A_337 = arith.addi %mul3A_29, %mul3A_336 : i32
        %dma_start3A_338 = tpu.memref_slice %arg5[%add3A_337] : memref<322000xi32, #tpu.memory_space<hbm>> -> memref<64xi32, #tpu.memory_space<hbm>>
        %dma_start3A_339 = tpu.memref_slice %arg5[%add3A_337] : memref<322000xi32, #tpu.memory_space<hbm>> -> memref<64xi32, #tpu.memory_space<hbm>>
        tpu.enqueue_dma source(%dma_start3A_339 : memref<64xi32, #tpu.memory_space<hbm>>) target(%arg18 : memref<64xi32, #tpu.memory_space<vmem>>) target_semaphore(%arg27 : memref<!tpu.dma_semaphore, #tpu.memory_space<semaphore_mem>>)
        %dma_start3A_340 = arith.constant 0 : i32
        %dma_start3A_341 = tpu.memref_slice %arg19[%dma_start3A_340] : memref<80xi32, #tpu.memory_space<vmem>> -> memref<64xi32, #tpu.memory_space<vmem>>
        %dma_start3A_342 = tpu.memref_slice %arg6[%add3A_337] : memref<322000xi32, #tpu.memory_space<hbm>> -> memref<64xi32, #tpu.memory_space<hbm>>
        %dma_start3A_343 = arith.constant 0 : i32
        %dma_start3A_344 = tpu.memref_slice %arg19[%dma_start3A_343] : memref<80xi32, #tpu.memory_space<vmem>> -> memref<64xi32, #tpu.memory_space<vmem>>
        %dma_start3A_345 = tpu.memref_slice %arg6[%add3A_337] : memref<322000xi32, #tpu.memory_space<hbm>> -> memref<64xi32, #tpu.memory_space<hbm>>
        tpu.enqueue_dma source(%dma_start3A_345 : memref<64xi32, #tpu.memory_space<hbm>>) target(%dma_start3A_344 : memref<64xi32, #tpu.memory_space<vmem>>) target_semaphore(%arg27 : memref<!tpu.dma_semaphore, #tpu.memory_space<semaphore_mem>>)
      } else {
      }
      %convert_element_type3A_324 = arith.extui %lt3A_192 : i1 to i32
      %cond3A_325 = arith.constant 0 : i32
      %cond3A_326 = arith.cmpi ne, %convert_element_type3A_324, %cond3A_325 : i32
      scf.if %cond3A_326 {
        %add3A_333 = arith.constant 1 : i32
        %add3A_334 = arith.addi %add3A_275, %add3A_333 : i32
        %mul3A_335 = arith.constant 64 : i32
        %mul3A_336 = arith.muli %add3A_334, %mul3A_335 : i32
        %add3A_337 = arith.addi %mul3A_29, %mul3A_336 : i32
        %dma_wait3A_338 = tpu.memref_slice %arg5[%add3A_337] : memref<322000xi32, #tpu.memory_space<hbm>> -> memref<64xi32, #tpu.memory_space<hbm>>
        %dma_wait3A_339 = tpu.memref_slice %arg5[%add3A_337] : memref<322000xi32, #tpu.memory_space<hbm>> -> memref<64xi32, #tpu.memory_space<hbm>>
        tpu.wait_dma2 semaphore(%arg24 : memref<!tpu.dma_semaphore, #tpu.memory_space<semaphore_mem>>) src(%dma_wait3A_339 : memref<64xi32, #tpu.memory_space<hbm>>) dst(%arg13 : memref<64xi32, #tpu.memory_space<vmem>>)
        %dma_wait3A_340 = arith.constant 0 : i32
        %dma_wait3A_341 = tpu.memref_slice %arg14[%dma_wait3A_340] : memref<80xi32, #tpu.memory_space<vmem>> -> memref<64xi32, #tpu.memory_space<vmem>>
        %dma_wait3A_342 = tpu.memref_slice %arg6[%add3A_337] : memref<322000xi32, #tpu.memory_space<hbm>> -> memref<64xi32, #tpu.memory_space<hbm>>
        %dma_wait3A_343 = arith.constant 0 : i32
        %dma_wait3A_344 = tpu.memref_slice %arg14[%dma_wait3A_343] : memref<80xi32, #tpu.memory_space<vmem>> -> memref<64xi32, #tpu.memory_space<vmem>>
        %dma_wait3A_345 = tpu.memref_slice %arg6[%add3A_337] : memref<322000xi32, #tpu.memory_space<hbm>> -> memref<64xi32, #tpu.memory_space<hbm>>
        tpu.wait_dma2 semaphore(%arg24 : memref<!tpu.dma_semaphore, #tpu.memory_space<semaphore_mem>>) src(%dma_wait3A_345 : memref<64xi32, #tpu.memory_space<hbm>>) dst(%dma_wait3A_344 : memref<64xi32, #tpu.memory_space<vmem>>)
        %add3A_346 = arith.constant 1 : i32
        %add3A_347 = arith.addi %add3A_275, %add3A_346 : i32
        %dma_start3A_348 = arith.constant 0 : i32
        %dma_start3A_349 = arith.constant 0 : i32
        %dma_start3A_350 = tpu.memref_slice %arg2[%dma_start3A_348, %dma_start3A_349] : memref<10000x128xf32, #tpu.memory_space<hbm>> -> memref<10000x128xf32, #tpu.memory_space<hbm>>
        tpu.enqueue_indirect_dma source(%dma_start3A_350 : memref<10000x128xf32, #tpu.memory_space<hbm>>) target(%arg11 : memref<64x128xf32, #tpu.memory_space<vmem>>) offsets(%arg13 : memref<64xi32, #tpu.memory_space<vmem>>) semaphore(%arg22 : memref<!tpu.dma_semaphore, #tpu.memory_space<semaphore_mem>>)
        %mul3A_351 = arith.constant 64 : i32
        %mul3A_352 = arith.muli %add3A_347, %mul3A_351 : i32
        %add3A_353 = arith.addi %mul3A_29, %mul3A_352 : i32
        %mul3A_354 = arith.constant 128 : i32
        %mul3A_355 = arith.muli %add3A_353, %mul3A_354 : i32
        %dma_start3A_356 = tpu.memref_slice %arg4[%mul3A_355] : memref<41216000xf32, #tpu.memory_space<hbm>> -> memref<8192xf32, #tpu.memory_space<hbm>>
        %dma_start3A_357 = tpu.memref_slice %arg4[%mul3A_355] : memref<41216000xf32, #tpu.memory_space<hbm>> -> memref<8192xf32, #tpu.memory_space<hbm>>
        tpu.enqueue_dma source(%dma_start3A_357 : memref<8192xf32, #tpu.memory_space<hbm>>) target(%arg12 : memref<8192xf32, #tpu.memory_space<vmem>>) target_semaphore(%arg23 : memref<!tpu.dma_semaphore, #tpu.memory_space<semaphore_mem>>)
      } else {
      }
      %scan3A_327 = arith.constant 0 : i32
      %scan3A_328 = arith.constant 64 : i32
      %scan3A_329 = arith.addi %scan3A_327, %scan3A_328 : i32
      %scan3A_330 = arith.constant 1 : i32
      %scan3A_331:9 = scf.for %scan3A_333 = %scan3A_327 to %scan3A_329 step %scan3A_330 iter_args(%scan3A_334 = %scan3A_270#0, %scan3A_335 = %scan3A_270#1, %scan3A_336 = %scan3A_270#2, %scan3A_337 = %scan3A_270#3, %scan3A_338 = %scan3A_270#4, %scan3A_339 = %scan3A_270#5, %scan3A_340 = %scan3A_270#6, %scan3A_341 = %scan3A_270#7, %scan3A_342 = %scan3A_270#8) -> (i32, vector<16xf32>, vector<16xf32>, vector<16xf32>, vector<16xf32>, vector<16xf32>, vector<16xf32>, vector<16xf32>, vector<16xf32>)  : i32 {
        %mul3A_343 = arith.constant 64 : i32
        %mul3A_344 = arith.muli %add3A_275, %mul3A_343 : i32
        %add3A_345 = arith.addi %mul3A_29, %mul3A_344 : i32
        %add3A_346 = arith.addi %add3A_345, %scan3A_333 : i32
        %ge3A_347 = arith.cmpi sge, %add3A_346, %squeeze3A : i32
        %lt3A_348 = arith.cmpi slt, %add3A_346, %squeeze3A_9 : i32
        %and3A_349 = arith.andi %ge3A_347, %lt3A_348 : i1
        %get3A_350 = arith.index_cast %scan3A_333 : i32 to index
        %get3A_351 = tpu.vector_load %arg20[%get3A_350] {strides = array<i32>} : memref<80xi32, #tpu.memory_space<vmem>>, vector<16xi32>,
        %get3A_352 = vector.shape_cast %get3A_351 : vector<16xi32> to vector<16xi32>
        %slice3A_353 = vector.extract_strided_slice %get3A_352 {offsets = [0], sizes = [1], strides = [1]} : vector<16xi32> to vector<1xi32>
        %squeeze3A_354 = vector.extract %slice3A_353[0] : i32 from vector<1xi32>
        %eq3A_355 = arith.cmpi eq, %squeeze3A_354, %scan3A_334 : i32
        %not3A = arith.constant true
        %not3A_356 = arith.xori %eq3A_355, %not3A : i1
        %and3A_357 = arith.andi %and3A_349, %not3A_356 : i1
        %convert_element_type3A_358 = arith.extui %and3A_357 : i1 to i32
        %cond3A_359 = arith.constant 0 : i32
        %cond3A_360 = arith.cmpi ne, %convert_element_type3A_358, %cond3A_359 : i32
        scf.if %cond3A_360 {
          %ge3A_591 = arith.constant 0 : i32
          %ge3A_592 = arith.cmpi sge, %scan3A_334, %ge3A_591 : i32
          %sub3A_593 = arith.subi %scan3A_334, %mul3A_11 : i32
          %jit3A_594 = arith.constant 313 : i32
          %select_n3A_595 = arith.select %ge3A_592, %sub3A_593, %jit3A_594 : i32
          %jit3A_596 = arith.constant 0 : i32
          %jit3A_597 = arith.constant 313 : i32
          %max3A_598 = arith.maxsi %jit3A_596, %select_n3A_595 : i32
          %min3A_599 = arith.minsi %jit3A_597, %max3A_598 : i32
          %mul3A_600 = arith.constant 128 : i32
          %mul3A_601 = arith.muli %min3A_599, %mul3A_600 : i32
          %add3A_602 = arith.constant 0 : i32
          %add3A_603 = arith.addi %mul3A_601, %add3A_602 : i32
          %swap3A_604 = arith.index_cast %add3A_603 : i32 to index
          %swap3A_605 = tpu.vector_load %arg9[%swap3A_604] {strides = array<i32>} : memref<40192xf32, #tpu.memory_space<vmem>>, vector<16xf32>,
          %swap3A_606 = vector.shape_cast %swap3A_605 : vector<16xf32> to vector<16xf32>
          %swap3A_607 = vector.shape_cast %scan3A_335 : vector<16xf32> to vector<16xf32>
          tpu.vector_store %arg9[%swap3A_604], %swap3A_607 {strides = array<i32>} : memref<40192xf32, #tpu.memory_space<vmem>>, vector<16xf32>,
          %mul3A_608 = arith.constant 128 : i32
          %mul3A_609 = arith.muli %min3A_599, %mul3A_608 : i32
          %add3A_610 = arith.constant 16 : i32
          %add3A_611 = arith.addi %mul3A_609, %add3A_610 : i32
          %swap3A_612 = arith.index_cast %add3A_611 : i32 to index
          %swap3A_613 = tpu.vector_load %arg9[%swap3A_612] {strides = array<i32>} : memref<40192xf32, #tpu.memory_space<vmem>>, vector<16xf32>,
          %swap3A_614 = vector.shape_cast %swap3A_613 : vector<16xf32> to vector<16xf32>
          %swap3A_615 = vector.shape_cast %scan3A_336 : vector<16xf32> to vector<16xf32>
          tpu.vector_store %arg9[%swap3A_612], %swap3A_615 {strides = array<i32>} : memref<40192xf32, #tpu.memory_space<vmem>>, vector<16xf32>,
          %mul3A_616 = arith.constant 128 : i32
          %mul3A_617 = arith.muli %min3A_599, %mul3A_616 : i32
          %add3A_618 = arith.constant 32 : i32
          %add3A_619 = arith.addi %mul3A_617, %add3A_618 : i32
          %swap3A_620 = arith.index_cast %add3A_619 : i32 to index
          %swap3A_621 = tpu.vector_load %arg9[%swap3A_620] {strides = array<i32>} : memref<40192xf32, #tpu.memory_space<vmem>>, vector<16xf32>,
          %swap3A_622 = vector.shape_cast %swap3A_621 : vector<16xf32> to vector<16xf32>
          %swap3A_623 = vector.shape_cast %scan3A_337 : vector<16xf32> to vector<16xf32>
          tpu.vector_store %arg9[%swap3A_620], %swap3A_623 {strides = array<i32>} : memref<40192xf32, #tpu.memory_space<vmem>>, vector<16xf32>,
          %mul3A_624 = arith.constant 128 : i32
          %mul3A_625 = arith.muli %min3A_599, %mul3A_624 : i32
          %add3A_626 = arith.constant 48 : i32
          %add3A_627 = arith.addi %mul3A_625, %add3A_626 : i32
          %swap3A_628 = arith.index_cast %add3A_627 : i32 to index
          %swap3A_629 = tpu.vector_load %arg9[%swap3A_628] {strides = array<i32>} : memref<40192xf32, #tpu.memory_space<vmem>>, vector<16xf32>,
          %swap3A_630 = vector.shape_cast %swap3A_629 : vector<16xf32> to vector<16xf32>
          %swap3A_631 = vector.shape_cast %scan3A_338 : vector<16xf32> to vector<16xf32>
          tpu.vector_store %arg9[%swap3A_628], %swap3A_631 {strides = array<i32>} : memref<40192xf32, #tpu.memory_space<vmem>>, vector<16xf32>,
          %mul3A_632 = arith.constant 128 : i32
          %mul3A_633 = arith.muli %min3A_599, %mul3A_632 : i32
          %add3A_634 = arith.constant 64 : i32
          %add3A_635 = arith.addi %mul3A_633, %add3A_634 : i32
          %swap3A_636 = arith.index_cast %add3A_635 : i32 to index
          %swap3A_637 = tpu.vector_load %arg9[%swap3A_636] {strides = array<i32>} : memref<40192xf32, #tpu.memory_space<vmem>>, vector<16xf32>,
          %swap3A_638 = vector.shape_cast %swap3A_637 : vector<16xf32> to vector<16xf32>
          %swap3A_639 = vector.shape_cast %scan3A_339 : vector<16xf32> to vector<16xf32>
          tpu.vector_store %arg9[%swap3A_636], %swap3A_639 {strides = array<i32>} : memref<40192xf32, #tpu.memory_space<vmem>>, vector<16xf32>,
          %mul3A_640 = arith.constant 128 : i32
          %mul3A_641 = arith.muli %min3A_599, %mul3A_640 : i32
          %add3A_642 = arith.constant 80 : i32
          %add3A_643 = arith.addi %mul3A_641, %add3A_642 : i32
          %swap3A_644 = arith.index_cast %add3A_643 : i32 to index
          %swap3A_645 = tpu.vector_load %arg9[%swap3A_644] {strides = array<i32>} : memref<40192xf32, #tpu.memory_space<vmem>>, vector<16xf32>,
          %swap3A_646 = vector.shape_cast %swap3A_645 : vector<16xf32> to vector<16xf32>
          %swap3A_647 = vector.shape_cast %scan3A_340 : vector<16xf32> to vector<16xf32>
          tpu.vector_store %arg9[%swap3A_644], %swap3A_647 {strides = array<i32>} : memref<40192xf32, #tpu.memory_space<vmem>>, vector<16xf32>,
          %mul3A_648 = arith.constant 128 : i32
          %mul3A_649 = arith.muli %min3A_599, %mul3A_648 : i32
          %add3A_650 = arith.constant 96 : i32
          %add3A_651 = arith.addi %mul3A_649, %add3A_650 : i32
          %swap3A_652 = arith.index_cast %add3A_651 : i32 to index
          %swap3A_653 = tpu.vector_load %arg9[%swap3A_652] {strides = array<i32>} : memref<40192xf32, #tpu.memory_space<vmem>>, vector<16xf32>,
          %swap3A_654 = vector.shape_cast %swap3A_653 : vector<16xf32> to vector<16xf32>
          %swap3A_655 = vector.shape_cast %scan3A_341 : vector<16xf32> to vector<16xf32>
          tpu.vector_store %arg9[%swap3A_652], %swap3A_655 {strides = array<i32>} : memref<40192xf32, #tpu.memory_space<vmem>>, vector<16xf32>,
          %mul3A_656 = arith.constant 128 : i32
          %mul3A_657 = arith.muli %min3A_599, %mul3A_656 : i32
          %add3A_658 = arith.constant 112 : i32
          %add3A_659 = arith.addi %mul3A_657, %add3A_658 : i32
          %swap3A_660 = arith.index_cast %add3A_659 : i32 to index
          %swap3A_661 = tpu.vector_load %arg9[%swap3A_660] {strides = array<i32>} : memref<40192xf32, #tpu.memory_space<vmem>>, vector<16xf32>,
          %swap3A_662 = vector.shape_cast %swap3A_661 : vector<16xf32> to vector<16xf32>
          %swap3A_663 = vector.shape_cast %scan3A_342 : vector<16xf32> to vector<16xf32>
          tpu.vector_store %arg9[%swap3A_660], %swap3A_663 {strides = array<i32>} : memref<40192xf32, #tpu.memory_space<vmem>>, vector<16xf32>,
        } else {
        }
        %select_n3A_361 = arith.select %and3A_349, %squeeze3A_354, %scan3A_334 : i32
        %sub3A_362 = arith.subi %select_n3A_361, %mul3A_11 : i32
        %jit3A_363 = arith.constant 0 : i32
        %jit3A_364 = arith.constant 312 : i32
        %max3A_365 = arith.maxsi %jit3A_363, %sub3A_362 : i32
        %min3A_366 = arith.minsi %jit3A_364, %max3A_365 : i32
        %mul3A_367 = arith.constant 128 : i32
        %mul3A_368 = arith.muli %scan3A_333, %mul3A_367 : i32
        %add3A_369 = arith.constant 0 : i32
        %add3A_370 = arith.addi %mul3A_368, %add3A_369 : i32
        %get3A_371 = arith.index_cast %add3A_370 : i32 to index
        %get3A_372 = tpu.vector_load %arg17[%get3A_371] {strides = array<i32>} : memref<8192xf32, #tpu.memory_space<vmem>>, vector<16xf32>,
        %get3A_373 = vector.shape_cast %get3A_372 : vector<16xf32> to vector<16xf32>
        %get3A_374 = arith.index_cast %scan3A_333 : i32 to index
        %get3A_375 = arith.constant 0 : index
        %get3A_376 = tpu.vector_load %arg16[%get3A_374, %get3A_375] {strides = array<i32>} : memref<64x128xf32, #tpu.memory_space<vmem>>, vector<1x16xf32>,
        %get3A_377 = vector.shape_cast %get3A_376 : vector<1x16xf32> to vector<16xf32>
        %add3A_378 = arith.addf %get3A_373, %get3A_377 : vector<16xf32>
        %mul3A_379 = arith.constant 128 : i32
        %mul3A_380 = arith.muli %min3A_366, %mul3A_379 : i32
        %add3A_381 = arith.constant 0 : i32
        %add3A_382 = arith.addi %mul3A_380, %add3A_381 : i32
        %get3A_383 = arith.index_cast %add3A_382 : i32 to index
        %get3A_384 = tpu.vector_load %arg10[%get3A_383] {strides = array<i32>} : memref<40064xf32, #tpu.memory_space<vmem>>, vector<16xf32>,
        %get3A_385 = vector.shape_cast %get3A_384 : vector<16xf32> to vector<16xf32>
        %add3A_386 = arith.addf %add3A_378, %get3A_385 : vector<16xf32>
        %max3A_387 = arith.constant 0.000000e+00 : f32
        %max3A_388 = vector.broadcast %max3A_387 : f32 to vector<16xf32>
        %max3A_389 = arith.maximumf %add3A_386, %max3A_388 : vector<16xf32>
        %jit3A_390 = arith.constant 0.000000e+00 : f32
        %broadcast_in_dim3A_391 = vector.broadcast %jit3A_390 : f32 to vector<16xf32>
        %select_n3A_392 = arith.select %eq3A_355, %scan3A_335, %broadcast_in_dim3A_391 : vector<16xf32>
        %add3A_393 = arith.addf %select_n3A_392, %max3A_389 : vector<16xf32>
        %select_n3A_394 = arith.select %and3A_349, %add3A_393, %scan3A_335 : vector<16xf32>
        %mul3A_395 = arith.constant 128 : i32
        %mul3A_396 = arith.muli %scan3A_333, %mul3A_395 : i32
        %add3A_397 = arith.constant 16 : i32
        %add3A_398 = arith.addi %mul3A_396, %add3A_397 : i32
        %get3A_399 = arith.index_cast %add3A_398 : i32 to index
        %get3A_400 = tpu.vector_load %arg17[%get3A_399] {strides = array<i32>} : memref<8192xf32, #tpu.memory_space<vmem>>, vector<16xf32>,
        %get3A_401 = vector.shape_cast %get3A_400 : vector<16xf32> to vector<16xf32>
        %get3A_402 = arith.index_cast %scan3A_333 : i32 to index
        %get3A_403 = arith.constant 16 : index
        %get3A_404 = tpu.vector_load %arg16[%get3A_402, %get3A_403] {strides = array<i32>} : memref<64x128xf32, #tpu.memory_space<vmem>>, vector<1x16xf32>,
        %get3A_405 = vector.shape_cast %get3A_404 : vector<1x16xf32> to vector<16xf32>
        %add3A_406 = arith.addf %get3A_401, %get3A_405 : vector<16xf32>
        %mul3A_407 = arith.constant 128 : i32
        %mul3A_408 = arith.muli %min3A_366, %mul3A_407 : i32
        %add3A_409 = arith.constant 16 : i32
        %add3A_410 = arith.addi %mul3A_408, %add3A_409 : i32
        %get3A_411 = arith.index_cast %add3A_410 : i32 to index
        %get3A_412 = tpu.vector_load %arg10[%get3A_411] {strides = array<i32>} : memref<40064xf32, #tpu.memory_space<vmem>>, vector<16xf32>,
        %get3A_413 = vector.shape_cast %get3A_412 : vector<16xf32> to vector<16xf32>
        %add3A_414 = arith.addf %add3A_406, %get3A_413 : vector<16xf32>
        %max3A_415 = arith.constant 0.000000e+00 : f32
        %max3A_416 = vector.broadcast %max3A_415 : f32 to vector<16xf32>
        %max3A_417 = arith.maximumf %add3A_414, %max3A_416 : vector<16xf32>
        %jit3A_418 = arith.constant 0.000000e+00 : f32
        %broadcast_in_dim3A_419 = vector.broadcast %jit3A_418 : f32 to vector<16xf32>
        %select_n3A_420 = arith.select %eq3A_355, %scan3A_336, %broadcast_in_dim3A_419 : vector<16xf32>
        %add3A_421 = arith.addf %select_n3A_420, %max3A_417 : vector<16xf32>
        %select_n3A_422 = arith.select %and3A_349, %add3A_421, %scan3A_336 : vector<16xf32>
        %mul3A_423 = arith.constant 128 : i32
        %mul3A_424 = arith.muli %scan3A_333, %mul3A_423 : i32
        %add3A_425 = arith.constant 32 : i32
        %add3A_426 = arith.addi %mul3A_424, %add3A_425 : i32
        %get3A_427 = arith.index_cast %add3A_426 : i32 to index
        %get3A_428 = tpu.vector_load %arg17[%get3A_427] {strides = array<i32>} : memref<8192xf32, #tpu.memory_space<vmem>>, vector<16xf32>,
        %get3A_429 = vector.shape_cast %get3A_428 : vector<16xf32> to vector<16xf32>
        %get3A_430 = arith.index_cast %scan3A_333 : i32 to index
        %get3A_431 = arith.constant 32 : index
        %get3A_432 = tpu.vector_load %arg16[%get3A_430, %get3A_431] {strides = array<i32>} : memref<64x128xf32, #tpu.memory_space<vmem>>, vector<1x16xf32>,
        %get3A_433 = vector.shape_cast %get3A_432 : vector<1x16xf32> to vector<16xf32>
        %add3A_434 = arith.addf %get3A_429, %get3A_433 : vector<16xf32>
        %mul3A_435 = arith.constant 128 : i32
        %mul3A_436 = arith.muli %min3A_366, %mul3A_435 : i32
        %add3A_437 = arith.constant 32 : i32
        %add3A_438 = arith.addi %mul3A_436, %add3A_437 : i32
        %get3A_439 = arith.index_cast %add3A_438 : i32 to index
        %get3A_440 = tpu.vector_load %arg10[%get3A_439] {strides = array<i32>} : memref<40064xf32, #tpu.memory_space<vmem>>, vector<16xf32>,
        %get3A_441 = vector.shape_cast %get3A_440 : vector<16xf32> to vector<16xf32>
        %add3A_442 = arith.addf %add3A_434, %get3A_441 : vector<16xf32>
        %max3A_443 = arith.constant 0.000000e+00 : f32
        %max3A_444 = vector.broadcast %max3A_443 : f32 to vector<16xf32>
        %max3A_445 = arith.maximumf %add3A_442, %max3A_444 : vector<16xf32>
        %jit3A_446 = arith.constant 0.000000e+00 : f32
        %broadcast_in_dim3A_447 = vector.broadcast %jit3A_446 : f32 to vector<16xf32>
        %select_n3A_448 = arith.select %eq3A_355, %scan3A_337, %broadcast_in_dim3A_447 : vector<16xf32>
        %add3A_449 = arith.addf %select_n3A_448, %max3A_445 : vector<16xf32>
        %select_n3A_450 = arith.select %and3A_349, %add3A_449, %scan3A_337 : vector<16xf32>
        %mul3A_451 = arith.constant 128 : i32
        %mul3A_452 = arith.muli %scan3A_333, %mul3A_451 : i32
        %add3A_453 = arith.constant 48 : i32
        %add3A_454 = arith.addi %mul3A_452, %add3A_453 : i32
        %get3A_455 = arith.index_cast %add3A_454 : i32 to index
        %get3A_456 = tpu.vector_load %arg17[%get3A_455] {strides = array<i32>} : memref<8192xf32, #tpu.memory_space<vmem>>, vector<16xf32>,
        %get3A_457 = vector.shape_cast %get3A_456 : vector<16xf32> to vector<16xf32>
        %get3A_458 = arith.index_cast %scan3A_333 : i32 to index
        %get3A_459 = arith.constant 48 : index
        %get3A_460 = tpu.vector_load %arg16[%get3A_458, %get3A_459] {strides = array<i32>} : memref<64x128xf32, #tpu.memory_space<vmem>>, vector<1x16xf32>,
        %get3A_461 = vector.shape_cast %get3A_460 : vector<1x16xf32> to vector<16xf32>
        %add3A_462 = arith.addf %get3A_457, %get3A_461 : vector<16xf32>
        %mul3A_463 = arith.constant 128 : i32
        %mul3A_464 = arith.muli %min3A_366, %mul3A_463 : i32
        %add3A_465 = arith.constant 48 : i32
        %add3A_466 = arith.addi %mul3A_464, %add3A_465 : i32
        %get3A_467 = arith.index_cast %add3A_466 : i32 to index
        %get3A_468 = tpu.vector_load %arg10[%get3A_467] {strides = array<i32>} : memref<40064xf32, #tpu.memory_space<vmem>>, vector<16xf32>,
        %get3A_469 = vector.shape_cast %get3A_468 : vector<16xf32> to vector<16xf32>
        %add3A_470 = arith.addf %add3A_462, %get3A_469 : vector<16xf32>
        %max3A_471 = arith.constant 0.000000e+00 : f32
        %max3A_472 = vector.broadcast %max3A_471 : f32 to vector<16xf32>
        %max3A_473 = arith.maximumf %add3A_470, %max3A_472 : vector<16xf32>
        %jit3A_474 = arith.constant 0.000000e+00 : f32
        %broadcast_in_dim3A_475 = vector.broadcast %jit3A_474 : f32 to vector<16xf32>
        %select_n3A_476 = arith.select %eq3A_355, %scan3A_338, %broadcast_in_dim3A_475 : vector<16xf32>
        %add3A_477 = arith.addf %select_n3A_476, %max3A_473 : vector<16xf32>
        %select_n3A_478 = arith.select %and3A_349, %add3A_477, %scan3A_338 : vector<16xf32>
        %mul3A_479 = arith.constant 128 : i32
        %mul3A_480 = arith.muli %scan3A_333, %mul3A_479 : i32
        %add3A_481 = arith.constant 64 : i32
        %add3A_482 = arith.addi %mul3A_480, %add3A_481 : i32
        %get3A_483 = arith.index_cast %add3A_482 : i32 to index
        %get3A_484 = tpu.vector_load %arg17[%get3A_483] {strides = array<i32>} : memref<8192xf32, #tpu.memory_space<vmem>>, vector<16xf32>,
        %get3A_485 = vector.shape_cast %get3A_484 : vector<16xf32> to vector<16xf32>
        %get3A_486 = arith.index_cast %scan3A_333 : i32 to index
        %get3A_487 = arith.constant 64 : index
        %get3A_488 = tpu.vector_load %arg16[%get3A_486, %get3A_487] {strides = array<i32>} : memref<64x128xf32, #tpu.memory_space<vmem>>, vector<1x16xf32>,
        %get3A_489 = vector.shape_cast %get3A_488 : vector<1x16xf32> to vector<16xf32>
        %add3A_490 = arith.addf %get3A_485, %get3A_489 : vector<16xf32>
        %mul3A_491 = arith.constant 128 : i32
        %mul3A_492 = arith.muli %min3A_366, %mul3A_491 : i32
        %add3A_493 = arith.constant 64 : i32
        %add3A_494 = arith.addi %mul3A_492, %add3A_493 : i32
        %get3A_495 = arith.index_cast %add3A_494 : i32 to index
        %get3A_496 = tpu.vector_load %arg10[%get3A_495] {strides = array<i32>} : memref<40064xf32, #tpu.memory_space<vmem>>, vector<16xf32>,
        %get3A_497 = vector.shape_cast %get3A_496 : vector<16xf32> to vector<16xf32>
        %add3A_498 = arith.addf %add3A_490, %get3A_497 : vector<16xf32>
        %max3A_499 = arith.constant 0.000000e+00 : f32
        %max3A_500 = vector.broadcast %max3A_499 : f32 to vector<16xf32>
        %max3A_501 = arith.maximumf %add3A_498, %max3A_500 : vector<16xf32>
        %jit3A_502 = arith.constant 0.000000e+00 : f32
        %broadcast_in_dim3A_503 = vector.broadcast %jit3A_502 : f32 to vector<16xf32>
        %select_n3A_504 = arith.select %eq3A_355, %scan3A_339, %broadcast_in_dim3A_503 : vector<16xf32>
        %add3A_505 = arith.addf %select_n3A_504, %max3A_501 : vector<16xf32>
        %select_n3A_506 = arith.select %and3A_349, %add3A_505, %scan3A_339 : vector<16xf32>
        %mul3A_507 = arith.constant 128 : i32
        %mul3A_508 = arith.muli %scan3A_333, %mul3A_507 : i32
        %add3A_509 = arith.constant 80 : i32
        %add3A_510 = arith.addi %mul3A_508, %add3A_509 : i32
        %get3A_511 = arith.index_cast %add3A_510 : i32 to index
        %get3A_512 = tpu.vector_load %arg17[%get3A_511] {strides = array<i32>} : memref<8192xf32, #tpu.memory_space<vmem>>, vector<16xf32>,
        %get3A_513 = vector.shape_cast %get3A_512 : vector<16xf32> to vector<16xf32>
        %get3A_514 = arith.index_cast %scan3A_333 : i32 to index
        %get3A_515 = arith.constant 80 : index
        %get3A_516 = tpu.vector_load %arg16[%get3A_514, %get3A_515] {strides = array<i32>} : memref<64x128xf32, #tpu.memory_space<vmem>>, vector<1x16xf32>,
        %get3A_517 = vector.shape_cast %get3A_516 : vector<1x16xf32> to vector<16xf32>
        %add3A_518 = arith.addf %get3A_513, %get3A_517 : vector<16xf32>
        %mul3A_519 = arith.constant 128 : i32
        %mul3A_520 = arith.muli %min3A_366, %mul3A_519 : i32
        %add3A_521 = arith.constant 80 : i32
        %add3A_522 = arith.addi %mul3A_520, %add3A_521 : i32
        %get3A_523 = arith.index_cast %add3A_522 : i32 to index
        %get3A_524 = tpu.vector_load %arg10[%get3A_523] {strides = array<i32>} : memref<40064xf32, #tpu.memory_space<vmem>>, vector<16xf32>,
        %get3A_525 = vector.shape_cast %get3A_524 : vector<16xf32> to vector<16xf32>
        %add3A_526 = arith.addf %add3A_518, %get3A_525 : vector<16xf32>
        %max3A_527 = arith.constant 0.000000e+00 : f32
        %max3A_528 = vector.broadcast %max3A_527 : f32 to vector<16xf32>
        %max3A_529 = arith.maximumf %add3A_526, %max3A_528 : vector<16xf32>
        %jit3A_530 = arith.constant 0.000000e+00 : f32
        %broadcast_in_dim3A_531 = vector.broadcast %jit3A_530 : f32 to vector<16xf32>
        %select_n3A_532 = arith.select %eq3A_355, %scan3A_340, %broadcast_in_dim3A_531 : vector<16xf32>
        %add3A_533 = arith.addf %select_n3A_532, %max3A_529 : vector<16xf32>
        %select_n3A_534 = arith.select %and3A_349, %add3A_533, %scan3A_340 : vector<16xf32>
        %mul3A_535 = arith.constant 128 : i32
        %mul3A_536 = arith.muli %scan3A_333, %mul3A_535 : i32
        %add3A_537 = arith.constant 96 : i32
        %add3A_538 = arith.addi %mul3A_536, %add3A_537 : i32
        %get3A_539 = arith.index_cast %add3A_538 : i32 to index
        %get3A_540 = tpu.vector_load %arg17[%get3A_539] {strides = array<i32>} : memref<8192xf32, #tpu.memory_space<vmem>>, vector<16xf32>,
        %get3A_541 = vector.shape_cast %get3A_540 : vector<16xf32> to vector<16xf32>
        %get3A_542 = arith.index_cast %scan3A_333 : i32 to index
        %get3A_543 = arith.constant 96 : index
        %get3A_544 = tpu.vector_load %arg16[%get3A_542, %get3A_543] {strides = array<i32>} : memref<64x128xf32, #tpu.memory_space<vmem>>, vector<1x16xf32>,
        %get3A_545 = vector.shape_cast %get3A_544 : vector<1x16xf32> to vector<16xf32>
        %add3A_546 = arith.addf %get3A_541, %get3A_545 : vector<16xf32>
        %mul3A_547 = arith.constant 128 : i32
        %mul3A_548 = arith.muli %min3A_366, %mul3A_547 : i32
        %add3A_549 = arith.constant 96 : i32
        %add3A_550 = arith.addi %mul3A_548, %add3A_549 : i32
        %get3A_551 = arith.index_cast %add3A_550 : i32 to index
        %get3A_552 = tpu.vector_load %arg10[%get3A_551] {strides = array<i32>} : memref<40064xf32, #tpu.memory_space<vmem>>, vector<16xf32>,
        %get3A_553 = vector.shape_cast %get3A_552 : vector<16xf32> to vector<16xf32>
        %add3A_554 = arith.addf %add3A_546, %get3A_553 : vector<16xf32>
        %max3A_555 = arith.constant 0.000000e+00 : f32
        %max3A_556 = vector.broadcast %max3A_555 : f32 to vector<16xf32>
        %max3A_557 = arith.maximumf %add3A_554, %max3A_556 : vector<16xf32>
        %jit3A_558 = arith.constant 0.000000e+00 : f32
        %broadcast_in_dim3A_559 = vector.broadcast %jit3A_558 : f32 to vector<16xf32>
        %select_n3A_560 = arith.select %eq3A_355, %scan3A_341, %broadcast_in_dim3A_559 : vector<16xf32>
        %add3A_561 = arith.addf %select_n3A_560, %max3A_557 : vector<16xf32>
        %select_n3A_562 = arith.select %and3A_349, %add3A_561, %scan3A_341 : vector<16xf32>
        %mul3A_563 = arith.constant 128 : i32
        %mul3A_564 = arith.muli %scan3A_333, %mul3A_563 : i32
        %add3A_565 = arith.constant 112 : i32
        %add3A_566 = arith.addi %mul3A_564, %add3A_565 : i32
        %get3A_567 = arith.index_cast %add3A_566 : i32 to index
        %get3A_568 = tpu.vector_load %arg17[%get3A_567] {strides = array<i32>} : memref<8192xf32, #tpu.memory_space<vmem>>, vector<16xf32>,
        %get3A_569 = vector.shape_cast %get3A_568 : vector<16xf32> to vector<16xf32>
        %get3A_570 = arith.index_cast %scan3A_333 : i32 to index
        %get3A_571 = arith.constant 112 : index
        %get3A_572 = tpu.vector_load %arg16[%get3A_570, %get3A_571] {strides = array<i32>} : memref<64x128xf32, #tpu.memory_space<vmem>>, vector<1x16xf32>,
        %get3A_573 = vector.shape_cast %get3A_572 : vector<1x16xf32> to vector<16xf32>
        %add3A_574 = arith.addf %get3A_569, %get3A_573 : vector<16xf32>
        %mul3A_575 = arith.constant 128 : i32
        %mul3A_576 = arith.muli %min3A_366, %mul3A_575 : i32
        %add3A_577 = arith.constant 112 : i32
        %add3A_578 = arith.addi %mul3A_576, %add3A_577 : i32
        %get3A_579 = arith.index_cast %add3A_578 : i32 to index
        %get3A_580 = tpu.vector_load %arg10[%get3A_579] {strides = array<i32>} : memref<40064xf32, #tpu.memory_space<vmem>>, vector<16xf32>,
        %get3A_581 = vector.shape_cast %get3A_580 : vector<16xf32> to vector<16xf32>
        %add3A_582 = arith.addf %add3A_574, %get3A_581 : vector<16xf32>
        %max3A_583 = arith.constant 0.000000e+00 : f32
        %max3A_584 = vector.broadcast %max3A_583 : f32 to vector<16xf32>
        %max3A_585 = arith.maximumf %add3A_582, %max3A_584 : vector<16xf32>
        %jit3A_586 = arith.constant 0.000000e+00 : f32
        %broadcast_in_dim3A_587 = vector.broadcast %jit3A_586 : f32 to vector<16xf32>
        %select_n3A_588 = arith.select %eq3A_355, %scan3A_342, %broadcast_in_dim3A_587 : vector<16xf32>
        %add3A_589 = arith.addf %select_n3A_588, %max3A_585 : vector<16xf32>
        %select_n3A_590 = arith.select %and3A_349, %add3A_589, %scan3A_342 : vector<16xf32>
        scf.yield %select_n3A_361, %select_n3A_394, %select_n3A_422, %select_n3A_450, %select_n3A_478, %select_n3A_506, %select_n3A_534, %select_n3A_562, %select_n3A_590 : i32, vector<16xf32>, vector<16xf32>, vector<16xf32>, vector<16xf32>, vector<16xf32>, vector<16xf32>, vector<16xf32>, vector<16xf32>
      }
      %scan3A_332 = arith.constant 64 : i32
      scf.yield %scan3A_331#0, %scan3A_331#1, %scan3A_331#2, %scan3A_331#3, %scan3A_331#4, %scan3A_331#5, %scan3A_331#6, %scan3A_331#7, %scan3A_331#8 : i32, vector<16xf32>, vector<16xf32>, vector<16xf32>, vector<16xf32>, vector<16xf32>, vector<16xf32>, vector<16xf32>, vector<16xf32>
    }
    %while3A_99 = arith.constant 1 : i32
    %while3A_100:9 = scf.for %while3A_180 = %while3A_96 to %while3A_92 step %while3A_99 iter_args(%while3A_181 = %while3A_98#0, %while3A_182 = %while3A_98#1, %while3A_183 = %while3A_98#2, %while3A_184 = %while3A_98#3, %while3A_185 = %while3A_98#4, %while3A_186 = %while3A_98#5, %while3A_187 = %while3A_98#6, %while3A_188 = %while3A_98#7, %while3A_189 = %while3A_98#8) -> (i32, vector<16xf32>, vector<16xf32>, vector<16xf32>, vector<16xf32>, vector<16xf32>, vector<16xf32>, vector<16xf32>, vector<16xf32>)  : i32 {
      %sub3A_190 = arith.constant 1 : i32
      %sub3A_191 = arith.subi %select_n3A_58, %sub3A_190 : i32
      %lt3A_192 = arith.cmpi slt, %while3A_180, %sub3A_191 : i32
      %mul3A_193 = arith.constant 2 : i32
      %mul3A_194 = arith.muli %mul3A_193, %while3A_180 : i32
      %dma_wait3A = arith.constant 0 : i32
      %dma_wait3A_195 = arith.constant 0 : i32
      %dma_wait3A_196 = tpu.memref_slice %arg2[%dma_wait3A, %dma_wait3A_195] : memref<10000x128xf32, #tpu.memory_space<hbm>> -> memref<10000x128xf32, #tpu.memory_space<hbm>>
      tpu.wait_indirect_dma semaphore(%arg22 : memref<!tpu.dma_semaphore, #tpu.memory_space<semaphore_mem>>) src(%dma_wait3A_196 : memref<10000x128xf32, #tpu.memory_space<hbm>>) dst(%arg11 : memref<64x128xf32, #tpu.memory_space<vmem>>)
      %mul3A_197 = arith.constant 64 : i32
      %mul3A_198 = arith.muli %mul3A_194, %mul3A_197 : i32
      %add3A_199 = arith.addi %mul3A_29, %mul3A_198 : i32
      %mul3A_200 = arith.constant 128 : i32
      %mul3A_201 = arith.muli %add3A_199, %mul3A_200 : i32
      %dma_wait3A_202 = tpu.memref_slice %arg4[%mul3A_201] : memref<41216000xf32, #tpu.memory_space<hbm>> -> memref<8192xf32, #tpu.memory_space<hbm>>
      %dma_wait3A_203 = tpu.memref_slice %arg4[%mul3A_201] : memref<41216000xf32, #tpu.memory_space<hbm>> -> memref<8192xf32, #tpu.memory_space<hbm>>
      tpu.wait_dma2 semaphore(%arg23 : memref<!tpu.dma_semaphore, #tpu.memory_space<semaphore_mem>>) src(%dma_wait3A_203 : memref<8192xf32, #tpu.memory_space<hbm>>) dst(%arg12 : memref<8192xf32, #tpu.memory_space<vmem>>)
      %get3A_204 = arith.constant 0 : index
      %get3A_205 = tpu.vector_load %arg14[%get3A_204] {strides = array<i32>} : memref<80xi32, #tpu.memory_space<vmem>>, vector<16xi32>,
      %get3A_206 = vector.shape_cast %get3A_205 : vector<16xi32> to vector<16xi32>
      %swap3A_207 = arith.constant 0 : index
      %swap3A_208 = tpu.vector_load %arg15[%swap3A_207] {strides = array<i32>} : memref<80xi32, #tpu.memory_space<vmem>>, vector<16xi32>,
      %swap3A_209 = vector.shape_cast %swap3A_208 : vector<16xi32> to vector<16xi32>
      %swap3A_210 = vector.shape_cast %get3A_206 : vector<16xi32> to vector<16xi32>
      tpu.vector_store %arg15[%swap3A_207], %swap3A_210 {strides = array<i32>} : memref<80xi32, #tpu.memory_space<vmem>>, vector<16xi32>,
      %get3A_211 = arith.constant 16 : index
      %get3A_212 = tpu.vector_load %arg14[%get3A_211] {strides = array<i32>} : memref<80xi32, #tpu.memory_space<vmem>>, vector<16xi32>,
      %get3A_213 = vector.shape_cast %get3A_212 : vector<16xi32> to vector<16xi32>
      %swap3A_214 = arith.constant 16 : index
      %swap3A_215 = tpu.vector_load %arg15[%swap3A_214] {strides = array<i32>} : memref<80xi32, #tpu.memory_space<vmem>>, vector<16xi32>,
      %swap3A_216 = vector.shape_cast %swap3A_215 : vector<16xi32> to vector<16xi32>
      %swap3A_217 = vector.shape_cast %get3A_213 : vector<16xi32> to vector<16xi32>
      tpu.vector_store %arg15[%swap3A_214], %swap3A_217 {strides = array<i32>} : memref<80xi32, #tpu.memory_space<vmem>>, vector<16xi32>,
      %get3A_218 = arith.constant 32 : index
      %get3A_219 = tpu.vector_load %arg14[%get3A_218] {strides = array<i32>} : memref<80xi32, #tpu.memory_space<vmem>>, vector<16xi32>,
      %get3A_220 = vector.shape_cast %get3A_219 : vector<16xi32> to vector<16xi32>
      %swap3A_221 = arith.constant 32 : index
      %swap3A_222 = tpu.vector_load %arg15[%swap3A_221] {strides = array<i32>} : memref<80xi32, #tpu.memory_space<vmem>>, vector<16xi32>,
      %swap3A_223 = vector.shape_cast %swap3A_222 : vector<16xi32> to vector<16xi32>
      %swap3A_224 = vector.shape_cast %get3A_220 : vector<16xi32> to vector<16xi32>
      tpu.vector_store %arg15[%swap3A_221], %swap3A_224 {strides = array<i32>} : memref<80xi32, #tpu.memory_space<vmem>>, vector<16xi32>,
      %get3A_225 = arith.constant 48 : index
      %get3A_226 = tpu.vector_load %arg14[%get3A_225] {strides = array<i32>} : memref<80xi32, #tpu.memory_space<vmem>>, vector<16xi32>,
      %get3A_227 = vector.shape_cast %get3A_226 : vector<16xi32> to vector<16xi32>
      %swap3A_228 = arith.constant 48 : index
      %swap3A_229 = tpu.vector_load %arg15[%swap3A_228] {strides = array<i32>} : memref<80xi32, #tpu.memory_space<vmem>>, vector<16xi32>,
      %swap3A_230 = vector.shape_cast %swap3A_229 : vector<16xi32> to vector<16xi32>
      %swap3A_231 = vector.shape_cast %get3A_227 : vector<16xi32> to vector<16xi32>
      tpu.vector_store %arg15[%swap3A_228], %swap3A_231 {strides = array<i32>} : memref<80xi32, #tpu.memory_space<vmem>>, vector<16xi32>,
      %get3A_232 = arith.constant 64 : index
      %get3A_233 = tpu.vector_load %arg14[%get3A_232] {strides = array<i32>} : memref<80xi32, #tpu.memory_space<vmem>>, vector<16xi32>,
      %get3A_234 = vector.shape_cast %get3A_233 : vector<16xi32> to vector<16xi32>
      %swap3A_235 = arith.constant 64 : index
      %swap3A_236 = tpu.vector_load %arg15[%swap3A_235] {strides = array<i32>} : memref<80xi32, #tpu.memory_space<vmem>>, vector<16xi32>,
      %swap3A_237 = vector.shape_cast %swap3A_236 : vector<16xi32> to vector<16xi32>
      %swap3A_238 = vector.shape_cast %get3A_234 : vector<16xi32> to vector<16xi32>
      tpu.vector_store %arg15[%swap3A_235], %swap3A_238 {strides = array<i32>} : memref<80xi32, #tpu.memory_space<vmem>>, vector<16xi32>,
      %convert_element_type3A_239 = arith.extui %lt3A_192 : i1 to i32
      %cond3A_240 = arith.constant 0 : i32
      %cond3A_241 = arith.cmpi ne, %convert_element_type3A_239, %cond3A_240 : i32
      scf.if %cond3A_241 {
        %add3A_333 = arith.constant 2 : i32
        %add3A_334 = arith.addi %mul3A_194, %add3A_333 : i32
        %mul3A_335 = arith.constant 64 : i32
        %mul3A_336 = arith.muli %add3A_334, %mul3A_335 : i32
        %add3A_337 = arith.addi %mul3A_29, %mul3A_336 : i32
        %dma_start3A_338 = tpu.memref_slice %arg5[%add3A_337] : memref<322000xi32, #tpu.memory_space<hbm>> -> memref<64xi32, #tpu.memory_space<hbm>>
        %dma_start3A_339 = tpu.memref_slice %arg5[%add3A_337] : memref<322000xi32, #tpu.memory_space<hbm>> -> memref<64xi32, #tpu.memory_space<hbm>>
        tpu.enqueue_dma source(%dma_start3A_339 : memref<64xi32, #tpu.memory_space<hbm>>) target(%arg13 : memref<64xi32, #tpu.memory_space<vmem>>) target_semaphore(%arg24 : memref<!tpu.dma_semaphore, #tpu.memory_space<semaphore_mem>>)
        %dma_start3A_340 = arith.constant 0 : i32
        %dma_start3A_341 = tpu.memref_slice %arg14[%dma_start3A_340] : memref<80xi32, #tpu.memory_space<vmem>> -> memref<64xi32, #tpu.memory_space<vmem>>
        %dma_start3A_342 = tpu.memref_slice %arg6[%add3A_337] : memref<322000xi32, #tpu.memory_space<hbm>> -> memref<64xi32, #tpu.memory_space<hbm>>
        %dma_start3A_343 = arith.constant 0 : i32
        %dma_start3A_344 = tpu.memref_slice %arg14[%dma_start3A_343] : memref<80xi32, #tpu.memory_space<vmem>> -> memref<64xi32, #tpu.memory_space<vmem>>
        %dma_start3A_345 = tpu.memref_slice %arg6[%add3A_337] : memref<322000xi32, #tpu.memory_space<hbm>> -> memref<64xi32, #tpu.memory_space<hbm>>
        tpu.enqueue_dma source(%dma_start3A_345 : memref<64xi32, #tpu.memory_space<hbm>>) target(%dma_start3A_344 : memref<64xi32, #tpu.memory_space<vmem>>) target_semaphore(%arg24 : memref<!tpu.dma_semaphore, #tpu.memory_space<semaphore_mem>>)
      } else {
      }
      %add3A_242 = arith.constant 1 : i32
      %add3A_243 = arith.addi %mul3A_194, %add3A_242 : i32
      %mul3A_244 = arith.constant 64 : i32
      %mul3A_245 = arith.muli %add3A_243, %mul3A_244 : i32
      %add3A_246 = arith.addi %mul3A_29, %mul3A_245 : i32
      %dma_wait3A_247 = tpu.memref_slice %arg5[%add3A_246] : memref<322000xi32, #tpu.memory_space<hbm>> -> memref<64xi32, #tpu.memory_space<hbm>>
      %dma_wait3A_248 = tpu.memref_slice %arg5[%add3A_246] : memref<322000xi32, #tpu.memory_space<hbm>> -> memref<64xi32, #tpu.memory_space<hbm>>
      tpu.wait_dma2 semaphore(%arg27 : memref<!tpu.dma_semaphore, #tpu.memory_space<semaphore_mem>>) src(%dma_wait3A_248 : memref<64xi32, #tpu.memory_space<hbm>>) dst(%arg18 : memref<64xi32, #tpu.memory_space<vmem>>)
      %dma_wait3A_249 = arith.constant 0 : i32
      %dma_wait3A_250 = tpu.memref_slice %arg19[%dma_wait3A_249] : memref<80xi32, #tpu.memory_space<vmem>> -> memref<64xi32, #tpu.memory_space<vmem>>
      %dma_wait3A_251 = tpu.memref_slice %arg6[%add3A_246] : memref<322000xi32, #tpu.memory_space<hbm>> -> memref<64xi32, #tpu.memory_space<hbm>>
      %dma_wait3A_252 = arith.constant 0 : i32
      %dma_wait3A_253 = tpu.memref_slice %arg19[%dma_wait3A_252] : memref<80xi32, #tpu.memory_space<vmem>> -> memref<64xi32, #tpu.memory_space<vmem>>
      %dma_wait3A_254 = tpu.memref_slice %arg6[%add3A_246] : memref<322000xi32, #tpu.memory_space<hbm>> -> memref<64xi32, #tpu.memory_space<hbm>>
      tpu.wait_dma2 semaphore(%arg27 : memref<!tpu.dma_semaphore, #tpu.memory_space<semaphore_mem>>) src(%dma_wait3A_254 : memref<64xi32, #tpu.memory_space<hbm>>) dst(%dma_wait3A_253 : memref<64xi32, #tpu.memory_space<vmem>>)
      %add3A_255 = arith.constant 1 : i32
      %add3A_256 = arith.addi %mul3A_194, %add3A_255 : i32
      %dma_start3A = arith.constant 0 : i32
      %dma_start3A_257 = arith.constant 0 : i32
      %dma_start3A_258 = tpu.memref_slice %arg2[%dma_start3A, %dma_start3A_257] : memref<10000x128xf32, #tpu.memory_space<hbm>> -> memref<10000x128xf32, #tpu.memory_space<hbm>>
      tpu.enqueue_indirect_dma source(%dma_start3A_258 : memref<10000x128xf32, #tpu.memory_space<hbm>>) target(%arg16 : memref<64x128xf32, #tpu.memory_space<vmem>>) offsets(%arg18 : memref<64xi32, #tpu.memory_space<vmem>>) semaphore(%arg25 : memref<!tpu.dma_semaphore, #tpu.memory_space<semaphore_mem>>)
      %mul3A_259 = arith.constant 64 : i32
      %mul3A_260 = arith.muli %add3A_256, %mul3A_259 : i32
      %add3A_261 = arith.addi %mul3A_29, %mul3A_260 : i32
      %mul3A_262 = arith.constant 128 : i32
      %mul3A_263 = arith.muli %add3A_261, %mul3A_262 : i32
      %dma_start3A_264 = tpu.memref_slice %arg4[%mul3A_263] : memref<41216000xf32, #tpu.memory_space<hbm>> -> memref<8192xf32, #tpu.memory_space<hbm>>
      %dma_start3A_265 = tpu.memref_slice %arg4[%mul3A_263] : memref<41216000xf32, #tpu.memory_space<hbm>> -> memref<8192xf32, #tpu.memory_space<hbm>>
      tpu.enqueue_dma source(%dma_start3A_265 : memref<8192xf32, #tpu.memory_space<hbm>>) target(%arg17 : memref<8192xf32, #tpu.memory_space<vmem>>) target_semaphore(%arg26 : memref<!tpu.dma_semaphore, #tpu.memory_space<semaphore_mem>>)
      %scan3A_266 = arith.constant 0 : i32
      %scan3A_267 = arith.constant 64 : i32
      %scan3A_268 = arith.addi %scan3A_266, %scan3A_267 : i32
      %scan3A_269 = arith.constant 1 : i32
      %scan3A_270:9 = scf.for %scan3A_333 = %scan3A_266 to %scan3A_268 step %scan3A_269 iter_args(%scan3A_334 = %while3A_181, %scan3A_335 = %while3A_182, %scan3A_336 = %while3A_183, %scan3A_337 = %while3A_184, %scan3A_338 = %while3A_185, %scan3A_339 = %while3A_186, %scan3A_340 = %while3A_187, %scan3A_341 = %while3A_188, %scan3A_342 = %while3A_189) -> (i32, vector<16xf32>, vector<16xf32>, vector<16xf32>, vector<16xf32>, vector<16xf32>, vector<16xf32>, vector<16xf32>, vector<16xf32>)  : i32 {
        %mul3A_343 = arith.constant 64 : i32
        %mul3A_344 = arith.muli %mul3A_194, %mul3A_343 : i32
        %add3A_345 = arith.addi %mul3A_29, %mul3A_344 : i32
        %add3A_346 = arith.addi %add3A_345, %scan3A_333 : i32
        %ge3A_347 = arith.cmpi sge, %add3A_346, %squeeze3A : i32
        %lt3A_348 = arith.cmpi slt, %add3A_346, %squeeze3A_9 : i32
        %and3A_349 = arith.andi %ge3A_347, %lt3A_348 : i1
        %get3A_350 = arith.index_cast %scan3A_333 : i32 to index
        %get3A_351 = tpu.vector_load %arg15[%get3A_350] {strides = array<i32>} : memref<80xi32, #tpu.memory_space<vmem>>, vector<16xi32>,
        %get3A_352 = vector.shape_cast %get3A_351 : vector<16xi32> to vector<16xi32>
        %slice3A_353 = vector.extract_strided_slice %get3A_352 {offsets = [0], sizes = [1], strides = [1]} : vector<16xi32> to vector<1xi32>
        %squeeze3A_354 = vector.extract %slice3A_353[0] : i32 from vector<1xi32>
        %eq3A_355 = arith.cmpi eq, %squeeze3A_354, %scan3A_334 : i32
        %not3A = arith.constant true
        %not3A_356 = arith.xori %eq3A_355, %not3A : i1
        %and3A_357 = arith.andi %and3A_349, %not3A_356 : i1
        %convert_element_type3A_358 = arith.extui %and3A_357 : i1 to i32
        %cond3A_359 = arith.constant 0 : i32
        %cond3A_360 = arith.cmpi ne, %convert_element_type3A_358, %cond3A_359 : i32
        scf.if %cond3A_360 {
          %ge3A_591 = arith.constant 0 : i32
          %ge3A_592 = arith.cmpi sge, %scan3A_334, %ge3A_591 : i32
          %sub3A_593 = arith.subi %scan3A_334, %mul3A_11 : i32
          %jit3A_594 = arith.constant 313 : i32
          %select_n3A_595 = arith.select %ge3A_592, %sub3A_593, %jit3A_594 : i32
          %jit3A_596 = arith.constant 0 : i32
          %jit3A_597 = arith.constant 313 : i32
          %max3A_598 = arith.maxsi %jit3A_596, %select_n3A_595 : i32
          %min3A_599 = arith.minsi %jit3A_597, %max3A_598 : i32
          %mul3A_600 = arith.constant 128 : i32
          %mul3A_601 = arith.muli %min3A_599, %mul3A_600 : i32
          %add3A_602 = arith.constant 0 : i32
          %add3A_603 = arith.addi %mul3A_601, %add3A_602 : i32
          %swap3A_604 = arith.index_cast %add3A_603 : i32 to index
          %swap3A_605 = tpu.vector_load %arg9[%swap3A_604] {strides = array<i32>} : memref<40192xf32, #tpu.memory_space<vmem>>, vector<16xf32>,
          %swap3A_606 = vector.shape_cast %swap3A_605 : vector<16xf32> to vector<16xf32>
          %swap3A_607 = vector.shape_cast %scan3A_335 : vector<16xf32> to vector<16xf32>
          tpu.vector_store %arg9[%swap3A_604], %swap3A_607 {strides = array<i32>} : memref<40192xf32, #tpu.memory_space<vmem>>, vector<16xf32>,
          %mul3A_608 = arith.constant 128 : i32
          %mul3A_609 = arith.muli %min3A_599, %mul3A_608 : i32
          %add3A_610 = arith.constant 16 : i32
          %add3A_611 = arith.addi %mul3A_609, %add3A_610 : i32
          %swap3A_612 = arith.index_cast %add3A_611 : i32 to index
          %swap3A_613 = tpu.vector_load %arg9[%swap3A_612] {strides = array<i32>} : memref<40192xf32, #tpu.memory_space<vmem>>, vector<16xf32>,
          %swap3A_614 = vector.shape_cast %swap3A_613 : vector<16xf32> to vector<16xf32>
          %swap3A_615 = vector.shape_cast %scan3A_336 : vector<16xf32> to vector<16xf32>
          tpu.vector_store %arg9[%swap3A_612], %swap3A_615 {strides = array<i32>} : memref<40192xf32, #tpu.memory_space<vmem>>, vector<16xf32>,
          %mul3A_616 = arith.constant 128 : i32
          %mul3A_617 = arith.muli %min3A_599, %mul3A_616 : i32
          %add3A_618 = arith.constant 32 : i32
          %add3A_619 = arith.addi %mul3A_617, %add3A_618 : i32
          %swap3A_620 = arith.index_cast %add3A_619 : i32 to index
          %swap3A_621 = tpu.vector_load %arg9[%swap3A_620] {strides = array<i32>} : memref<40192xf32, #tpu.memory_space<vmem>>, vector<16xf32>,
          %swap3A_622 = vector.shape_cast %swap3A_621 : vector<16xf32> to vector<16xf32>
          %swap3A_623 = vector.shape_cast %scan3A_337 : vector<16xf32> to vector<16xf32>
          tpu.vector_store %arg9[%swap3A_620], %swap3A_623 {strides = array<i32>} : memref<40192xf32, #tpu.memory_space<vmem>>, vector<16xf32>,
          %mul3A_624 = arith.constant 128 : i32
          %mul3A_625 = arith.muli %min3A_599, %mul3A_624 : i32
          %add3A_626 = arith.constant 48 : i32
          %add3A_627 = arith.addi %mul3A_625, %add3A_626 : i32
          %swap3A_628 = arith.index_cast %add3A_627 : i32 to index
          %swap3A_629 = tpu.vector_load %arg9[%swap3A_628] {strides = array<i32>} : memref<40192xf32, #tpu.memory_space<vmem>>, vector<16xf32>,
          %swap3A_630 = vector.shape_cast %swap3A_629 : vector<16xf32> to vector<16xf32>
          %swap3A_631 = vector.shape_cast %scan3A_338 : vector<16xf32> to vector<16xf32>
          tpu.vector_store %arg9[%swap3A_628], %swap3A_631 {strides = array<i32>} : memref<40192xf32, #tpu.memory_space<vmem>>, vector<16xf32>,
          %mul3A_632 = arith.constant 128 : i32
          %mul3A_633 = arith.muli %min3A_599, %mul3A_632 : i32
          %add3A_634 = arith.constant 64 : i32
          %add3A_635 = arith.addi %mul3A_633, %add3A_634 : i32
          %swap3A_636 = arith.index_cast %add3A_635 : i32 to index
          %swap3A_637 = tpu.vector_load %arg9[%swap3A_636] {strides = array<i32>} : memref<40192xf32, #tpu.memory_space<vmem>>, vector<16xf32>,
          %swap3A_638 = vector.shape_cast %swap3A_637 : vector<16xf32> to vector<16xf32>
          %swap3A_639 = vector.shape_cast %scan3A_339 : vector<16xf32> to vector<16xf32>
          tpu.vector_store %arg9[%swap3A_636], %swap3A_639 {strides = array<i32>} : memref<40192xf32, #tpu.memory_space<vmem>>, vector<16xf32>,
          %mul3A_640 = arith.constant 128 : i32
          %mul3A_641 = arith.muli %min3A_599, %mul3A_640 : i32
          %add3A_642 = arith.constant 80 : i32
          %add3A_643 = arith.addi %mul3A_641, %add3A_642 : i32
          %swap3A_644 = arith.index_cast %add3A_643 : i32 to index
          %swap3A_645 = tpu.vector_load %arg9[%swap3A_644] {strides = array<i32>} : memref<40192xf32, #tpu.memory_space<vmem>>, vector<16xf32>,
          %swap3A_646 = vector.shape_cast %swap3A_645 : vector<16xf32> to vector<16xf32>
          %swap3A_647 = vector.shape_cast %scan3A_340 : vector<16xf32> to vector<16xf32>
          tpu.vector_store %arg9[%swap3A_644], %swap3A_647 {strides = array<i32>} : memref<40192xf32, #tpu.memory_space<vmem>>, vector<16xf32>,
          %mul3A_648 = arith.constant 128 : i32
          %mul3A_649 = arith.muli %min3A_599, %mul3A_648 : i32
          %add3A_650 = arith.constant 96 : i32
          %add3A_651 = arith.addi %mul3A_649, %add3A_650 : i32
          %swap3A_652 = arith.index_cast %add3A_651 : i32 to index
          %swap3A_653 = tpu.vector_load %arg9[%swap3A_652] {strides = array<i32>} : memref<40192xf32, #tpu.memory_space<vmem>>, vector<16xf32>,
          %swap3A_654 = vector.shape_cast %swap3A_653 : vector<16xf32> to vector<16xf32>
          %swap3A_655 = vector.shape_cast %scan3A_341 : vector<16xf32> to vector<16xf32>
          tpu.vector_store %arg9[%swap3A_652], %swap3A_655 {strides = array<i32>} : memref<40192xf32, #tpu.memory_space<vmem>>, vector<16xf32>,
          %mul3A_656 = arith.constant 128 : i32
          %mul3A_657 = arith.muli %min3A_599, %mul3A_656 : i32
          %add3A_658 = arith.constant 112 : i32
          %add3A_659 = arith.addi %mul3A_657, %add3A_658 : i32
          %swap3A_660 = arith.index_cast %add3A_659 : i32 to index
          %swap3A_661 = tpu.vector_load %arg9[%swap3A_660] {strides = array<i32>} : memref<40192xf32, #tpu.memory_space<vmem>>, vector<16xf32>,
          %swap3A_662 = vector.shape_cast %swap3A_661 : vector<16xf32> to vector<16xf32>
          %swap3A_663 = vector.shape_cast %scan3A_342 : vector<16xf32> to vector<16xf32>
          tpu.vector_store %arg9[%swap3A_660], %swap3A_663 {strides = array<i32>} : memref<40192xf32, #tpu.memory_space<vmem>>, vector<16xf32>,
        } else {
        }
        %select_n3A_361 = arith.select %and3A_349, %squeeze3A_354, %scan3A_334 : i32
        %sub3A_362 = arith.subi %select_n3A_361, %mul3A_11 : i32
        %jit3A_363 = arith.constant 0 : i32
        %jit3A_364 = arith.constant 312 : i32
        %max3A_365 = arith.maxsi %jit3A_363, %sub3A_362 : i32
        %min3A_366 = arith.minsi %jit3A_364, %max3A_365 : i32
        %mul3A_367 = arith.constant 128 : i32
        %mul3A_368 = arith.muli %scan3A_333, %mul3A_367 : i32
        %add3A_369 = arith.constant 0 : i32
        %add3A_370 = arith.addi %mul3A_368, %add3A_369 : i32
        %get3A_371 = arith.index_cast %add3A_370 : i32 to index
        %get3A_372 = tpu.vector_load %arg12[%get3A_371] {strides = array<i32>} : memref<8192xf32, #tpu.memory_space<vmem>>, vector<16xf32>,
        %get3A_373 = vector.shape_cast %get3A_372 : vector<16xf32> to vector<16xf32>
        %get3A_374 = arith.index_cast %scan3A_333 : i32 to index
        %get3A_375 = arith.constant 0 : index
        %get3A_376 = tpu.vector_load %arg11[%get3A_374, %get3A_375] {strides = array<i32>} : memref<64x128xf32, #tpu.memory_space<vmem>>, vector<1x16xf32>,
        %get3A_377 = vector.shape_cast %get3A_376 : vector<1x16xf32> to vector<16xf32>
        %add3A_378 = arith.addf %get3A_373, %get3A_377 : vector<16xf32>
        %mul3A_379 = arith.constant 128 : i32
        %mul3A_380 = arith.muli %min3A_366, %mul3A_379 : i32
        %add3A_381 = arith.constant 0 : i32
        %add3A_382 = arith.addi %mul3A_380, %add3A_381 : i32
        %get3A_383 = arith.index_cast %add3A_382 : i32 to index
        %get3A_384 = tpu.vector_load %arg10[%get3A_383] {strides = array<i32>} : memref<40064xf32, #tpu.memory_space<vmem>>, vector<16xf32>,
        %get3A_385 = vector.shape_cast %get3A_384 : vector<16xf32> to vector<16xf32>
        %add3A_386 = arith.addf %add3A_378, %get3A_385 : vector<16xf32>
        %max3A_387 = arith.constant 0.000000e+00 : f32
        %max3A_388 = vector.broadcast %max3A_387 : f32 to vector<16xf32>
        %max3A_389 = arith.maximumf %add3A_386, %max3A_388 : vector<16xf32>
        %jit3A_390 = arith.constant 0.000000e+00 : f32
        %broadcast_in_dim3A_391 = vector.broadcast %jit3A_390 : f32 to vector<16xf32>
        %select_n3A_392 = arith.select %eq3A_355, %scan3A_335, %broadcast_in_dim3A_391 : vector<16xf32>
        %add3A_393 = arith.addf %select_n3A_392, %max3A_389 : vector<16xf32>
        %select_n3A_394 = arith.select %and3A_349, %add3A_393, %scan3A_335 : vector<16xf32>
        %mul3A_395 = arith.constant 128 : i32
        %mul3A_396 = arith.muli %scan3A_333, %mul3A_395 : i32
        %add3A_397 = arith.constant 16 : i32
        %add3A_398 = arith.addi %mul3A_396, %add3A_397 : i32
        %get3A_399 = arith.index_cast %add3A_398 : i32 to index
        %get3A_400 = tpu.vector_load %arg12[%get3A_399] {strides = array<i32>} : memref<8192xf32, #tpu.memory_space<vmem>>, vector<16xf32>,
        %get3A_401 = vector.shape_cast %get3A_400 : vector<16xf32> to vector<16xf32>
        %get3A_402 = arith.index_cast %scan3A_333 : i32 to index
        %get3A_403 = arith.constant 16 : index
        %get3A_404 = tpu.vector_load %arg11[%get3A_402, %get3A_403] {strides = array<i32>} : memref<64x128xf32, #tpu.memory_space<vmem>>, vector<1x16xf32>,
        %get3A_405 = vector.shape_cast %get3A_404 : vector<1x16xf32> to vector<16xf32>
        %add3A_406 = arith.addf %get3A_401, %get3A_405 : vector<16xf32>
        %mul3A_407 = arith.constant 128 : i32
        %mul3A_408 = arith.muli %min3A_366, %mul3A_407 : i32
        %add3A_409 = arith.constant 16 : i32
        %add3A_410 = arith.addi %mul3A_408, %add3A_409 : i32
        %get3A_411 = arith.index_cast %add3A_410 : i32 to index
        %get3A_412 = tpu.vector_load %arg10[%get3A_411] {strides = array<i32>} : memref<40064xf32, #tpu.memory_space<vmem>>, vector<16xf32>,
        %get3A_413 = vector.shape_cast %get3A_412 : vector<16xf32> to vector<16xf32>
        %add3A_414 = arith.addf %add3A_406, %get3A_413 : vector<16xf32>
        %max3A_415 = arith.constant 0.000000e+00 : f32
        %max3A_416 = vector.broadcast %max3A_415 : f32 to vector<16xf32>
        %max3A_417 = arith.maximumf %add3A_414, %max3A_416 : vector<16xf32>
        %jit3A_418 = arith.constant 0.000000e+00 : f32
        %broadcast_in_dim3A_419 = vector.broadcast %jit3A_418 : f32 to vector<16xf32>
        %select_n3A_420 = arith.select %eq3A_355, %scan3A_336, %broadcast_in_dim3A_419 : vector<16xf32>
        %add3A_421 = arith.addf %select_n3A_420, %max3A_417 : vector<16xf32>
        %select_n3A_422 = arith.select %and3A_349, %add3A_421, %scan3A_336 : vector<16xf32>
        %mul3A_423 = arith.constant 128 : i32
        %mul3A_424 = arith.muli %scan3A_333, %mul3A_423 : i32
        %add3A_425 = arith.constant 32 : i32
        %add3A_426 = arith.addi %mul3A_424, %add3A_425 : i32
        %get3A_427 = arith.index_cast %add3A_426 : i32 to index
        %get3A_428 = tpu.vector_load %arg12[%get3A_427] {strides = array<i32>} : memref<8192xf32, #tpu.memory_space<vmem>>, vector<16xf32>,
        %get3A_429 = vector.shape_cast %get3A_428 : vector<16xf32> to vector<16xf32>
        %get3A_430 = arith.index_cast %scan3A_333 : i32 to index
        %get3A_431 = arith.constant 32 : index
        %get3A_432 = tpu.vector_load %arg11[%get3A_430, %get3A_431] {strides = array<i32>} : memref<64x128xf32, #tpu.memory_space<vmem>>, vector<1x16xf32>,
        %get3A_433 = vector.shape_cast %get3A_432 : vector<1x16xf32> to vector<16xf32>
        %add3A_434 = arith.addf %get3A_429, %get3A_433 : vector<16xf32>
        %mul3A_435 = arith.constant 128 : i32
        %mul3A_436 = arith.muli %min3A_366, %mul3A_435 : i32
        %add3A_437 = arith.constant 32 : i32
        %add3A_438 = arith.addi %mul3A_436, %add3A_437 : i32
        %get3A_439 = arith.index_cast %add3A_438 : i32 to index
        %get3A_440 = tpu.vector_load %arg10[%get3A_439] {strides = array<i32>} : memref<40064xf32, #tpu.memory_space<vmem>>, vector<16xf32>,
        %get3A_441 = vector.shape_cast %get3A_440 : vector<16xf32> to vector<16xf32>
        %add3A_442 = arith.addf %add3A_434, %get3A_441 : vector<16xf32>
        %max3A_443 = arith.constant 0.000000e+00 : f32
        %max3A_444 = vector.broadcast %max3A_443 : f32 to vector<16xf32>
        %max3A_445 = arith.maximumf %add3A_442, %max3A_444 : vector<16xf32>
        %jit3A_446 = arith.constant 0.000000e+00 : f32
        %broadcast_in_dim3A_447 = vector.broadcast %jit3A_446 : f32 to vector<16xf32>
        %select_n3A_448 = arith.select %eq3A_355, %scan3A_337, %broadcast_in_dim3A_447 : vector<16xf32>
        %add3A_449 = arith.addf %select_n3A_448, %max3A_445 : vector<16xf32>
        %select_n3A_450 = arith.select %and3A_349, %add3A_449, %scan3A_337 : vector<16xf32>
        %mul3A_451 = arith.constant 128 : i32
        %mul3A_452 = arith.muli %scan3A_333, %mul3A_451 : i32
        %add3A_453 = arith.constant 48 : i32
        %add3A_454 = arith.addi %mul3A_452, %add3A_453 : i32
        %get3A_455 = arith.index_cast %add3A_454 : i32 to index
        %get3A_456 = tpu.vector_load %arg12[%get3A_455] {strides = array<i32>} : memref<8192xf32, #tpu.memory_space<vmem>>, vector<16xf32>,
        %get3A_457 = vector.shape_cast %get3A_456 : vector<16xf32> to vector<16xf32>
        %get3A_458 = arith.index_cast %scan3A_333 : i32 to index
        %get3A_459 = arith.constant 48 : index
        %get3A_460 = tpu.vector_load %arg11[%get3A_458, %get3A_459] {strides = array<i32>} : memref<64x128xf32, #tpu.memory_space<vmem>>, vector<1x16xf32>,
        %get3A_461 = vector.shape_cast %get3A_460 : vector<1x16xf32> to vector<16xf32>
        %add3A_462 = arith.addf %get3A_457, %get3A_461 : vector<16xf32>
        %mul3A_463 = arith.constant 128 : i32
        %mul3A_464 = arith.muli %min3A_366, %mul3A_463 : i32
        %add3A_465 = arith.constant 48 : i32
        %add3A_466 = arith.addi %mul3A_464, %add3A_465 : i32
        %get3A_467 = arith.index_cast %add3A_466 : i32 to index
        %get3A_468 = tpu.vector_load %arg10[%get3A_467] {strides = array<i32>} : memref<40064xf32, #tpu.memory_space<vmem>>, vector<16xf32>,
        %get3A_469 = vector.shape_cast %get3A_468 : vector<16xf32> to vector<16xf32>
        %add3A_470 = arith.addf %add3A_462, %get3A_469 : vector<16xf32>
        %max3A_471 = arith.constant 0.000000e+00 : f32
        %max3A_472 = vector.broadcast %max3A_471 : f32 to vector<16xf32>
        %max3A_473 = arith.maximumf %add3A_470, %max3A_472 : vector<16xf32>
        %jit3A_474 = arith.constant 0.000000e+00 : f32
        %broadcast_in_dim3A_475 = vector.broadcast %jit3A_474 : f32 to vector<16xf32>
        %select_n3A_476 = arith.select %eq3A_355, %scan3A_338, %broadcast_in_dim3A_475 : vector<16xf32>
        %add3A_477 = arith.addf %select_n3A_476, %max3A_473 : vector<16xf32>
        %select_n3A_478 = arith.select %and3A_349, %add3A_477, %scan3A_338 : vector<16xf32>
        %mul3A_479 = arith.constant 128 : i32
        %mul3A_480 = arith.muli %scan3A_333, %mul3A_479 : i32
        %add3A_481 = arith.constant 64 : i32
        %add3A_482 = arith.addi %mul3A_480, %add3A_481 : i32
        %get3A_483 = arith.index_cast %add3A_482 : i32 to index
        %get3A_484 = tpu.vector_load %arg12[%get3A_483] {strides = array<i32>} : memref<8192xf32, #tpu.memory_space<vmem>>, vector<16xf32>,
        %get3A_485 = vector.shape_cast %get3A_484 : vector<16xf32> to vector<16xf32>
        %get3A_486 = arith.index_cast %scan3A_333 : i32 to index
        %get3A_487 = arith.constant 64 : index
        %get3A_488 = tpu.vector_load %arg11[%get3A_486, %get3A_487] {strides = array<i32>} : memref<64x128xf32, #tpu.memory_space<vmem>>, vector<1x16xf32>,
        %get3A_489 = vector.shape_cast %get3A_488 : vector<1x16xf32> to vector<16xf32>
        %add3A_490 = arith.addf %get3A_485, %get3A_489 : vector<16xf32>
        %mul3A_491 = arith.constant 128 : i32
        %mul3A_492 = arith.muli %min3A_366, %mul3A_491 : i32
        %add3A_493 = arith.constant 64 : i32
        %add3A_494 = arith.addi %mul3A_492, %add3A_493 : i32
        %get3A_495 = arith.index_cast %add3A_494 : i32 to index
        %get3A_496 = tpu.vector_load %arg10[%get3A_495] {strides = array<i32>} : memref<40064xf32, #tpu.memory_space<vmem>>, vector<16xf32>,
        %get3A_497 = vector.shape_cast %get3A_496 : vector<16xf32> to vector<16xf32>
        %add3A_498 = arith.addf %add3A_490, %get3A_497 : vector<16xf32>
        %max3A_499 = arith.constant 0.000000e+00 : f32
        %max3A_500 = vector.broadcast %max3A_499 : f32 to vector<16xf32>
        %max3A_501 = arith.maximumf %add3A_498, %max3A_500 : vector<16xf32>
        %jit3A_502 = arith.constant 0.000000e+00 : f32
        %broadcast_in_dim3A_503 = vector.broadcast %jit3A_502 : f32 to vector<16xf32>
        %select_n3A_504 = arith.select %eq3A_355, %scan3A_339, %broadcast_in_dim3A_503 : vector<16xf32>
        %add3A_505 = arith.addf %select_n3A_504, %max3A_501 : vector<16xf32>
        %select_n3A_506 = arith.select %and3A_349, %add3A_505, %scan3A_339 : vector<16xf32>
        %mul3A_507 = arith.constant 128 : i32
        %mul3A_508 = arith.muli %scan3A_333, %mul3A_507 : i32
        %add3A_509 = arith.constant 80 : i32
        %add3A_510 = arith.addi %mul3A_508, %add3A_509 : i32
        %get3A_511 = arith.index_cast %add3A_510 : i32 to index
        %get3A_512 = tpu.vector_load %arg12[%get3A_511] {strides = array<i32>} : memref<8192xf32, #tpu.memory_space<vmem>>, vector<16xf32>,
        %get3A_513 = vector.shape_cast %get3A_512 : vector<16xf32> to vector<16xf32>
        %get3A_514 = arith.index_cast %scan3A_333 : i32 to index
        %get3A_515 = arith.constant 80 : index
        %get3A_516 = tpu.vector_load %arg11[%get3A_514, %get3A_515] {strides = array<i32>} : memref<64x128xf32, #tpu.memory_space<vmem>>, vector<1x16xf32>,
        %get3A_517 = vector.shape_cast %get3A_516 : vector<1x16xf32> to vector<16xf32>
        %add3A_518 = arith.addf %get3A_513, %get3A_517 : vector<16xf32>
        %mul3A_519 = arith.constant 128 : i32
        %mul3A_520 = arith.muli %min3A_366, %mul3A_519 : i32
        %add3A_521 = arith.constant 80 : i32
        %add3A_522 = arith.addi %mul3A_520, %add3A_521 : i32
        %get3A_523 = arith.index_cast %add3A_522 : i32 to index
        %get3A_524 = tpu.vector_load %arg10[%get3A_523] {strides = array<i32>} : memref<40064xf32, #tpu.memory_space<vmem>>, vector<16xf32>,
        %get3A_525 = vector.shape_cast %get3A_524 : vector<16xf32> to vector<16xf32>
        %add3A_526 = arith.addf %add3A_518, %get3A_525 : vector<16xf32>
        %max3A_527 = arith.constant 0.000000e+00 : f32
        %max3A_528 = vector.broadcast %max3A_527 : f32 to vector<16xf32>
        %max3A_529 = arith.maximumf %add3A_526, %max3A_528 : vector<16xf32>
        %jit3A_530 = arith.constant 0.000000e+00 : f32
        %broadcast_in_dim3A_531 = vector.broadcast %jit3A_530 : f32 to vector<16xf32>
        %select_n3A_532 = arith.select %eq3A_355, %scan3A_340, %broadcast_in_dim3A_531 : vector<16xf32>
        %add3A_533 = arith.addf %select_n3A_532, %max3A_529 : vector<16xf32>
        %select_n3A_534 = arith.select %and3A_349, %add3A_533, %scan3A_340 : vector<16xf32>
        %mul3A_535 = arith.constant 128 : i32
        %mul3A_536 = arith.muli %scan3A_333, %mul3A_535 : i32
        %add3A_537 = arith.constant 96 : i32
        %add3A_538 = arith.addi %mul3A_536, %add3A_537 : i32
        %get3A_539 = arith.index_cast %add3A_538 : i32 to index
        %get3A_540 = tpu.vector_load %arg12[%get3A_539] {strides = array<i32>} : memref<8192xf32, #tpu.memory_space<vmem>>, vector<16xf32>,
        %get3A_541 = vector.shape_cast %get3A_540 : vector<16xf32> to vector<16xf32>
        %get3A_542 = arith.index_cast %scan3A_333 : i32 to index
        %get3A_543 = arith.constant 96 : index
        %get3A_544 = tpu.vector_load %arg11[%get3A_542, %get3A_543] {strides = array<i32>} : memref<64x128xf32, #tpu.memory_space<vmem>>, vector<1x16xf32>,
        %get3A_545 = vector.shape_cast %get3A_544 : vector<1x16xf32> to vector<16xf32>
        %add3A_546 = arith.addf %get3A_541, %get3A_545 : vector<16xf32>
        %mul3A_547 = arith.constant 128 : i32
        %mul3A_548 = arith.muli %min3A_366, %mul3A_547 : i32
        %add3A_549 = arith.constant 96 : i32
        %add3A_550 = arith.addi %mul3A_548, %add3A_549 : i32
        %get3A_551 = arith.index_cast %add3A_550 : i32 to index
        %get3A_552 = tpu.vector_load %arg10[%get3A_551] {strides = array<i32>} : memref<40064xf32, #tpu.memory_space<vmem>>, vector<16xf32>,
        %get3A_553 = vector.shape_cast %get3A_552 : vector<16xf32> to vector<16xf32>
        %add3A_554 = arith.addf %add3A_546, %get3A_553 : vector<16xf32>
        %max3A_555 = arith.constant 0.000000e+00 : f32
        %max3A_556 = vector.broadcast %max3A_555 : f32 to vector<16xf32>
        %max3A_557 = arith.maximumf %add3A_554, %max3A_556 : vector<16xf32>
        %jit3A_558 = arith.constant 0.000000e+00 : f32
        %broadcast_in_dim3A_559 = vector.broadcast %jit3A_558 : f32 to vector<16xf32>
        %select_n3A_560 = arith.select %eq3A_355, %scan3A_341, %broadcast_in_dim3A_559 : vector<16xf32>
        %add3A_561 = arith.addf %select_n3A_560, %max3A_557 : vector<16xf32>
        %select_n3A_562 = arith.select %and3A_349, %add3A_561, %scan3A_341 : vector<16xf32>
        %mul3A_563 = arith.constant 128 : i32
        %mul3A_564 = arith.muli %scan3A_333, %mul3A_563 : i32
        %add3A_565 = arith.constant 112 : i32
        %add3A_566 = arith.addi %mul3A_564, %add3A_565 : i32
        %get3A_567 = arith.index_cast %add3A_566 : i32 to index
        %get3A_568 = tpu.vector_load %arg12[%get3A_567] {strides = array<i32>} : memref<8192xf32, #tpu.memory_space<vmem>>, vector<16xf32>,
        %get3A_569 = vector.shape_cast %get3A_568 : vector<16xf32> to vector<16xf32>
        %get3A_570 = arith.index_cast %scan3A_333 : i32 to index
        %get3A_571 = arith.constant 112 : index
        %get3A_572 = tpu.vector_load %arg11[%get3A_570, %get3A_571] {strides = array<i32>} : memref<64x128xf32, #tpu.memory_space<vmem>>, vector<1x16xf32>,
        %get3A_573 = vector.shape_cast %get3A_572 : vector<1x16xf32> to vector<16xf32>
        %add3A_574 = arith.addf %get3A_569, %get3A_573 : vector<16xf32>
        %mul3A_575 = arith.constant 128 : i32
        %mul3A_576 = arith.muli %min3A_366, %mul3A_575 : i32
        %add3A_577 = arith.constant 112 : i32
        %add3A_578 = arith.addi %mul3A_576, %add3A_577 : i32
        %get3A_579 = arith.index_cast %add3A_578 : i32 to index
        %get3A_580 = tpu.vector_load %arg10[%get3A_579] {strides = array<i32>} : memref<40064xf32, #tpu.memory_space<vmem>>, vector<16xf32>,
        %get3A_581 = vector.shape_cast %get3A_580 : vector<16xf32> to vector<16xf32>
        %add3A_582 = arith.addf %add3A_574, %get3A_581 : vector<16xf32>
        %max3A_583 = arith.constant 0.000000e+00 : f32
        %max3A_584 = vector.broadcast %max3A_583 : f32 to vector<16xf32>
        %max3A_585 = arith.maximumf %add3A_582, %max3A_584 : vector<16xf32>
        %jit3A_586 = arith.constant 0.000000e+00 : f32
        %broadcast_in_dim3A_587 = vector.broadcast %jit3A_586 : f32 to vector<16xf32>
        %select_n3A_588 = arith.select %eq3A_355, %scan3A_342, %broadcast_in_dim3A_587 : vector<16xf32>
        %add3A_589 = arith.addf %select_n3A_588, %max3A_585 : vector<16xf32>
        %select_n3A_590 = arith.select %and3A_349, %add3A_589, %scan3A_342 : vector<16xf32>
        scf.yield %select_n3A_361, %select_n3A_394, %select_n3A_422, %select_n3A_450, %select_n3A_478, %select_n3A_506, %select_n3A_534, %select_n3A_562, %select_n3A_590 : i32, vector<16xf32>, vector<16xf32>, vector<16xf32>, vector<16xf32>, vector<16xf32>, vector<16xf32>, vector<16xf32>, vector<16xf32>
      }
      %scan3A_271 = arith.constant 64 : i32
      %mul3A_272 = arith.constant 2 : i32
      %mul3A_273 = arith.muli %mul3A_272, %while3A_180 : i32
      %add3A_274 = arith.constant 1 : i32
      %add3A_275 = arith.addi %mul3A_273, %add3A_274 : i32
      %dma_wait3A_276 = arith.constant 0 : i32
      %dma_wait3A_277 = arith.constant 0 : i32
      %dma_wait3A_278 = tpu.memref_slice %arg2[%dma_wait3A_276, %dma_wait3A_277] : memref<10000x128xf32, #tpu.memory_space<hbm>> -> memref<10000x128xf32, #tpu.memory_space<hbm>>
      tpu.wait_indirect_dma semaphore(%arg25 : memref<!tpu.dma_semaphore, #tpu.memory_space<semaphore_mem>>) src(%dma_wait3A_278 : memref<10000x128xf32, #tpu.memory_space<hbm>>) dst(%arg16 : memref<64x128xf32, #tpu.memory_space<vmem>>)
      %mul3A_279 = arith.constant 64 : i32
      %mul3A_280 = arith.muli %add3A_275, %mul3A_279 : i32
      %add3A_281 = arith.addi %mul3A_29, %mul3A_280 : i32
      %mul3A_282 = arith.constant 128 : i32
      %mul3A_283 = arith.muli %add3A_281, %mul3A_282 : i32
      %dma_wait3A_284 = tpu.memref_slice %arg4[%mul3A_283] : memref<41216000xf32, #tpu.memory_space<hbm>> -> memref<8192xf32, #tpu.memory_space<hbm>>
      %dma_wait3A_285 = tpu.memref_slice %arg4[%mul3A_283] : memref<41216000xf32, #tpu.memory_space<hbm>> -> memref<8192xf32, #tpu.memory_space<hbm>>
      tpu.wait_dma2 semaphore(%arg26 : memref<!tpu.dma_semaphore, #tpu.memory_space<semaphore_mem>>) src(%dma_wait3A_285 : memref<8192xf32, #tpu.memory_space<hbm>>) dst(%arg17 : memref<8192xf32, #tpu.memory_space<vmem>>)
      %get3A_286 = arith.constant 0 : index
      %get3A_287 = tpu.vector_load %arg19[%get3A_286] {strides = array<i32>} : memref<80xi32, #tpu.memory_space<vmem>>, vector<16xi32>,
      %get3A_288 = vector.shape_cast %get3A_287 : vector<16xi32> to vector<16xi32>
      %swap3A_289 = arith.constant 0 : index
      %swap3A_290 = tpu.vector_load %arg20[%swap3A_289] {strides = array<i32>} : memref<80xi32, #tpu.memory_space<vmem>>, vector<16xi32>,
      %swap3A_291 = vector.shape_cast %swap3A_290 : vector<16xi32> to vector<16xi32>
      %swap3A_292 = vector.shape_cast %get3A_288 : vector<16xi32> to vector<16xi32>
      tpu.vector_store %arg20[%swap3A_289], %swap3A_292 {strides = array<i32>} : memref<80xi32, #tpu.memory_space<vmem>>, vector<16xi32>,
      %get3A_293 = arith.constant 16 : index
      %get3A_294 = tpu.vector_load %arg19[%get3A_293] {strides = array<i32>} : memref<80xi32, #tpu.memory_space<vmem>>, vector<16xi32>,
      %get3A_295 = vector.shape_cast %get3A_294 : vector<16xi32> to vector<16xi32>
      %swap3A_296 = arith.constant 16 : index
      %swap3A_297 = tpu.vector_load %arg20[%swap3A_296] {strides = array<i32>} : memref<80xi32, #tpu.memory_space<vmem>>, vector<16xi32>,
      %swap3A_298 = vector.shape_cast %swap3A_297 : vector<16xi32> to vector<16xi32>
      %swap3A_299 = vector.shape_cast %get3A_295 : vector<16xi32> to vector<16xi32>
      tpu.vector_store %arg20[%swap3A_296], %swap3A_299 {strides = array<i32>} : memref<80xi32, #tpu.memory_space<vmem>>, vector<16xi32>,
      %get3A_300 = arith.constant 32 : index
      %get3A_301 = tpu.vector_load %arg19[%get3A_300] {strides = array<i32>} : memref<80xi32, #tpu.memory_space<vmem>>, vector<16xi32>,
      %get3A_302 = vector.shape_cast %get3A_301 : vector<16xi32> to vector<16xi32>
      %swap3A_303 = arith.constant 32 : index
      %swap3A_304 = tpu.vector_load %arg20[%swap3A_303] {strides = array<i32>} : memref<80xi32, #tpu.memory_space<vmem>>, vector<16xi32>,
      %swap3A_305 = vector.shape_cast %swap3A_304 : vector<16xi32> to vector<16xi32>
      %swap3A_306 = vector.shape_cast %get3A_302 : vector<16xi32> to vector<16xi32>
      tpu.vector_store %arg20[%swap3A_303], %swap3A_306 {strides = array<i32>} : memref<80xi32, #tpu.memory_space<vmem>>, vector<16xi32>,
      %get3A_307 = arith.constant 48 : index
      %get3A_308 = tpu.vector_load %arg19[%get3A_307] {strides = array<i32>} : memref<80xi32, #tpu.memory_space<vmem>>, vector<16xi32>,
      %get3A_309 = vector.shape_cast %get3A_308 : vector<16xi32> to vector<16xi32>
      %swap3A_310 = arith.constant 48 : index
      %swap3A_311 = tpu.vector_load %arg20[%swap3A_310] {strides = array<i32>} : memref<80xi32, #tpu.memory_space<vmem>>, vector<16xi32>,
      %swap3A_312 = vector.shape_cast %swap3A_311 : vector<16xi32> to vector<16xi32>
      %swap3A_313 = vector.shape_cast %get3A_309 : vector<16xi32> to vector<16xi32>
      tpu.vector_store %arg20[%swap3A_310], %swap3A_313 {strides = array<i32>} : memref<80xi32, #tpu.memory_space<vmem>>, vector<16xi32>,
      %get3A_314 = arith.constant 64 : index
      %get3A_315 = tpu.vector_load %arg19[%get3A_314] {strides = array<i32>} : memref<80xi32, #tpu.memory_space<vmem>>, vector<16xi32>,
      %get3A_316 = vector.shape_cast %get3A_315 : vector<16xi32> to vector<16xi32>
      %swap3A_317 = arith.constant 64 : index
      %swap3A_318 = tpu.vector_load %arg20[%swap3A_317] {strides = array<i32>} : memref<80xi32, #tpu.memory_space<vmem>>, vector<16xi32>,
      %swap3A_319 = vector.shape_cast %swap3A_318 : vector<16xi32> to vector<16xi32>
      %swap3A_320 = vector.shape_cast %get3A_316 : vector<16xi32> to vector<16xi32>
      tpu.vector_store %arg20[%swap3A_317], %swap3A_320 {strides = array<i32>} : memref<80xi32, #tpu.memory_space<vmem>>, vector<16xi32>,
      %convert_element_type3A_321 = arith.extui %lt3A_192 : i1 to i32
      %cond3A_322 = arith.constant 0 : i32
      %cond3A_323 = arith.cmpi ne, %convert_element_type3A_321, %cond3A_322 : i32
      scf.if %cond3A_323 {
        %add3A_333 = arith.constant 2 : i32
        %add3A_334 = arith.addi %add3A_275, %add3A_333 : i32
        %mul3A_335 = arith.constant 64 : i32
        %mul3A_336 = arith.muli %add3A_334, %mul3A_335 : i32
        %add3A_337 = arith.addi %mul3A_29, %mul3A_336 : i32
        %dma_start3A_338 = tpu.memref_slice %arg5[%add3A_337] : memref<322000xi32, #tpu.memory_space<hbm>> -> memref<64xi32, #tpu.memory_space<hbm>>
        %dma_start3A_339 = tpu.memref_slice %arg5[%add3A_337] : memref<322000xi32, #tpu.memory_space<hbm>> -> memref<64xi32, #tpu.memory_space<hbm>>
        tpu.enqueue_dma source(%dma_start3A_339 : memref<64xi32, #tpu.memory_space<hbm>>) target(%arg18 : memref<64xi32, #tpu.memory_space<vmem>>) target_semaphore(%arg27 : memref<!tpu.dma_semaphore, #tpu.memory_space<semaphore_mem>>)
        %dma_start3A_340 = arith.constant 0 : i32
        %dma_start3A_341 = tpu.memref_slice %arg19[%dma_start3A_340] : memref<80xi32, #tpu.memory_space<vmem>> -> memref<64xi32, #tpu.memory_space<vmem>>
        %dma_start3A_342 = tpu.memref_slice %arg6[%add3A_337] : memref<322000xi32, #tpu.memory_space<hbm>> -> memref<64xi32, #tpu.memory_space<hbm>>
        %dma_start3A_343 = arith.constant 0 : i32
        %dma_start3A_344 = tpu.memref_slice %arg19[%dma_start3A_343] : memref<80xi32, #tpu.memory_space<vmem>> -> memref<64xi32, #tpu.memory_space<vmem>>
        %dma_start3A_345 = tpu.memref_slice %arg6[%add3A_337] : memref<322000xi32, #tpu.memory_space<hbm>> -> memref<64xi32, #tpu.memory_space<hbm>>
        tpu.enqueue_dma source(%dma_start3A_345 : memref<64xi32, #tpu.memory_space<hbm>>) target(%dma_start3A_344 : memref<64xi32, #tpu.memory_space<vmem>>) target_semaphore(%arg27 : memref<!tpu.dma_semaphore, #tpu.memory_space<semaphore_mem>>)
      } else {
      }
      %convert_element_type3A_324 = arith.extui %lt3A_192 : i1 to i32
      %cond3A_325 = arith.constant 0 : i32
      %cond3A_326 = arith.cmpi ne, %convert_element_type3A_324, %cond3A_325 : i32
      scf.if %cond3A_326 {
        %add3A_333 = arith.constant 1 : i32
        %add3A_334 = arith.addi %add3A_275, %add3A_333 : i32
        %mul3A_335 = arith.constant 64 : i32
        %mul3A_336 = arith.muli %add3A_334, %mul3A_335 : i32
        %add3A_337 = arith.addi %mul3A_29, %mul3A_336 : i32
        %dma_wait3A_338 = tpu.memref_slice %arg5[%add3A_337] : memref<322000xi32, #tpu.memory_space<hbm>> -> memref<64xi32, #tpu.memory_space<hbm>>
        %dma_wait3A_339 = tpu.memref_slice %arg5[%add3A_337] : memref<322000xi32, #tpu.memory_space<hbm>> -> memref<64xi32, #tpu.memory_space<hbm>>
        tpu.wait_dma2 semaphore(%arg24 : memref<!tpu.dma_semaphore, #tpu.memory_space<semaphore_mem>>) src(%dma_wait3A_339 : memref<64xi32, #tpu.memory_space<hbm>>) dst(%arg13 : memref<64xi32, #tpu.memory_space<vmem>>)
        %dma_wait3A_340 = arith.constant 0 : i32
        %dma_wait3A_341 = tpu.memref_slice %arg14[%dma_wait3A_340] : memref<80xi32, #tpu.memory_space<vmem>> -> memref<64xi32, #tpu.memory_space<vmem>>
        %dma_wait3A_342 = tpu.memref_slice %arg6[%add3A_337] : memref<322000xi32, #tpu.memory_space<hbm>> -> memref<64xi32, #tpu.memory_space<hbm>>
        %dma_wait3A_343 = arith.constant 0 : i32
        %dma_wait3A_344 = tpu.memref_slice %arg14[%dma_wait3A_343] : memref<80xi32, #tpu.memory_space<vmem>> -> memref<64xi32, #tpu.memory_space<vmem>>
        %dma_wait3A_345 = tpu.memref_slice %arg6[%add3A_337] : memref<322000xi32, #tpu.memory_space<hbm>> -> memref<64xi32, #tpu.memory_space<hbm>>
        tpu.wait_dma2 semaphore(%arg24 : memref<!tpu.dma_semaphore, #tpu.memory_space<semaphore_mem>>) src(%dma_wait3A_345 : memref<64xi32, #tpu.memory_space<hbm>>) dst(%dma_wait3A_344 : memref<64xi32, #tpu.memory_space<vmem>>)
        %add3A_346 = arith.constant 1 : i32
        %add3A_347 = arith.addi %add3A_275, %add3A_346 : i32
        %dma_start3A_348 = arith.constant 0 : i32
        %dma_start3A_349 = arith.constant 0 : i32
        %dma_start3A_350 = tpu.memref_slice %arg2[%dma_start3A_348, %dma_start3A_349] : memref<10000x128xf32, #tpu.memory_space<hbm>> -> memref<10000x128xf32, #tpu.memory_space<hbm>>
        tpu.enqueue_indirect_dma source(%dma_start3A_350 : memref<10000x128xf32, #tpu.memory_space<hbm>>) target(%arg11 : memref<64x128xf32, #tpu.memory_space<vmem>>) offsets(%arg13 : memref<64xi32, #tpu.memory_space<vmem>>) semaphore(%arg22 : memref<!tpu.dma_semaphore, #tpu.memory_space<semaphore_mem>>)
        %mul3A_351 = arith.constant 64 : i32
        %mul3A_352 = arith.muli %add3A_347, %mul3A_351 : i32
        %add3A_353 = arith.addi %mul3A_29, %mul3A_352 : i32
        %mul3A_354 = arith.constant 128 : i32
        %mul3A_355 = arith.muli %add3A_353, %mul3A_354 : i32
        %dma_start3A_356 = tpu.memref_slice %arg4[%mul3A_355] : memref<41216000xf32, #tpu.memory_space<hbm>> -> memref<8192xf32, #tpu.memory_space<hbm>>
        %dma_start3A_357 = tpu.memref_slice %arg4[%mul3A_355] : memref<41216000xf32, #tpu.memory_space<hbm>> -> memref<8192xf32, #tpu.memory_space<hbm>>
        tpu.enqueue_dma source(%dma_start3A_357 : memref<8192xf32, #tpu.memory_space<hbm>>) target(%arg12 : memref<8192xf32, #tpu.memory_space<vmem>>) target_semaphore(%arg23 : memref<!tpu.dma_semaphore, #tpu.memory_space<semaphore_mem>>)
      } else {
      }
      %scan3A_327 = arith.constant 0 : i32
      %scan3A_328 = arith.constant 64 : i32
      %scan3A_329 = arith.addi %scan3A_327, %scan3A_328 : i32
      %scan3A_330 = arith.constant 1 : i32
      %scan3A_331:9 = scf.for %scan3A_333 = %scan3A_327 to %scan3A_329 step %scan3A_330 iter_args(%scan3A_334 = %scan3A_270#0, %scan3A_335 = %scan3A_270#1, %scan3A_336 = %scan3A_270#2, %scan3A_337 = %scan3A_270#3, %scan3A_338 = %scan3A_270#4, %scan3A_339 = %scan3A_270#5, %scan3A_340 = %scan3A_270#6, %scan3A_341 = %scan3A_270#7, %scan3A_342 = %scan3A_270#8) -> (i32, vector<16xf32>, vector<16xf32>, vector<16xf32>, vector<16xf32>, vector<16xf32>, vector<16xf32>, vector<16xf32>, vector<16xf32>)  : i32 {
        %mul3A_343 = arith.constant 64 : i32
        %mul3A_344 = arith.muli %add3A_275, %mul3A_343 : i32
        %add3A_345 = arith.addi %mul3A_29, %mul3A_344 : i32
        %add3A_346 = arith.addi %add3A_345, %scan3A_333 : i32
        %ge3A_347 = arith.cmpi sge, %add3A_346, %squeeze3A : i32
        %lt3A_348 = arith.cmpi slt, %add3A_346, %squeeze3A_9 : i32
        %and3A_349 = arith.andi %ge3A_347, %lt3A_348 : i1
        %get3A_350 = arith.index_cast %scan3A_333 : i32 to index
        %get3A_351 = tpu.vector_load %arg20[%get3A_350] {strides = array<i32>} : memref<80xi32, #tpu.memory_space<vmem>>, vector<16xi32>,
        %get3A_352 = vector.shape_cast %get3A_351 : vector<16xi32> to vector<16xi32>
        %slice3A_353 = vector.extract_strided_slice %get3A_352 {offsets = [0], sizes = [1], strides = [1]} : vector<16xi32> to vector<1xi32>
        %squeeze3A_354 = vector.extract %slice3A_353[0] : i32 from vector<1xi32>
        %eq3A_355 = arith.cmpi eq, %squeeze3A_354, %scan3A_334 : i32
        %not3A = arith.constant true
        %not3A_356 = arith.xori %eq3A_355, %not3A : i1
        %and3A_357 = arith.andi %and3A_349, %not3A_356 : i1
        %convert_element_type3A_358 = arith.extui %and3A_357 : i1 to i32
        %cond3A_359 = arith.constant 0 : i32
        %cond3A_360 = arith.cmpi ne, %convert_element_type3A_358, %cond3A_359 : i32
        scf.if %cond3A_360 {
          %ge3A_591 = arith.constant 0 : i32
          %ge3A_592 = arith.cmpi sge, %scan3A_334, %ge3A_591 : i32
          %sub3A_593 = arith.subi %scan3A_334, %mul3A_11 : i32
          %jit3A_594 = arith.constant 313 : i32
          %select_n3A_595 = arith.select %ge3A_592, %sub3A_593, %jit3A_594 : i32
          %jit3A_596 = arith.constant 0 : i32
          %jit3A_597 = arith.constant 313 : i32
          %max3A_598 = arith.maxsi %jit3A_596, %select_n3A_595 : i32
          %min3A_599 = arith.minsi %jit3A_597, %max3A_598 : i32
          %mul3A_600 = arith.constant 128 : i32
          %mul3A_601 = arith.muli %min3A_599, %mul3A_600 : i32
          %add3A_602 = arith.constant 0 : i32
          %add3A_603 = arith.addi %mul3A_601, %add3A_602 : i32
          %swap3A_604 = arith.index_cast %add3A_603 : i32 to index
          %swap3A_605 = tpu.vector_load %arg9[%swap3A_604] {strides = array<i32>} : memref<40192xf32, #tpu.memory_space<vmem>>, vector<16xf32>,
          %swap3A_606 = vector.shape_cast %swap3A_605 : vector<16xf32> to vector<16xf32>
          %swap3A_607 = vector.shape_cast %scan3A_335 : vector<16xf32> to vector<16xf32>
          tpu.vector_store %arg9[%swap3A_604], %swap3A_607 {strides = array<i32>} : memref<40192xf32, #tpu.memory_space<vmem>>, vector<16xf32>,
          %mul3A_608 = arith.constant 128 : i32
          %mul3A_609 = arith.muli %min3A_599, %mul3A_608 : i32
          %add3A_610 = arith.constant 16 : i32
          %add3A_611 = arith.addi %mul3A_609, %add3A_610 : i32
          %swap3A_612 = arith.index_cast %add3A_611 : i32 to index
          %swap3A_613 = tpu.vector_load %arg9[%swap3A_612] {strides = array<i32>} : memref<40192xf32, #tpu.memory_space<vmem>>, vector<16xf32>,
          %swap3A_614 = vector.shape_cast %swap3A_613 : vector<16xf32> to vector<16xf32>
          %swap3A_615 = vector.shape_cast %scan3A_336 : vector<16xf32> to vector<16xf32>
          tpu.vector_store %arg9[%swap3A_612], %swap3A_615 {strides = array<i32>} : memref<40192xf32, #tpu.memory_space<vmem>>, vector<16xf32>,
          %mul3A_616 = arith.constant 128 : i32
          %mul3A_617 = arith.muli %min3A_599, %mul3A_616 : i32
          %add3A_618 = arith.constant 32 : i32
          %add3A_619 = arith.addi %mul3A_617, %add3A_618 : i32
          %swap3A_620 = arith.index_cast %add3A_619 : i32 to index
          %swap3A_621 = tpu.vector_load %arg9[%swap3A_620] {strides = array<i32>} : memref<40192xf32, #tpu.memory_space<vmem>>, vector<16xf32>,
          %swap3A_622 = vector.shape_cast %swap3A_621 : vector<16xf32> to vector<16xf32>
          %swap3A_623 = vector.shape_cast %scan3A_337 : vector<16xf32> to vector<16xf32>
          tpu.vector_store %arg9[%swap3A_620], %swap3A_623 {strides = array<i32>} : memref<40192xf32, #tpu.memory_space<vmem>>, vector<16xf32>,
          %mul3A_624 = arith.constant 128 : i32
          %mul3A_625 = arith.muli %min3A_599, %mul3A_624 : i32
          %add3A_626 = arith.constant 48 : i32
          %add3A_627 = arith.addi %mul3A_625, %add3A_626 : i32
          %swap3A_628 = arith.index_cast %add3A_627 : i32 to index
          %swap3A_629 = tpu.vector_load %arg9[%swap3A_628] {strides = array<i32>} : memref<40192xf32, #tpu.memory_space<vmem>>, vector<16xf32>,
          %swap3A_630 = vector.shape_cast %swap3A_629 : vector<16xf32> to vector<16xf32>
          %swap3A_631 = vector.shape_cast %scan3A_338 : vector<16xf32> to vector<16xf32>
          tpu.vector_store %arg9[%swap3A_628], %swap3A_631 {strides = array<i32>} : memref<40192xf32, #tpu.memory_space<vmem>>, vector<16xf32>,
          %mul3A_632 = arith.constant 128 : i32
          %mul3A_633 = arith.muli %min3A_599, %mul3A_632 : i32
          %add3A_634 = arith.constant 64 : i32
          %add3A_635 = arith.addi %mul3A_633, %add3A_634 : i32
          %swap3A_636 = arith.index_cast %add3A_635 : i32 to index
          %swap3A_637 = tpu.vector_load %arg9[%swap3A_636] {strides = array<i32>} : memref<40192xf32, #tpu.memory_space<vmem>>, vector<16xf32>,
          %swap3A_638 = vector.shape_cast %swap3A_637 : vector<16xf32> to vector<16xf32>
          %swap3A_639 = vector.shape_cast %scan3A_339 : vector<16xf32> to vector<16xf32>
          tpu.vector_store %arg9[%swap3A_636], %swap3A_639 {strides = array<i32>} : memref<40192xf32, #tpu.memory_space<vmem>>, vector<16xf32>,
          %mul3A_640 = arith.constant 128 : i32
          %mul3A_641 = arith.muli %min3A_599, %mul3A_640 : i32
          %add3A_642 = arith.constant 80 : i32
          %add3A_643 = arith.addi %mul3A_641, %add3A_642 : i32
          %swap3A_644 = arith.index_cast %add3A_643 : i32 to index
          %swap3A_645 = tpu.vector_load %arg9[%swap3A_644] {strides = array<i32>} : memref<40192xf32, #tpu.memory_space<vmem>>, vector<16xf32>,
          %swap3A_646 = vector.shape_cast %swap3A_645 : vector<16xf32> to vector<16xf32>
          %swap3A_647 = vector.shape_cast %scan3A_340 : vector<16xf32> to vector<16xf32>
          tpu.vector_store %arg9[%swap3A_644], %swap3A_647 {strides = array<i32>} : memref<40192xf32, #tpu.memory_space<vmem>>, vector<16xf32>,
          %mul3A_648 = arith.constant 128 : i32
          %mul3A_649 = arith.muli %min3A_599, %mul3A_648 : i32
          %add3A_650 = arith.constant 96 : i32
          %add3A_651 = arith.addi %mul3A_649, %add3A_650 : i32
          %swap3A_652 = arith.index_cast %add3A_651 : i32 to index
          %swap3A_653 = tpu.vector_load %arg9[%swap3A_652] {strides = array<i32>} : memref<40192xf32, #tpu.memory_space<vmem>>, vector<16xf32>,
          %swap3A_654 = vector.shape_cast %swap3A_653 : vector<16xf32> to vector<16xf32>
          %swap3A_655 = vector.shape_cast %scan3A_341 : vector<16xf32> to vector<16xf32>
          tpu.vector_store %arg9[%swap3A_652], %swap3A_655 {strides = array<i32>} : memref<40192xf32, #tpu.memory_space<vmem>>, vector<16xf32>,
          %mul3A_656 = arith.constant 128 : i32
          %mul3A_657 = arith.muli %min3A_599, %mul3A_656 : i32
          %add3A_658 = arith.constant 112 : i32
          %add3A_659 = arith.addi %mul3A_657, %add3A_658 : i32
          %swap3A_660 = arith.index_cast %add3A_659 : i32 to index
          %swap3A_661 = tpu.vector_load %arg9[%swap3A_660] {strides = array<i32>} : memref<40192xf32, #tpu.memory_space<vmem>>, vector<16xf32>,
          %swap3A_662 = vector.shape_cast %swap3A_661 : vector<16xf32> to vector<16xf32>
          %swap3A_663 = vector.shape_cast %scan3A_342 : vector<16xf32> to vector<16xf32>
          tpu.vector_store %arg9[%swap3A_660], %swap3A_663 {strides = array<i32>} : memref<40192xf32, #tpu.memory_space<vmem>>, vector<16xf32>,
        } else {
        }
        %select_n3A_361 = arith.select %and3A_349, %squeeze3A_354, %scan3A_334 : i32
        %sub3A_362 = arith.subi %select_n3A_361, %mul3A_11 : i32
        %jit3A_363 = arith.constant 0 : i32
        %jit3A_364 = arith.constant 312 : i32
        %max3A_365 = arith.maxsi %jit3A_363, %sub3A_362 : i32
        %min3A_366 = arith.minsi %jit3A_364, %max3A_365 : i32
        %mul3A_367 = arith.constant 128 : i32
        %mul3A_368 = arith.muli %scan3A_333, %mul3A_367 : i32
        %add3A_369 = arith.constant 0 : i32
        %add3A_370 = arith.addi %mul3A_368, %add3A_369 : i32
        %get3A_371 = arith.index_cast %add3A_370 : i32 to index
        %get3A_372 = tpu.vector_load %arg17[%get3A_371] {strides = array<i32>} : memref<8192xf32, #tpu.memory_space<vmem>>, vector<16xf32>,
        %get3A_373 = vector.shape_cast %get3A_372 : vector<16xf32> to vector<16xf32>
        %get3A_374 = arith.index_cast %scan3A_333 : i32 to index
        %get3A_375 = arith.constant 0 : index
        %get3A_376 = tpu.vector_load %arg16[%get3A_374, %get3A_375] {strides = array<i32>} : memref<64x128xf32, #tpu.memory_space<vmem>>, vector<1x16xf32>,
        %get3A_377 = vector.shape_cast %get3A_376 : vector<1x16xf32> to vector<16xf32>
        %add3A_378 = arith.addf %get3A_373, %get3A_377 : vector<16xf32>
        %mul3A_379 = arith.constant 128 : i32
        %mul3A_380 = arith.muli %min3A_366, %mul3A_379 : i32
        %add3A_381 = arith.constant 0 : i32
        %add3A_382 = arith.addi %mul3A_380, %add3A_381 : i32
        %get3A_383 = arith.index_cast %add3A_382 : i32 to index
        %get3A_384 = tpu.vector_load %arg10[%get3A_383] {strides = array<i32>} : memref<40064xf32, #tpu.memory_space<vmem>>, vector<16xf32>,
        %get3A_385 = vector.shape_cast %get3A_384 : vector<16xf32> to vector<16xf32>
        %add3A_386 = arith.addf %add3A_378, %get3A_385 : vector<16xf32>
        %max3A_387 = arith.constant 0.000000e+00 : f32
        %max3A_388 = vector.broadcast %max3A_387 : f32 to vector<16xf32>
        %max3A_389 = arith.maximumf %add3A_386, %max3A_388 : vector<16xf32>
        %jit3A_390 = arith.constant 0.000000e+00 : f32
        %broadcast_in_dim3A_391 = vector.broadcast %jit3A_390 : f32 to vector<16xf32>
        %select_n3A_392 = arith.select %eq3A_355, %scan3A_335, %broadcast_in_dim3A_391 : vector<16xf32>
        %add3A_393 = arith.addf %select_n3A_392, %max3A_389 : vector<16xf32>
        %select_n3A_394 = arith.select %and3A_349, %add3A_393, %scan3A_335 : vector<16xf32>
        %mul3A_395 = arith.constant 128 : i32
        %mul3A_396 = arith.muli %scan3A_333, %mul3A_395 : i32
        %add3A_397 = arith.constant 16 : i32
        %add3A_398 = arith.addi %mul3A_396, %add3A_397 : i32
        %get3A_399 = arith.index_cast %add3A_398 : i32 to index
        %get3A_400 = tpu.vector_load %arg17[%get3A_399] {strides = array<i32>} : memref<8192xf32, #tpu.memory_space<vmem>>, vector<16xf32>,
        %get3A_401 = vector.shape_cast %get3A_400 : vector<16xf32> to vector<16xf32>
        %get3A_402 = arith.index_cast %scan3A_333 : i32 to index
        %get3A_403 = arith.constant 16 : index
        %get3A_404 = tpu.vector_load %arg16[%get3A_402, %get3A_403] {strides = array<i32>} : memref<64x128xf32, #tpu.memory_space<vmem>>, vector<1x16xf32>,
        %get3A_405 = vector.shape_cast %get3A_404 : vector<1x16xf32> to vector<16xf32>
        %add3A_406 = arith.addf %get3A_401, %get3A_405 : vector<16xf32>
        %mul3A_407 = arith.constant 128 : i32
        %mul3A_408 = arith.muli %min3A_366, %mul3A_407 : i32
        %add3A_409 = arith.constant 16 : i32
        %add3A_410 = arith.addi %mul3A_408, %add3A_409 : i32
        %get3A_411 = arith.index_cast %add3A_410 : i32 to index
        %get3A_412 = tpu.vector_load %arg10[%get3A_411] {strides = array<i32>} : memref<40064xf32, #tpu.memory_space<vmem>>, vector<16xf32>,
        %get3A_413 = vector.shape_cast %get3A_412 : vector<16xf32> to vector<16xf32>
        %add3A_414 = arith.addf %add3A_406, %get3A_413 : vector<16xf32>
        %max3A_415 = arith.constant 0.000000e+00 : f32
        %max3A_416 = vector.broadcast %max3A_415 : f32 to vector<16xf32>
        %max3A_417 = arith.maximumf %add3A_414, %max3A_416 : vector<16xf32>
        %jit3A_418 = arith.constant 0.000000e+00 : f32
        %broadcast_in_dim3A_419 = vector.broadcast %jit3A_418 : f32 to vector<16xf32>
        %select_n3A_420 = arith.select %eq3A_355, %scan3A_336, %broadcast_in_dim3A_419 : vector<16xf32>
        %add3A_421 = arith.addf %select_n3A_420, %max3A_417 : vector<16xf32>
        %select_n3A_422 = arith.select %and3A_349, %add3A_421, %scan3A_336 : vector<16xf32>
        %mul3A_423 = arith.constant 128 : i32
        %mul3A_424 = arith.muli %scan3A_333, %mul3A_423 : i32
        %add3A_425 = arith.constant 32 : i32
        %add3A_426 = arith.addi %mul3A_424, %add3A_425 : i32
        %get3A_427 = arith.index_cast %add3A_426 : i32 to index
        %get3A_428 = tpu.vector_load %arg17[%get3A_427] {strides = array<i32>} : memref<8192xf32, #tpu.memory_space<vmem>>, vector<16xf32>,
        %get3A_429 = vector.shape_cast %get3A_428 : vector<16xf32> to vector<16xf32>
        %get3A_430 = arith.index_cast %scan3A_333 : i32 to index
        %get3A_431 = arith.constant 32 : index
        %get3A_432 = tpu.vector_load %arg16[%get3A_430, %get3A_431] {strides = array<i32>} : memref<64x128xf32, #tpu.memory_space<vmem>>, vector<1x16xf32>,
        %get3A_433 = vector.shape_cast %get3A_432 : vector<1x16xf32> to vector<16xf32>
        %add3A_434 = arith.addf %get3A_429, %get3A_433 : vector<16xf32>
        %mul3A_435 = arith.constant 128 : i32
        %mul3A_436 = arith.muli %min3A_366, %mul3A_435 : i32
        %add3A_437 = arith.constant 32 : i32
        %add3A_438 = arith.addi %mul3A_436, %add3A_437 : i32
        %get3A_439 = arith.index_cast %add3A_438 : i32 to index
        %get3A_440 = tpu.vector_load %arg10[%get3A_439] {strides = array<i32>} : memref<40064xf32, #tpu.memory_space<vmem>>, vector<16xf32>,
        %get3A_441 = vector.shape_cast %get3A_440 : vector<16xf32> to vector<16xf32>
        %add3A_442 = arith.addf %add3A_434, %get3A_441 : vector<16xf32>
        %max3A_443 = arith.constant 0.000000e+00 : f32
        %max3A_444 = vector.broadcast %max3A_443 : f32 to vector<16xf32>
        %max3A_445 = arith.maximumf %add3A_442, %max3A_444 : vector<16xf32>
        %jit3A_446 = arith.constant 0.000000e+00 : f32
        %broadcast_in_dim3A_447 = vector.broadcast %jit3A_446 : f32 to vector<16xf32>
        %select_n3A_448 = arith.select %eq3A_355, %scan3A_337, %broadcast_in_dim3A_447 : vector<16xf32>
        %add3A_449 = arith.addf %select_n3A_448, %max3A_445 : vector<16xf32>
        %select_n3A_450 = arith.select %and3A_349, %add3A_449, %scan3A_337 : vector<16xf32>
        %mul3A_451 = arith.constant 128 : i32
        %mul3A_452 = arith.muli %scan3A_333, %mul3A_451 : i32
        %add3A_453 = arith.constant 48 : i32
        %add3A_454 = arith.addi %mul3A_452, %add3A_453 : i32
        %get3A_455 = arith.index_cast %add3A_454 : i32 to index
        %get3A_456 = tpu.vector_load %arg17[%get3A_455] {strides = array<i32>} : memref<8192xf32, #tpu.memory_space<vmem>>, vector<16xf32>,
        %get3A_457 = vector.shape_cast %get3A_456 : vector<16xf32> to vector<16xf32>
        %get3A_458 = arith.index_cast %scan3A_333 : i32 to index
        %get3A_459 = arith.constant 48 : index
        %get3A_460 = tpu.vector_load %arg16[%get3A_458, %get3A_459] {strides = array<i32>} : memref<64x128xf32, #tpu.memory_space<vmem>>, vector<1x16xf32>,
        %get3A_461 = vector.shape_cast %get3A_460 : vector<1x16xf32> to vector<16xf32>
        %add3A_462 = arith.addf %get3A_457, %get3A_461 : vector<16xf32>
        %mul3A_463 = arith.constant 128 : i32
        %mul3A_464 = arith.muli %min3A_366, %mul3A_463 : i32
        %add3A_465 = arith.constant 48 : i32
        %add3A_466 = arith.addi %mul3A_464, %add3A_465 : i32
        %get3A_467 = arith.index_cast %add3A_466 : i32 to index
        %get3A_468 = tpu.vector_load %arg10[%get3A_467] {strides = array<i32>} : memref<40064xf32, #tpu.memory_space<vmem>>, vector<16xf32>,
        %get3A_469 = vector.shape_cast %get3A_468 : vector<16xf32> to vector<16xf32>
        %add3A_470 = arith.addf %add3A_462, %get3A_469 : vector<16xf32>
        %max3A_471 = arith.constant 0.000000e+00 : f32
        %max3A_472 = vector.broadcast %max3A_471 : f32 to vector<16xf32>
        %max3A_473 = arith.maximumf %add3A_470, %max3A_472 : vector<16xf32>
        %jit3A_474 = arith.constant 0.000000e+00 : f32
        %broadcast_in_dim3A_475 = vector.broadcast %jit3A_474 : f32 to vector<16xf32>
        %select_n3A_476 = arith.select %eq3A_355, %scan3A_338, %broadcast_in_dim3A_475 : vector<16xf32>
        %add3A_477 = arith.addf %select_n3A_476, %max3A_473 : vector<16xf32>
        %select_n3A_478 = arith.select %and3A_349, %add3A_477, %scan3A_338 : vector<16xf32>
        %mul3A_479 = arith.constant 128 : i32
        %mul3A_480 = arith.muli %scan3A_333, %mul3A_479 : i32
        %add3A_481 = arith.constant 64 : i32
        %add3A_482 = arith.addi %mul3A_480, %add3A_481 : i32
        %get3A_483 = arith.index_cast %add3A_482 : i32 to index
        %get3A_484 = tpu.vector_load %arg17[%get3A_483] {strides = array<i32>} : memref<8192xf32, #tpu.memory_space<vmem>>, vector<16xf32>,
        %get3A_485 = vector.shape_cast %get3A_484 : vector<16xf32> to vector<16xf32>
        %get3A_486 = arith.index_cast %scan3A_333 : i32 to index
        %get3A_487 = arith.constant 64 : index
        %get3A_488 = tpu.vector_load %arg16[%get3A_486, %get3A_487] {strides = array<i32>} : memref<64x128xf32, #tpu.memory_space<vmem>>, vector<1x16xf32>,
        %get3A_489 = vector.shape_cast %get3A_488 : vector<1x16xf32> to vector<16xf32>
        %add3A_490 = arith.addf %get3A_485, %get3A_489 : vector<16xf32>
        %mul3A_491 = arith.constant 128 : i32
        %mul3A_492 = arith.muli %min3A_366, %mul3A_491 : i32
        %add3A_493 = arith.constant 64 : i32
        %add3A_494 = arith.addi %mul3A_492, %add3A_493 : i32
        %get3A_495 = arith.index_cast %add3A_494 : i32 to index
        %get3A_496 = tpu.vector_load %arg10[%get3A_495] {strides = array<i32>} : memref<40064xf32, #tpu.memory_space<vmem>>, vector<16xf32>,
        %get3A_497 = vector.shape_cast %get3A_496 : vector<16xf32> to vector<16xf32>
        %add3A_498 = arith.addf %add3A_490, %get3A_497 : vector<16xf32>
        %max3A_499 = arith.constant 0.000000e+00 : f32
        %max3A_500 = vector.broadcast %max3A_499 : f32 to vector<16xf32>
        %max3A_501 = arith.maximumf %add3A_498, %max3A_500 : vector<16xf32>
        %jit3A_502 = arith.constant 0.000000e+00 : f32
        %broadcast_in_dim3A_503 = vector.broadcast %jit3A_502 : f32 to vector<16xf32>
        %select_n3A_504 = arith.select %eq3A_355, %scan3A_339, %broadcast_in_dim3A_503 : vector<16xf32>
        %add3A_505 = arith.addf %select_n3A_504, %max3A_501 : vector<16xf32>
        %select_n3A_506 = arith.select %and3A_349, %add3A_505, %scan3A_339 : vector<16xf32>
        %mul3A_507 = arith.constant 128 : i32
        %mul3A_508 = arith.muli %scan3A_333, %mul3A_507 : i32
        %add3A_509 = arith.constant 80 : i32
        %add3A_510 = arith.addi %mul3A_508, %add3A_509 : i32
        %get3A_511 = arith.index_cast %add3A_510 : i32 to index
        %get3A_512 = tpu.vector_load %arg17[%get3A_511] {strides = array<i32>} : memref<8192xf32, #tpu.memory_space<vmem>>, vector<16xf32>,
        %get3A_513 = vector.shape_cast %get3A_512 : vector<16xf32> to vector<16xf32>
        %get3A_514 = arith.index_cast %scan3A_333 : i32 to index
        %get3A_515 = arith.constant 80 : index
        %get3A_516 = tpu.vector_load %arg16[%get3A_514, %get3A_515] {strides = array<i32>} : memref<64x128xf32, #tpu.memory_space<vmem>>, vector<1x16xf32>,
        %get3A_517 = vector.shape_cast %get3A_516 : vector<1x16xf32> to vector<16xf32>
        %add3A_518 = arith.addf %get3A_513, %get3A_517 : vector<16xf32>
        %mul3A_519 = arith.constant 128 : i32
        %mul3A_520 = arith.muli %min3A_366, %mul3A_519 : i32
        %add3A_521 = arith.constant 80 : i32
        %add3A_522 = arith.addi %mul3A_520, %add3A_521 : i32
        %get3A_523 = arith.index_cast %add3A_522 : i32 to index
        %get3A_524 = tpu.vector_load %arg10[%get3A_523] {strides = array<i32>} : memref<40064xf32, #tpu.memory_space<vmem>>, vector<16xf32>,
        %get3A_525 = vector.shape_cast %get3A_524 : vector<16xf32> to vector<16xf32>
        %add3A_526 = arith.addf %add3A_518, %get3A_525 : vector<16xf32>
        %max3A_527 = arith.constant 0.000000e+00 : f32
        %max3A_528 = vector.broadcast %max3A_527 : f32 to vector<16xf32>
        %max3A_529 = arith.maximumf %add3A_526, %max3A_528 : vector<16xf32>
        %jit3A_530 = arith.constant 0.000000e+00 : f32
        %broadcast_in_dim3A_531 = vector.broadcast %jit3A_530 : f32 to vector<16xf32>
        %select_n3A_532 = arith.select %eq3A_355, %scan3A_340, %broadcast_in_dim3A_531 : vector<16xf32>
        %add3A_533 = arith.addf %select_n3A_532, %max3A_529 : vector<16xf32>
        %select_n3A_534 = arith.select %and3A_349, %add3A_533, %scan3A_340 : vector<16xf32>
        %mul3A_535 = arith.constant 128 : i32
        %mul3A_536 = arith.muli %scan3A_333, %mul3A_535 : i32
        %add3A_537 = arith.constant 96 : i32
        %add3A_538 = arith.addi %mul3A_536, %add3A_537 : i32
        %get3A_539 = arith.index_cast %add3A_538 : i32 to index
        %get3A_540 = tpu.vector_load %arg17[%get3A_539] {strides = array<i32>} : memref<8192xf32, #tpu.memory_space<vmem>>, vector<16xf32>,
        %get3A_541 = vector.shape_cast %get3A_540 : vector<16xf32> to vector<16xf32>
        %get3A_542 = arith.index_cast %scan3A_333 : i32 to index
        %get3A_543 = arith.constant 96 : index
        %get3A_544 = tpu.vector_load %arg16[%get3A_542, %get3A_543] {strides = array<i32>} : memref<64x128xf32, #tpu.memory_space<vmem>>, vector<1x16xf32>,
        %get3A_545 = vector.shape_cast %get3A_544 : vector<1x16xf32> to vector<16xf32>
        %add3A_546 = arith.addf %get3A_541, %get3A_545 : vector<16xf32>
        %mul3A_547 = arith.constant 128 : i32
        %mul3A_548 = arith.muli %min3A_366, %mul3A_547 : i32
        %add3A_549 = arith.constant 96 : i32
        %add3A_550 = arith.addi %mul3A_548, %add3A_549 : i32
        %get3A_551 = arith.index_cast %add3A_550 : i32 to index
        %get3A_552 = tpu.vector_load %arg10[%get3A_551] {strides = array<i32>} : memref<40064xf32, #tpu.memory_space<vmem>>, vector<16xf32>,
        %get3A_553 = vector.shape_cast %get3A_552 : vector<16xf32> to vector<16xf32>
        %add3A_554 = arith.addf %add3A_546, %get3A_553 : vector<16xf32>
        %max3A_555 = arith.constant 0.000000e+00 : f32
        %max3A_556 = vector.broadcast %max3A_555 : f32 to vector<16xf32>
        %max3A_557 = arith.maximumf %add3A_554, %max3A_556 : vector<16xf32>
        %jit3A_558 = arith.constant 0.000000e+00 : f32
        %broadcast_in_dim3A_559 = vector.broadcast %jit3A_558 : f32 to vector<16xf32>
        %select_n3A_560 = arith.select %eq3A_355, %scan3A_341, %broadcast_in_dim3A_559 : vector<16xf32>
        %add3A_561 = arith.addf %select_n3A_560, %max3A_557 : vector<16xf32>
        %select_n3A_562 = arith.select %and3A_349, %add3A_561, %scan3A_341 : vector<16xf32>
        %mul3A_563 = arith.constant 128 : i32
        %mul3A_564 = arith.muli %scan3A_333, %mul3A_563 : i32
        %add3A_565 = arith.constant 112 : i32
        %add3A_566 = arith.addi %mul3A_564, %add3A_565 : i32
        %get3A_567 = arith.index_cast %add3A_566 : i32 to index
        %get3A_568 = tpu.vector_load %arg17[%get3A_567] {strides = array<i32>} : memref<8192xf32, #tpu.memory_space<vmem>>, vector<16xf32>,
        %get3A_569 = vector.shape_cast %get3A_568 : vector<16xf32> to vector<16xf32>
        %get3A_570 = arith.index_cast %scan3A_333 : i32 to index
        %get3A_571 = arith.constant 112 : index
        %get3A_572 = tpu.vector_load %arg16[%get3A_570, %get3A_571] {strides = array<i32>} : memref<64x128xf32, #tpu.memory_space<vmem>>, vector<1x16xf32>,
        %get3A_573 = vector.shape_cast %get3A_572 : vector<1x16xf32> to vector<16xf32>
        %add3A_574 = arith.addf %get3A_569, %get3A_573 : vector<16xf32>
        %mul3A_575 = arith.constant 128 : i32
        %mul3A_576 = arith.muli %min3A_366, %mul3A_575 : i32
        %add3A_577 = arith.constant 112 : i32
        %add3A_578 = arith.addi %mul3A_576, %add3A_577 : i32
        %get3A_579 = arith.index_cast %add3A_578 : i32 to index
        %get3A_580 = tpu.vector_load %arg10[%get3A_579] {strides = array<i32>} : memref<40064xf32, #tpu.memory_space<vmem>>, vector<16xf32>,
        %get3A_581 = vector.shape_cast %get3A_580 : vector<16xf32> to vector<16xf32>
        %add3A_582 = arith.addf %add3A_574, %get3A_581 : vector<16xf32>
        %max3A_583 = arith.constant 0.000000e+00 : f32
        %max3A_584 = vector.broadcast %max3A_583 : f32 to vector<16xf32>
        %max3A_585 = arith.maximumf %add3A_582, %max3A_584 : vector<16xf32>
        %jit3A_586 = arith.constant 0.000000e+00 : f32
        %broadcast_in_dim3A_587 = vector.broadcast %jit3A_586 : f32 to vector<16xf32>
        %select_n3A_588 = arith.select %eq3A_355, %scan3A_342, %broadcast_in_dim3A_587 : vector<16xf32>
        %add3A_589 = arith.addf %select_n3A_588, %max3A_585 : vector<16xf32>
        %select_n3A_590 = arith.select %and3A_349, %add3A_589, %scan3A_342 : vector<16xf32>
        scf.yield %select_n3A_361, %select_n3A_394, %select_n3A_422, %select_n3A_450, %select_n3A_478, %select_n3A_506, %select_n3A_534, %select_n3A_562, %select_n3A_590 : i32, vector<16xf32>, vector<16xf32>, vector<16xf32>, vector<16xf32>, vector<16xf32>, vector<16xf32>, vector<16xf32>, vector<16xf32>
      }
      %scan3A_332 = arith.constant 64 : i32
      scf.yield %scan3A_331#0, %scan3A_331#1, %scan3A_331#2, %scan3A_331#3, %scan3A_331#4, %scan3A_331#5, %scan3A_331#6, %scan3A_331#7, %scan3A_331#8 : i32, vector<16xf32>, vector<16xf32>, vector<16xf32>, vector<16xf32>, vector<16xf32>, vector<16xf32>, vector<16xf32>, vector<16xf32>
    }
    %ge3A = arith.constant 0 : i32
    %ge3A_101 = arith.cmpi sge, %while3A_100#0, %ge3A : i32
    %sub3A_102 = arith.subi %while3A_100#0, %mul3A_11 : i32
    %jit3A_103 = arith.constant 313 : i32
    %select_n3A_104 = arith.select %ge3A_101, %sub3A_102, %jit3A_103 : i32
    %jit3A_105 = arith.constant 0 : i32
    %jit3A_106 = arith.constant 313 : i32
    %max3A = arith.maxsi %jit3A_105, %select_n3A_104 : i32
    %min3A = arith.minsi %jit3A_106, %max3A : i32
    %mul3A_107 = arith.constant 128 : i32
    %mul3A_108 = arith.muli %min3A, %mul3A_107 : i32
    %add3A_109 = arith.constant 0 : i32
    %add3A_110 = arith.addi %mul3A_108, %add3A_109 : i32
    %swap3A = arith.index_cast %add3A_110 : i32 to index
    %swap3A_111 = tpu.vector_load %arg9[%swap3A] {strides = array<i32>} : memref<40192xf32, #tpu.memory_space<vmem>>, vector<16xf32>,
    %swap3A_112 = vector.shape_cast %swap3A_111 : vector<16xf32> to vector<16xf32>
    %swap3A_113 = vector.shape_cast %while3A_100#1 : vector<16xf32> to vector<16xf32>
    tpu.vector_store %arg9[%swap3A], %swap3A_113 {strides = array<i32>} : memref<40192xf32, #tpu.memory_space<vmem>>, vector<16xf32>,
    %mul3A_114 = arith.constant 128 : i32
    %mul3A_115 = arith.muli %min3A, %mul3A_114 : i32
    %add3A_116 = arith.constant 16 : i32
    %add3A_117 = arith.addi %mul3A_115, %add3A_116 : i32
    %swap3A_118 = arith.index_cast %add3A_117 : i32 to index
    %swap3A_119 = tpu.vector_load %arg9[%swap3A_118] {strides = array<i32>} : memref<40192xf32, #tpu.memory_space<vmem>>, vector<16xf32>,
    %swap3A_120 = vector.shape_cast %swap3A_119 : vector<16xf32> to vector<16xf32>
    %swap3A_121 = vector.shape_cast %while3A_100#2 : vector<16xf32> to vector<16xf32>
    tpu.vector_store %arg9[%swap3A_118], %swap3A_121 {strides = array<i32>} : memref<40192xf32, #tpu.memory_space<vmem>>, vector<16xf32>,
    %mul3A_122 = arith.constant 128 : i32
    %mul3A_123 = arith.muli %min3A, %mul3A_122 : i32
    %add3A_124 = arith.constant 32 : i32
    %add3A_125 = arith.addi %mul3A_123, %add3A_124 : i32
    %swap3A_126 = arith.index_cast %add3A_125 : i32 to index
    %swap3A_127 = tpu.vector_load %arg9[%swap3A_126] {strides = array<i32>} : memref<40192xf32, #tpu.memory_space<vmem>>, vector<16xf32>,
    %swap3A_128 = vector.shape_cast %swap3A_127 : vector<16xf32> to vector<16xf32>
    %swap3A_129 = vector.shape_cast %while3A_100#3 : vector<16xf32> to vector<16xf32>
    tpu.vector_store %arg9[%swap3A_126], %swap3A_129 {strides = array<i32>} : memref<40192xf32, #tpu.memory_space<vmem>>, vector<16xf32>,
    %mul3A_130 = arith.constant 128 : i32
    %mul3A_131 = arith.muli %min3A, %mul3A_130 : i32
    %add3A_132 = arith.constant 48 : i32
    %add3A_133 = arith.addi %mul3A_131, %add3A_132 : i32
    %swap3A_134 = arith.index_cast %add3A_133 : i32 to index
    %swap3A_135 = tpu.vector_load %arg9[%swap3A_134] {strides = array<i32>} : memref<40192xf32, #tpu.memory_space<vmem>>, vector<16xf32>,
    %swap3A_136 = vector.shape_cast %swap3A_135 : vector<16xf32> to vector<16xf32>
    %swap3A_137 = vector.shape_cast %while3A_100#4 : vector<16xf32> to vector<16xf32>
    tpu.vector_store %arg9[%swap3A_134], %swap3A_137 {strides = array<i32>} : memref<40192xf32, #tpu.memory_space<vmem>>, vector<16xf32>,
    %mul3A_138 = arith.constant 128 : i32
    %mul3A_139 = arith.muli %min3A, %mul3A_138 : i32
    %add3A_140 = arith.constant 64 : i32
    %add3A_141 = arith.addi %mul3A_139, %add3A_140 : i32
    %swap3A_142 = arith.index_cast %add3A_141 : i32 to index
    %swap3A_143 = tpu.vector_load %arg9[%swap3A_142] {strides = array<i32>} : memref<40192xf32, #tpu.memory_space<vmem>>, vector<16xf32>,
    %swap3A_144 = vector.shape_cast %swap3A_143 : vector<16xf32> to vector<16xf32>
    %swap3A_145 = vector.shape_cast %while3A_100#5 : vector<16xf32> to vector<16xf32>
    tpu.vector_store %arg9[%swap3A_142], %swap3A_145 {strides = array<i32>} : memref<40192xf32, #tpu.memory_space<vmem>>, vector<16xf32>,
    %mul3A_146 = arith.constant 128 : i32
    %mul3A_147 = arith.muli %min3A, %mul3A_146 : i32
    %add3A_148 = arith.constant 80 : i32
    %add3A_149 = arith.addi %mul3A_147, %add3A_148 : i32
    %swap3A_150 = arith.index_cast %add3A_149 : i32 to index
    %swap3A_151 = tpu.vector_load %arg9[%swap3A_150] {strides = array<i32>} : memref<40192xf32, #tpu.memory_space<vmem>>, vector<16xf32>,
    %swap3A_152 = vector.shape_cast %swap3A_151 : vector<16xf32> to vector<16xf32>
    %swap3A_153 = vector.shape_cast %while3A_100#6 : vector<16xf32> to vector<16xf32>
    tpu.vector_store %arg9[%swap3A_150], %swap3A_153 {strides = array<i32>} : memref<40192xf32, #tpu.memory_space<vmem>>, vector<16xf32>,
    %mul3A_154 = arith.constant 128 : i32
    %mul3A_155 = arith.muli %min3A, %mul3A_154 : i32
    %add3A_156 = arith.constant 96 : i32
    %add3A_157 = arith.addi %mul3A_155, %add3A_156 : i32
    %swap3A_158 = arith.index_cast %add3A_157 : i32 to index
    %swap3A_159 = tpu.vector_load %arg9[%swap3A_158] {strides = array<i32>} : memref<40192xf32, #tpu.memory_space<vmem>>, vector<16xf32>,
    %swap3A_160 = vector.shape_cast %swap3A_159 : vector<16xf32> to vector<16xf32>
    %swap3A_161 = vector.shape_cast %while3A_100#7 : vector<16xf32> to vector<16xf32>
    tpu.vector_store %arg9[%swap3A_158], %swap3A_161 {strides = array<i32>} : memref<40192xf32, #tpu.memory_space<vmem>>, vector<16xf32>,
    %mul3A_162 = arith.constant 128 : i32
    %mul3A_163 = arith.muli %min3A, %mul3A_162 : i32
    %add3A_164 = arith.constant 112 : i32
    %add3A_165 = arith.addi %mul3A_163, %add3A_164 : i32
    %swap3A_166 = arith.index_cast %add3A_165 : i32 to index
    %swap3A_167 = tpu.vector_load %arg9[%swap3A_166] {strides = array<i32>} : memref<40192xf32, #tpu.memory_space<vmem>>, vector<16xf32>,
    %swap3A_168 = vector.shape_cast %swap3A_167 : vector<16xf32> to vector<16xf32>
    %swap3A_169 = vector.shape_cast %while3A_100#8 : vector<16xf32> to vector<16xf32>
    tpu.vector_store %arg9[%swap3A_166], %swap3A_169 {strides = array<i32>} : memref<40192xf32, #tpu.memory_space<vmem>>, vector<16xf32>,
    %lt3A_170 = arith.constant 31 : i32
    %lt3A_171 = arith.cmpi slt, %add3A, %lt3A_170 : i32
    %convert_element_type3A_172 = arith.extui %lt3A_171 : i1 to i32
    %cond3A_173 = arith.constant 0 : i32
    %cond3A_174 = arith.cmpi ne, %convert_element_type3A_172, %cond3A_173 : i32
    scf.if %cond3A_174 {
      %mul3A_180 = arith.constant 128 : i32
      %mul3A_181 = arith.muli %mul3A_11, %mul3A_180 : i32
      "tpu.region"() ({
        %run_scoped3A = tpu.sem_alloc : memref<!tpu.dma_semaphore, #tpu.memory_space<semaphore_mem>>
        %dma_start3A = arith.constant 0 : i32
        %dma_start3A_182 = tpu.memref_slice %arg9[%dma_start3A] : memref<40192xf32, #tpu.memory_space<vmem>> -> memref<40064xf32, #tpu.memory_space<vmem>>
        %dma_start3A_183 = tpu.memref_slice %arg8[%mul3A_181] : memref<1280000xf32, #tpu.memory_space<hbm>> -> memref<40064xf32, #tpu.memory_space<hbm>>
        %dma_start3A_184 = tpu.memref_slice %arg8[%mul3A_181] : memref<1280000xf32, #tpu.memory_space<hbm>> -> memref<40064xf32, #tpu.memory_space<hbm>>
        %dma_start3A_185 = arith.constant 0 : i32
        %dma_start3A_186 = tpu.memref_slice %arg9[%dma_start3A_185] : memref<40192xf32, #tpu.memory_space<vmem>> -> memref<40064xf32, #tpu.memory_space<vmem>>
        tpu.enqueue_dma source(%dma_start3A_186 : memref<40064xf32, #tpu.memory_space<vmem>>) target(%dma_start3A_184 : memref<40064xf32, #tpu.memory_space<hbm>>) target_semaphore(%run_scoped3A : memref<!tpu.dma_semaphore, #tpu.memory_space<semaphore_mem>>)
        %dma_wait3A = arith.constant 0 : i32
        %dma_wait3A_187 = tpu.memref_slice %arg9[%dma_wait3A] : memref<40192xf32, #tpu.memory_space<vmem>> -> memref<40064xf32, #tpu.memory_space<vmem>>
        %dma_wait3A_188 = tpu.memref_slice %arg8[%mul3A_181] : memref<1280000xf32, #tpu.memory_space<hbm>> -> memref<40064xf32, #tpu.memory_space<hbm>>
        %dma_wait3A_189 = tpu.memref_slice %arg8[%mul3A_181] : memref<1280000xf32, #tpu.memory_space<hbm>> -> memref<40064xf32, #tpu.memory_space<hbm>>
        %dma_wait3A_190 = arith.constant 0 : i32
        %dma_wait3A_191 = tpu.memref_slice %arg9[%dma_wait3A_190] : memref<40192xf32, #tpu.memory_space<vmem>> -> memref<40064xf32, #tpu.memory_space<vmem>>
        tpu.wait_dma2 semaphore(%run_scoped3A : memref<!tpu.dma_semaphore, #tpu.memory_space<semaphore_mem>>) src(%dma_wait3A_191 : memref<40064xf32, #tpu.memory_space<vmem>>) dst(%dma_wait3A_189 : memref<40064xf32, #tpu.memory_space<hbm>>)
        tpu.yield
      }) : () -> ()
    } else {
    }
    %eq3A_175 = arith.constant 31 : i32
    %eq3A_176 = arith.cmpi eq, %add3A, %eq3A_175 : i32
    %convert_element_type3A_177 = arith.extui %eq3A_176 : i1 to i32
    %cond3A_178 = arith.constant 0 : i32
    %cond3A_179 = arith.cmpi ne, %convert_element_type3A_177, %cond3A_178 : i32
    scf.if %cond3A_179 {
      %mul3A_180 = arith.constant 128 : i32
      %mul3A_181 = arith.muli %mul3A_11, %mul3A_180 : i32
      "tpu.region"() ({
        %run_scoped3A = tpu.sem_alloc : memref<!tpu.dma_semaphore, #tpu.memory_space<semaphore_mem>>
        %dma_start3A = arith.constant 0 : i32
        %dma_start3A_182 = tpu.memref_slice %arg9[%dma_start3A] : memref<40192xf32, #tpu.memory_space<vmem>> -> memref<38016xf32, #tpu.memory_space<vmem>>
        %dma_start3A_183 = tpu.memref_slice %arg8[%mul3A_181] : memref<1280000xf32, #tpu.memory_space<hbm>> -> memref<38016xf32, #tpu.memory_space<hbm>>
        %dma_start3A_184 = tpu.memref_slice %arg8[%mul3A_181] : memref<1280000xf32, #tpu.memory_space<hbm>> -> memref<38016xf32, #tpu.memory_space<hbm>>
        %dma_start3A_185 = arith.constant 0 : i32
        %dma_start3A_186 = tpu.memref_slice %arg9[%dma_start3A_185] : memref<40192xf32, #tpu.memory_space<vmem>> -> memref<38016xf32, #tpu.memory_space<vmem>>
        tpu.enqueue_dma source(%dma_start3A_186 : memref<38016xf32, #tpu.memory_space<vmem>>) target(%dma_start3A_184 : memref<38016xf32, #tpu.memory_space<hbm>>) target_semaphore(%run_scoped3A : memref<!tpu.dma_semaphore, #tpu.memory_space<semaphore_mem>>)
        %dma_wait3A = arith.constant 0 : i32
        %dma_wait3A_187 = tpu.memref_slice %arg9[%dma_wait3A] : memref<40192xf32, #tpu.memory_space<vmem>> -> memref<38016xf32, #tpu.memory_space<vmem>>
        %dma_wait3A_188 = tpu.memref_slice %arg8[%mul3A_181] : memref<1280000xf32, #tpu.memory_space<hbm>> -> memref<38016xf32, #tpu.memory_space<hbm>>
        %dma_wait3A_189 = tpu.memref_slice %arg8[%mul3A_181] : memref<1280000xf32, #tpu.memory_space<hbm>> -> memref<38016xf32, #tpu.memory_space<hbm>>
        %dma_wait3A_190 = arith.constant 0 : i32
        %dma_wait3A_191 = tpu.memref_slice %arg9[%dma_wait3A_190] : memref<40192xf32, #tpu.memory_space<vmem>> -> memref<38016xf32, #tpu.memory_space<vmem>>
        tpu.wait_dma2 semaphore(%run_scoped3A : memref<!tpu.dma_semaphore, #tpu.memory_space<semaphore_mem>>) src(%dma_wait3A_191 : memref<38016xf32, #tpu.memory_space<vmem>>) dst(%dma_wait3A_189 : memref<38016xf32, #tpu.memory_space<hbm>>)
        tpu.yield
      }) : () -> ()
    } else {
    }
    return
  }
}

module attributes {stable_mosaic.version = 14 : i64} {
  func.func @body(%arg0: i32, %arg1: memref<2000x16xf32, #tpu.memory_space<vmem>>, %arg2: memref<16x128xf32, #tpu.memory_space<vmem>>, %arg3: memref<2000x128xf32, #tpu.memory_space<vmem>>, %arg4: memref<128x128xf32, #tpu.memory_space<vmem>>, %arg5: memref<128x128xf32, #tpu.memory_space<vmem>>, %arg6: memref<1x128xf32, #tpu.memory_space<vmem>>, %arg7: memref<2000x128xf32, #tpu.memory_space<vmem>>, %arg8: memref<2000x128xf32, #tpu.memory_space<vmem>>, %arg9: memref<2000x128xf32, #tpu.memory_space<vmem>>) attributes {dimension_semantics = [#tpu.dimension_semantics<arbitrary>], iteration_bounds = array<i64: 161>, scalar_prefetch = 0 : i64, scratch_operands = 0 : i64, tpu.core_type = #tpu.core_type<tc>, window_params = [{transform_indices = @transform_0, window_bounds = array<i64: 2000, 16>}, {pipeline_mode = #tpu.pipeline_mode<synchronous>, transform_indices = @transform_1, window_bounds = array<i64: 16, 128>}, {transform_indices = @transform_2, window_bounds = array<i64: 2000, 128>}, {pipeline_mode = #tpu.pipeline_mode<synchronous>, transform_indices = @transform_3, window_bounds = array<i64: 128, 128>}, {pipeline_mode = #tpu.pipeline_mode<synchronous>, transform_indices = @transform_4, window_bounds = array<i64: 128, 128>}, {pipeline_mode = #tpu.pipeline_mode<synchronous>, transform_indices = @transform_5, window_bounds = array<i64: 1, 128>}, {transform_indices = @transform_6, window_bounds = array<i64: 2000, 128>}, {transform_indices = @transform_7, window_bounds = array<i64: 2000, 128>}, {transform_indices = @transform_8, window_bounds = array<i64: 2000, 128>}]} {
    %get3A = arith.constant 0 : index
    %get3A_0 = arith.constant 0 : index
    %get3A_1 = vector.load %arg1[%get3A, %get3A_0] : memref<2000x16xf32, #tpu.memory_space<vmem>>, vector<2000x16xf32>
    %get3A_2 = arith.constant 0 : index
    %get3A_3 = arith.constant 0 : index
    %get3A_4 = vector.load %arg2[%get3A_2, %get3A_3] : memref<16x128xf32, #tpu.memory_space<vmem>>, vector<16x128xf32>
    %dot_general3A = arith.constant dense<0.000000e+00> : vector<2000x128xf32>
    %dot_general3A_5 = tpu.matmul %get3A_1, %get3A_4, %dot_general3A {dimension_numbers = #tpu.dot_dimension_numbers<[1], [0], [0], [1], [0, 0, 1, 1], [], []>, transpose_lhs_hint = false} : vector<2000x16xf32>, vector<16x128xf32>, vector<2000x128xf32> -> vector<2000x128xf32>
    %swap3A = arith.constant 0 : index
    %swap3A_6 = arith.constant 0 : index
    %swap3A_7 = vector.load %arg7[%swap3A, %swap3A_6] : memref<2000x128xf32, #tpu.memory_space<vmem>>, vector<2000x128xf32>
    tpu.vector_store %arg7[%swap3A, %swap3A_6], %dot_general3A_5 {strides = array<i32>} : memref<2000x128xf32, #tpu.memory_space<vmem>>, vector<2000x128xf32>,
    %lt3A = arith.constant 5 : i32
    %lt3A_8 = arith.cmpi slt, %arg0, %lt3A : i32
    %convert_element_type3A = arith.extui %lt3A_8 : i1 to i32
    %cond3A = arith.constant 0 : i32
    %cond3A_9 = arith.cmpi ne, %convert_element_type3A, %cond3A : i32
    scf.if %cond3A_9 {
      %get3A_10 = arith.constant 0 : index
      %get3A_11 = arith.constant 0 : index
      %get3A_12 = vector.load %arg3[%get3A_10, %get3A_11] : memref<2000x128xf32, #tpu.memory_space<vmem>>, vector<2000x128xf32>
      %get3A_13 = arith.constant 0 : index
      %get3A_14 = arith.constant 0 : index
      %get3A_15 = vector.load %arg4[%get3A_13, %get3A_14] : memref<128x128xf32, #tpu.memory_space<vmem>>, vector<128x128xf32>
      %dot_general3A_16 = arith.constant dense<0.000000e+00> : vector<2000x128xf32>
      %dot_general3A_17 = tpu.matmul %get3A_12, %get3A_15, %dot_general3A_16 {dimension_numbers = #tpu.dot_dimension_numbers<[1], [0], [0], [1], [0, 0, 1, 1], [], []>, transpose_lhs_hint = false} : vector<2000x128xf32>, vector<128x128xf32>, vector<2000x128xf32> -> vector<2000x128xf32>
      %swap3A_18 = arith.constant 0 : index
      %swap3A_19 = arith.constant 0 : index
      %swap3A_20 = vector.load %arg8[%swap3A_18, %swap3A_19] : memref<2000x128xf32, #tpu.memory_space<vmem>>, vector<2000x128xf32>
      tpu.vector_store %arg8[%swap3A_18, %swap3A_19], %dot_general3A_17 {strides = array<i32>} : memref<2000x128xf32, #tpu.memory_space<vmem>>, vector<2000x128xf32>,
      %get3A_21 = arith.constant 0 : index
      %get3A_22 = arith.constant 0 : index
      %get3A_23 = vector.load %arg5[%get3A_21, %get3A_22] : memref<128x128xf32, #tpu.memory_space<vmem>>, vector<128x128xf32>
      %dot_general3A_24 = arith.constant dense<0.000000e+00> : vector<2000x128xf32>
      %dot_general3A_25 = tpu.matmul %get3A_12, %get3A_23, %dot_general3A_24 {dimension_numbers = #tpu.dot_dimension_numbers<[1], [0], [0], [1], [0, 0, 1, 1], [], []>, transpose_lhs_hint = false} : vector<2000x128xf32>, vector<128x128xf32>, vector<2000x128xf32> -> vector<2000x128xf32>
      %get3A_26 = arith.constant 0 : index
      %get3A_27 = arith.constant 0 : index
      %get3A_28 = vector.load %arg6[%get3A_26, %get3A_27] : memref<1x128xf32, #tpu.memory_space<vmem>>, vector<1x128xf32>
      %add3A = vector.broadcast %get3A_28 : vector<1x128xf32> to vector<2000x128xf32>
      %add3A_29 = arith.addf %dot_general3A_25, %add3A : vector<2000x128xf32>
      %swap3A_30 = arith.constant 0 : index
      %swap3A_31 = arith.constant 0 : index
      %swap3A_32 = vector.load %arg9[%swap3A_30, %swap3A_31] : memref<2000x128xf32, #tpu.memory_space<vmem>>, vector<2000x128xf32>
      tpu.vector_store %arg9[%swap3A_30, %swap3A_31], %add3A_29 {strides = array<i32>} : memref<2000x128xf32, #tpu.memory_space<vmem>>, vector<2000x128xf32>,
    } else {
    }
    return
  }
  func.func @transform_0(%arg0: i32) -> (i32, i32) {
    %min3A = arith.constant 159 : i32
    %min3A_0 = arith.minsi %arg0, %min3A : i32
    %c0_i32 = arith.constant 0 : i32
    %c0_i32_1 = arith.constant 0 : i32
    return %min3A_0, %c0_i32 : i32, i32
  }
  func.func @transform_1(%arg0: i32) -> (i32, i32) {
    %c0_i32 = arith.constant 0 : i32
    %c0_i32_0 = arith.constant 0 : i32
    %c0_i32_1 = arith.constant 0 : i32
    return %c0_i32, %c0_i32_0 : i32, i32
  }
  func.func @transform_2(%arg0: i32) -> (i32, i32) {
    %min3A = arith.constant 4 : i32
    %min3A_0 = arith.minsi %arg0, %min3A : i32
    %c0_i32 = arith.constant 0 : i32
    %c0_i32_1 = arith.constant 0 : i32
    return %min3A_0, %c0_i32 : i32, i32
  }
  func.func @transform_3(%arg0: i32) -> (i32, i32) {
    %c0_i32 = arith.constant 0 : i32
    %c0_i32_0 = arith.constant 0 : i32
    %c0_i32_1 = arith.constant 0 : i32
    return %c0_i32, %c0_i32_0 : i32, i32
  }
  func.func @transform_4(%arg0: i32) -> (i32, i32) {
    %c0_i32 = arith.constant 0 : i32
    %c0_i32_0 = arith.constant 0 : i32
    %c0_i32_1 = arith.constant 0 : i32
    return %c0_i32, %c0_i32_0 : i32, i32
  }
  func.func @transform_5(%arg0: i32) -> (i32, i32) {
    %c0_i32 = arith.constant 0 : i32
    %c0_i32_0 = arith.constant 0 : i32
    %c0_i32_1 = arith.constant 0 : i32
    return %c0_i32, %c0_i32_0 : i32, i32
  }
  func.func @transform_6(%arg0: i32) -> (i32, i32) {
    %c0_i32 = arith.constant 0 : i32
    %c0_i32_0 = arith.constant 0 : i32
    return %arg0, %c0_i32 : i32, i32
  }
  func.func @transform_7(%arg0: i32) -> (i32, i32) {
    %min3A = arith.constant 4 : i32
    %min3A_0 = arith.minsi %arg0, %min3A : i32
    %c0_i32 = arith.constant 0 : i32
    %c0_i32_1 = arith.constant 0 : i32
    return %min3A_0, %c0_i32 : i32, i32
  }
  func.func @transform_8(%arg0: i32) -> (i32, i32) {
    %min3A = arith.constant 4 : i32
    %min3A_0 = arith.minsi %arg0, %min3A : i32
    %c0_i32 = arith.constant 0 : i32
    %c0_i32_1 = arith.constant 0 : i32
    return %min3A_0, %c0_i32 : i32, i32
  }
}

module attributes {stable_mosaic.version = 14 : i64} {
  func.func @body(%arg0: i32, %arg1: memref<1000x128xf32, #tpu.memory_space<vmem>>, %arg2: memref<1000x128xf32, #tpu.memory_space<vmem>>, %arg3: memref<256x128xf32, #tpu.memory_space<vmem>>, %arg4: memref<1x128xf32, #tpu.memory_space<vmem>>, %arg5: memref<1000x128xf32, #tpu.memory_space<vmem>>) attributes {dimension_semantics = [#tpu.dimension_semantics<arbitrary>], iteration_bounds = array<i64: 10>, scalar_prefetch = 0 : i64, scratch_operands = 0 : i64, tpu.core_type = #tpu.core_type<tc>, window_params = [{transform_indices = @transform_0, window_bounds = array<i64: 1000, 128>}, {transform_indices = @transform_1, window_bounds = array<i64: 1000, 128>}, {pipeline_mode = #tpu.pipeline_mode<synchronous>, transform_indices = @transform_2, window_bounds = array<i64: 256, 128>}, {pipeline_mode = #tpu.pipeline_mode<synchronous>, transform_indices = @transform_3, window_bounds = array<i64: 1, 128>}, {transform_indices = @transform_4, window_bounds = array<i64: 1000, 128>}]} {
    %get3A = arith.constant 0 : index
    %get3A_0 = arith.constant 0 : index
    %get3A_1 = vector.load %arg1[%get3A, %get3A_0] : memref<1000x128xf32, #tpu.memory_space<vmem>>, vector<1000x128xf32>
    %get3A_2 = arith.constant 0 : index
    %get3A_3 = arith.constant 0 : index
    %get3A_4 = vector.load %arg2[%get3A_2, %get3A_3] : memref<1000x128xf32, #tpu.memory_space<vmem>>, vector<1000x128xf32>
    %get3A_5 = arith.constant 0 : index
    %get3A_6 = arith.constant 0 : index
    %get3A_7 = vector.load %arg3[%get3A_5, %get3A_6] : memref<256x128xf32, #tpu.memory_space<vmem>>, vector<128x128xf32>
    %get3A_8 = arith.constant 128 : index
    %get3A_9 = arith.constant 0 : index
    %get3A_10 = vector.load %arg3[%get3A_8, %get3A_9] : memref<256x128xf32, #tpu.memory_space<vmem>>, vector<128x128xf32>
    %dot_general3A = arith.constant dense<0.000000e+00> : vector<1000x128xf32>
    %dot_general3A_11 = tpu.matmul %get3A_1, %get3A_7, %dot_general3A {dimension_numbers = #tpu.dot_dimension_numbers<[1], [0], [0], [1], [0, 0, 1, 1], [], []>, transpose_lhs_hint = false} : vector<1000x128xf32>, vector<128x128xf32>, vector<1000x128xf32> -> vector<1000x128xf32>
    %dot_general3A_12 = arith.constant dense<0.000000e+00> : vector<1000x128xf32>
    %dot_general3A_13 = tpu.matmul %get3A_4, %get3A_10, %dot_general3A_12 {dimension_numbers = #tpu.dot_dimension_numbers<[1], [0], [0], [1], [0, 0, 1, 1], [], []>, transpose_lhs_hint = false} : vector<1000x128xf32>, vector<128x128xf32>, vector<1000x128xf32> -> vector<1000x128xf32>
    %add3A = arith.addf %dot_general3A_11, %dot_general3A_13 : vector<1000x128xf32>
    %get3A_14 = arith.constant 0 : index
    %get3A_15 = arith.constant 0 : index
    %get3A_16 = vector.load %arg4[%get3A_14, %get3A_15] : memref<1x128xf32, #tpu.memory_space<vmem>>, vector<1x128xf32>
    %add3A_17 = vector.broadcast %get3A_16 : vector<1x128xf32> to vector<1000x128xf32>
    %add3A_18 = arith.addf %add3A, %add3A_17 : vector<1000x128xf32>
    %tanh3A = math.tanh %add3A_18 : vector<1000x128xf32>
    %swap3A = arith.constant 0 : index
    %swap3A_19 = arith.constant 0 : index
    %swap3A_20 = vector.load %arg5[%swap3A, %swap3A_19] : memref<1000x128xf32, #tpu.memory_space<vmem>>, vector<1000x128xf32>
    tpu.vector_store %arg5[%swap3A, %swap3A_19], %tanh3A {strides = array<i32>} : memref<1000x128xf32, #tpu.memory_space<vmem>>, vector<1000x128xf32>,
    return
  }
  func.func @transform_0(%arg0: i32) -> (i32, i32) {
    %c0_i32 = arith.constant 0 : i32
    %c0_i32_0 = arith.constant 0 : i32
    return %arg0, %c0_i32 : i32, i32
  }
  func.func @transform_1(%arg0: i32) -> (i32, i32) {
    %c0_i32 = arith.constant 0 : i32
    %c0_i32_0 = arith.constant 0 : i32
    return %arg0, %c0_i32 : i32, i32
  }
  func.func @transform_2(%arg0: i32) -> (i32, i32) {
    %c0_i32 = arith.constant 0 : i32
    %c0_i32_0 = arith.constant 0 : i32
    %c0_i32_1 = arith.constant 0 : i32
    return %c0_i32, %c0_i32_0 : i32, i32
  }
  func.func @transform_3(%arg0: i32) -> (i32, i32) {
    %c0_i32 = arith.constant 0 : i32
    %c0_i32_0 = arith.constant 0 : i32
    %c0_i32_1 = arith.constant 0 : i32
    return %c0_i32, %c0_i32_0 : i32, i32
  }
  func.func @transform_4(%arg0: i32) -> (i32, i32) {
    %c0_i32 = arith.constant 0 : i32
    %c0_i32_0 = arith.constant 0 : i32
    return %arg0, %c0_i32 : i32, i32
  }
}

</mosaic_0001>

<sc_bundles>
// kernel: kernel.5.cloned.1.call-start
scs
__scs_entry_jumppad:
0x0: {  	(pc) =	sbr.rel $0x88, $3  }
0x1: {  	(tag) =	ssettag $0x0;
	lr =	simm.s32 $0x1  }
0x2: {  	[smem:$0x3F99] =	sst lr;
	_ =	strace $0xD0000000  }
0x3: {  	_ = 	snop  }
0x4: {  	_ = 	snop  }
0x5: {  	_ = 	snop  }
0x6: {  	_ = 	snop  }
0x7: {  	_ = 	snop  }
__scs_overlays_trampoline_lowered:
0x8: {  	[smem:$0x3FA8] =	sst s0  }
0x9: {  	[smem:$0x3FA9] =	sst s1  }
0xa: {  	[smem:$0x3FAA] =	sst s2  }
0xb: {  	[smem:$0x3FAB] =	sst s3  }
0xc: {  	[smem:$0x3FAC] =	sst s4  }
0xd: {  	[smem:$0x3FAD] =	sst s5  }
0xe: {  	[smem:$0x3FAE] =	sst s6  }
0xf: {  	[smem:$0x3FAF] =	sst s7  }
0x10: {  	[smem:$0x3FB0] =	sst s8  }
0x11: {  	[smem:$0x3FB1] =	sst s9;
	s0 =	simm.s32 @!p0 $0x0  }
0x12: {  	s1 =	sld [smem:$0x3F97];
	s0 =	simm.s32 @p0 $0x1  }
0x13: {  	[smem:$0x3FB2] =	sst s0;
	s0 =	simm.s32 @!p1 $0x0  }
0x14: {  	s2 =	sld [smem:$0x3F96];
	s0 =	simm.s32 @p1 $0x1  }
0x15: {  	[smem:$0x3FB3] =	sst s0;
	s0 =	simm.s32 @!p2 $0x0  }
0x16: {  	s3 =	sld [smem:$0x3FDB];
	s0 =	simm.s32 @p2 $0x1  }
0x17: {  	s4 =	simm.s32 $0x1BF5;
	[smem:$0x3FB5] =	sst s0  }
0x18: {  	s0 =	sld [smem:$0x3F98];
	_ =	swait.ge [sflag:s4], $0x0  }
0x19: {  	s7 =	sld [smem:$0x3F99]  }
0x1a: {  	s8 =	sadd.s32 $0xFFFFE003, lr  }
0x1b: {  	s9 =	sadd.s32 $0xFFFFFEF7, lr;
	s5 =	simm.s32 $0xFFFFFFFF;
	p2 =	slt.u32 s8, $0xFFFFF086  }
0x1c: {  	p1 =	slt.u32 s9, $0xF7A;
	s5 =	simm.s32 @!p2 $0x0  }
0x1d: {  	s5 =	simm.s32 @p1 $0x1;
	p0 =	seq.s32 s7, s2  }
0x1e: {  	s7 =	smul.u32 @!p0 $0xF7A, s2;
	p2 =	seq.s32 @!p0 s5, $0x0  }
0x1f: {  	s9 =	smul.u32 $0xF7A, s1;
	s8 =	simm.s32 @!p0 $0x1BF5;
	p2 =	por !p2, p0  }
0x20: {  	[sflag:s8] =	ssyncset.s32 @!p0 $0xFFFFF086;
	s6 =	sadd.s32 @!p0 s3, s7;
	s7 =	simm.s32 @!p0 $0x108  }
0x21: {  	s3 =	sadd.s32 s3, s9;
	s6 =	sadd.s32 @!p0 $0x88, s6;
	s7 =	simm.s32 @p2 $0x1082  }
0x22: {  	[simem:s7], [sflag:s8] =	dma.local @!p0 [hbm:s6], $0xF7A  }
0x23: {  	s9 =	sor.u32 $0xD0000000, s2;
	s6 =	simm.s32 $0x108;
	_ =	swait.ge @!p0 [sflag:s8], $0x0  }
0x24: {  	s3 =	sadd.s32 $0x88, s3;
	s6 =	simm.s32 @!p1 $0x1082;
	[sflag:s4] =	ssyncset.s32 $0xFFFFF086  }
0x25: {  	[simem:s6], [sflag:s4] =	dma.local [hbm:s3], $0xF7A  }
0x26: {  	[smem:$0x3F99] =	sst s1;
	(tag) =	ssettag s2;
	_ =	strace s9  }
0x27: {  	s1 =	sld [smem:$0x3FA9]  }
0x28: {  	s2 =	sld [smem:$0x3FAA]  }
0x29: {  	s4 =	sld [smem:$0x3FAC]  }
0x2a: {  	p0 =	seq.s32 s5, $0x0;
	s5 =	sld [smem:$0x3FAD]  }
0x2b: {  	s6 =	sld [smem:$0x3FAE]  }
0x2c: {  	s7 =	sld [smem:$0x3FAF]  }
0x2d: {  	s3 =	simm.s32 $0x108;
	s8 =	sld [smem:$0x3FB0]  }
0x2e: {  	s3 =	simm.s32 @!p0 $0x1082;
	s9 =	sld [smem:$0x3FB1]  }
0x2f: {  	lr =	sadd.s32 s0, s3;
	s0 =	sld [smem:$0x3FA8]  }
0x30: {  	s3 =	sld [smem:$0x3FAB]  }
0x31: {  	[smem:$0x3FB4] =	sst s10  }
0x32: {  	s10 =	sld [smem:$0x3FB2];
	_ =	sdelay $0x3  }
0x33: {  	p0 =	seq.s32 s10, $0x1;
	s10 =	sld [smem:$0x3FB4];
	_ =	sdelay $0x3  }
0x34: {  	[smem:$0x3FB4] =	sst s10  }
0x35: {  	s10 =	sld [smem:$0x3FB3];
	_ =	sdelay $0x3  }
0x36: {  	p1 =	seq.s32 s10, $0x1;
	s10 =	sld [smem:$0x3FB4];
	_ =	sdelay $0x3  }
0x37: {  	[smem:$0x3FB4] =	sst s10  }
0x38: {  	s10 =	sld [smem:$0x3FB5]  }
0x39: {  	_ = 	snop;
	(pc) =	sbr.ind lr, $3  }
0x3a: {  	_ = 	snop  }
0x3b: {  	_ = 	snop  }
0x3c: {  	p2 =	seq.s32 s10, $0x1;
	s10 =	sld [smem:$0x3FB4]  }
0x3d: {  	_ =	shalt  }
0x3e: {  	_ =	shalt  }
0x3f: {  	_ =	shalt  }
0x40: {  	_ =	shalt  }
0x41: {  	_ =	shalt  }
0x42: {  	_ =	shalt  }
0x43: {  	_ =	shalt  }
0x44: {  	_ =	shalt  }
0x45: {  	_ =	shalt  }
0x46: {  	_ =	shalt  }
0x47: {  	_ =	shalt  }
0x48: {  	_ =	shalt  }
0x49: {  	_ =	shalt  }
0x4a: {  	_ =	shalt  }
0x4b: {  	_ =	shalt  }
0x4c: {  	_ =	shalt  }
0x4d: {  	_ =	shalt  }
0x4e: {  	_ =	shalt  }
0x4f: {  	_ =	shalt  }
0x50: {  	_ =	shalt  }
0x51: {  	_ =	shalt  }
0x52: {  	_ =	shalt  }
0x53: {  	_ =	shalt  }
0x54: {  	_ =	shalt  }
0x55: {  	_ =	shalt  }
0x56: {  	_ =	shalt  }
0x57: {  	_ =	shalt  }
0x58: {  	_ =	shalt  }
0x59: {  	_ =	shalt  }
0x5a: {  	_ =	shalt  }
0x5b: {  	_ =	shalt  }
0x5c: {  	_ =	shalt  }
0x5d: {  	_ =	shalt  }
0x5e: {  	_ =	shalt  }
0x5f: {  	_ =	shalt  }
0x60: {  	_ =	shalt  }
0x61: {  	_ =	shalt  }
0x62: {  	_ =	shalt  }
0x63: {  	_ =	shalt  }
0x64: {  	_ =	shalt  }
0x65: {  	_ =	shalt  }
0x66: {  	_ =	shalt  }
0x67: {  	_ =	shalt  }
0x68: {  	_ =	shalt  }
0x69: {  	_ =	shalt  }
0x6a: {  	_ =	shalt  }
0x6b: {  	_ =	shalt  }
0x6c: {  	_ =	shalt  }
0x6d: {  	_ =	shalt  }
0x6e: {  	_ =	shalt  }
0x6f: {  	_ =	shalt  }
0x70: {  	_ =	shalt  }
0x71: {  	_ =	shalt  }
0x72: {  	_ =	shalt  }
0x73: {  	_ =	shalt  }
0x74: {  	_ =	shalt  }
0x75: {  	_ =	shalt  }
0x76: {  	_ =	shalt  }
0x77: {  	_ =	shalt  }
0x78: {  	_ =	shalt  }
0x79: {  	_ =	shalt  }
0x7a: {  	_ =	shalt  }
0x7b: {  	_ =	shalt  }
0x7c: {  	_ =	shalt  }
0x7d: {  	_ =	shalt  }
0x7e: {  	_ =	shalt  }
0x7f: {  	_ =	shalt  }
0x80: {  	_ =	shalt  }
0x81: {  	_ =	shalt  }
0x82: {  	_ =	shalt  }
0x83: {  	_ =	shalt  }
0x84: {  	_ =	shalt  }
0x85: {  	_ =	shalt  }
0x86: {  	_ =	shalt  }
0x87: {  	_ =	shalt  }
.Lfunc_end0:
.L_simem_size_0:
called_computation_lowered:
.L_overlay_start_0:
0x88: {  	s2 =	sld [smem:$0x3FD9]  }
0x89: {  	s3 =	sld [smem:$0x3FFE];
	_ =	sdelay $0x1  }
0x8a: {  	s1 =	srdreg.scid  }
0x8b: {  	s0 =	sand.u32 $0x1, s1  }
0x8c: {  	s17 =	sshll.u32 s0, $0xA;
	s2 =	sadd.s32 s3, s2  }
0x8d: {  	s2 =	sadd.s32 s2, s17  }
0x8e: {  	[smem:$0x3FC0] =	sst s2  }
0x8f: {  	_ = 	snop  }
0x90: {  	s2 =	sld [smem:$0x3FD0];
	(tm) =	ssettm $0x1  }
0x91: {  	s18 =	sld [smem:$0x3FFB];
	_ =	sdelay $0x3  }
0x92: {  	_ =	strace s18  }
0x93: {  	s3 =	sld [smem:$0x3FFC];
	_ =	sdelay $0x3  }
0x94: {  	_ =	strace s3  }
0x95: {  	s3 =	sld [smem:$0x3FFD];
	_ =	sdelay $0x3  }
0x96: {  	_ =	strace s3  }
0x97: {  	_ =	strace $0x8FFFFFFF  }
0x98: {  	s19 =	sld [smem:$0x3FDB];
	_ =	sdelay $0x1  }
0x99: {  	s4 =	simm.s32 $_scs_section_size  }
0x9a: {  	s5 =	simm.s32 $_size__tile_overlayer_lowered;
	s6 =	simm.s32 $_tile_overlayer_lowered  }
0x9b: {  	s22 =	simm.s32 $0x1BFF;
	s21 =	sshll.u32 s6, $0x1;
	s3 =	sadd.s32 s4, s19  }
0x9c: {  	s7 =	simm.s32 $0x0;
	s20 =	sshll.u32 s5, $0x1;
	s5 =	sadd.s32 s21, s3  }
0x9d: {  	[timem:s7], [sflag:s22] =	dma.local [hbm:s5], s20  }
0x9e: {  	_ =	swait.ge [sflag:s22], s20  }
0x9f: {  	s4 =	ssub.s32 $0x0, s20;
	[sflag:s22] =	ssyncset.done $0x0  }
0xa0: {  	[sflag:s22] =	ssyncadd.s32 s4;
	_ =	sdelay $0x1  }
0xa1: {  	s23 =	simm.s32 $0x1B8B  }
0xa2: {  	_ =	swait.ge [sflag:s23], $0x1  }
0xa3: {  	[sflag:s23] =	ssyncset.done $0x0  }
0xa4: {  	s25 =	simm.s32 $0x1B8E;
	s24 =	sld [smem:$0x3FFE];
	[sflag:s23] =	ssyncadd.s32 $0xFFFFFFFF  }
0xa5: {  	s26 =	simm.s32 $execute0_lowered;
	[smem:$0x3FD2] =	sst s25  }
0xa6: {  	s5 =	sshll.u32 s26, $0x1;
	_ =	strace $0x80000046;
	[dreg:$0x1] =	wrdreg $0xFFFFFFFF  }
0xa7: {  	s28 =	simm.s32 $_size_execute0_lowered;
	s3 =	sadd.s32 s3, s5;
	[dreg:$0x0] =	wrdreg $0x0  }
0xa8: {  	s5 =	sshll.u32 s28, $0x1;
	[dreg:$0x2] =	wrdreg s3  }
0xa9: {  	[dreg:$0x3] =	wrdreg s5  }
0xaa: {  	[dreg:$0x4] =	wrdreg $0xC0  }
0xab: {  	_ =	task [dreg:s7], $0x5FFFF  }
0xac: {  	[dreg:$0x1] =	wrdreg $0xFFFFFFFF  }
0xad: {  	[dreg:$0x0] =	wrdreg $0x60  }
0xae: {  	[dreg:$0x2] =	wrdreg s2  }
0xaf: {  	[dreg:$0x3] =	wrdreg s24  }
0xb0: {  	[dreg:$0x4] =	wrdreg $0x9  }
0xb1: {  	_ =	task.clear_ibuf [dreg:s7], $0x5FFFF;
	_ =	strace $0x90000046  }
0xb2: {  	s29 =	simm.s32 $0x9;
	_ =	strace $0x80000048  }
0xb3: {  	_ =	swait.ge [sflag:s29], $0x1  }
0xb4: {  	[sflag:s29] =	ssyncadd.s32 $0xFFFFFFFF  }
0xb5: {  	_ =	strace $0x90000048  }
0xb6: {  	_ =	sfence  }
0xb7: {  	s30 =	sld [smem:$0x0];
	_ =	sdelay $0x2  }
0xb8: {  	s31 =	sshll.u32 s1, $0xD;
	s1 =	sshrl.u32 s1, $0x2  }
0xb9: {  	s3 =	sand.u32 $0x4000, s31;
	s1 =	sadd.s32 s1, s30  }
0xba: {  	s0 =	sor.u32 s3, s0;
	s1 =	sshll.u32 s1, $0x11  }
0xbb: {  	s0 =	sor.u32 s1, s0  }
0xbc: {  	s0 =	sadd.s32 $0x8F2B, s0  }
0xbd: {  	[sflag:s0] =	ssyncadd.remote.s32 $0x1  }
0xbe: {  	_ =	sfence.sel $0xFFFF  }
0xbf: {  	[dreg:$0x0] =	wrdreg $0xFFFFFFFF;
	(pc) =	sbr.abs _section_cstart, $3  }
0xc0: {  	[dreg:$0x1] =	wrdreg $0xFFFFFFFF  }
0xc1: {  	_ =	task.clear_ibuf [dreg:s7], $0x2FFFF;
	_ =	strace $0x9FFFFFFF  }
0xc2: {  	(tm) =	ssettm $0x7FFFFFFF  }
0xc3: {  	_ =	shalt  }
tec
execute0_lowered:
.L_overlay_start_1:
0x0: {  	(tag) =	ssettag $0x1  }
0x1: {  	s1 =	rddreg [dreg:$0x0]  }
0x2: {  	s0 =	rddreg [dreg:$0x1]  }
0x3: {  	s4 =	simm.s32 $0x0;
	s2 =	srdreg.scid;
	s3 =	stileid.u32  }
0x4: {  	s17 =	simm.s32 $0x1;
	s23 =	simm.s32 $0x2;
	s29 =	simm.s32 $0x4  }
0x5: {  	s30 =	simm.s32 $0x5;
	s22 =	simm.s32 $0x0;
	[smem:$0x7FF] =	sst s4  }
0x6: {  	s2 =	sand.u32 $0x1, s2;
	s5 =	sadd.s32 $0x4F8400, s0;
	s6 =	sadd.s32 $0x4E4600, s0  }
0x7: {  	s3 =	sshll.u32 s3, $0x1;
	s24 =	sadd.s32 $0x4F8200, s0;
	s28 =	sadd.s32 $0x28470, s0  }
0x8: {  	_ =	strace $0x80000047;
	s8 =	sor.u32 s2, s3;
	[dreg:$0x4] =	wrdreg s24  }
0x9: {  	s2 =	ssub.s32 $0x2, s2;
	[dreg:$0x6] =	wrdreg s28;
	s3 =	smul.u32 $0x1390, s8  }
0xa: {  	s7 =	sadd.s32 $0x4EE400, s0;
	s25 =	sshrl.u32 s2, $0x1;
	[dreg:$0x3] =	wrdreg s8  }
0xb: {  	s2 =	ssub.s32 s2, s25;
	s3 =	sadd.s32 s3, s0;
	s0 =	sadd.s32 $0x4F670, s0  }
.Ltmp0:
0xc: {  	s31 =	smax.u32 s2, $0x1;
	[dreg:$0x8] =	wrdreg s0;
	(pc) =	sbr.rel .LBB2_1-.Ltmp0, $4  }
0xd: {  	p2 =	seq.s32 s8, $0x1F;
	s26 =	sadd.s32 $0x2600, s3;
	[dreg:$0x9] =	wrdreg s31  }
0xe: {  	s3 =	sadd.s32 $0x29800, s3;
	s0 =	simm.s32 @!p2 $0x0;
	[dreg:$0x5] =	wrdreg s26  }
0xf: {  	s24 =	simm.s32 $0x6;
	[dreg:$0x7] =	wrdreg s3;
	s0 =	simm.s32 @p2 $0x1  }
0x10: {  	v0 =	vimm.f32 $0.0e+00;
	s9 =	smul.u32 $0x139, s8;
	s3 =	simm.s32 $0x0;
	[smem:$0x7FD] =	sst s0  }
.LBB2_4:
0x11: {  	v4 =	vimm.f32 $0.0e+00;
	v2 =	vimm.f32 $0.0e+00  }
0x12: {  	v3 =	vimm.f32 $0.0e+00;
	v1 =	vimm.f32 $0.0e+00;
	v6 =	vimm.f32 $0.0e+00  }
0x13: {  	s14 =	simm.s32 $0xFFFFFFFF;
	v5 =	vimm.f32 $0.0e+00;
	v7 =	vimm.f32 $0.0e+00;
	v8 =	vimm.f32 $0.0e+00  }
.LBB2_11:
0x14: {  	s0 =	ssub.s32 s14, s9  }
0x15: {  	p0 =	sgt.s32 s0, $0x0  }
0x16: {  	s0 =	simm.s32 @!p0 $0x0  }
0x17: {  	s0 =	smin.u32 s0, $0x139  }
0x18: {  	p0 =	sgt.s32 s14, $0xFFFFFFFF;
	s0 =	sshll.u32 s0, $0x7  }
0x19: {  	s0 =	simm.s32 @!p0 $0x9C80  }
0x1a: {  	[tilespmem:s0+$0x0] =	vst v4  }
0x1b: {  	[tilespmem:s0+$0x10] =	vst v2  }
0x1c: {  	[tilespmem:s0+$0x20] =	vst v3  }
0x1d: {  	s28 =	sld [smem:$0x7FD];
	[tilespmem:s0+$0x30] =	vst v1  }
0x1e: {  	[tilespmem:s0+$0x40] =	vst v6  }
0x1f: {  	[tilespmem:s0+$0x50] =	vst v5  }
0x20: {  	p2 =	seq.s32 s28, $0x1;
	[tilespmem:s0+$0x60] =	vst v7  }
0x21: {  	s2 =	rddreg [dreg:$0x8];
	[tilespmem:s0+$0x70] =	vst v8;
	s0 =	simm.s32 @p2 $0x0  }
0x22: {  	[hbm4b:s2+s0] =	stream.linear.scatter @p2 [tilespmem:s0], [sflag:$0x7], $0x9480, $0x38;
	[tilespmem:$0x1BD00] =	vst v63  }
0x23: {  	s0 =	simm.s32 @p2 $0x7  }
0x24: {  	_ =	swait.ge @p2 [sflag:s0], $0x9480  }
0x25: {  	[sflag:s0] =	ssyncset.done @p2 $0x0  }
0x26: {  	s2 =	rddreg [dreg:$0x7];
	[sflag:s0] =	ssyncadd.s32 @p2 $0xFFFF6B80;
	s0 =	simm.s32 @!p2 $0x0  }
0x27: {  	[hbm4b:s2+s0] =	stream.linear.scatter @!p2 [tilespmem:s0], [sflag:$0x7], $0x9C80, $0x38;
	[tilespmem:$0x1BD00] =	vst v63  }
0x28: {  	s0 =	simm.s32 @!p2 $0x7  }
0x29: {  	_ =	swait.ge @!p2 [sflag:s0], $0x9C80  }
0x2a: {  	s3 =	rddreg [dreg:$0xa]  }
0x2b: {  	s31 =	rddreg [dreg:$0x9];
	s3 =	sadd.s32 $0x1, s3  }
0x2c: {  	p0 =	sne.s32 s3, s31  }
.Ltmp1:
0x2d: {  	_ = 	snop;
	(pc) =	sbr.rel @!p0 .LBB2_12-.Ltmp1, $3  }
0x2e: {  	_ =	sdelay $0x1  }
0x2f: {  	[sflag:s0] =	ssyncset.done @!p2 $0x0  }
0x30: {  	[sflag:s0] =	ssyncadd.s32 @!p2 $0xFFFF6380  }
.LBB2_1:
0x31: {  	[dreg:$0xa] =	wrdreg s3;
	s0 =	simm.s32 $0x0  }
0x32: {  	s2 =	rddreg [dreg:$0x4];
	s18 =	simm.s32 $0x1BC80;
	s19 =	simm.s32 $0x7  }
0x33: {  	[tilespmem:s18], [sflag:$0x7] =	stream.linear.gather [hbm4b:s2+s0], $0x80, $0x38;
	[tilespmem:$0x1BD00] =	vst v63  }
0x34: {  	_ =	swait.ge [sflag:s19], $0x80  }
0x35: {  	[sflag:s19] =	ssyncset.done $0x0  }
0x36: {  	s20 =	rddreg [dreg:$0x3];
	[sflag:s19] =	ssyncadd.s32 $0xFFFFFF80  }
0x37: {  	v1 =	vld [tilespmem:s20+$0x1BC80];
	_ =	sdelay $0x4  }
0x38: {  	(v2sf) =	vpush v1, $0x0;
	_ =	sdelay $0x1  }
0x39: {  	v1 =	vld [tilespmem:s20+$0x1BC81];
	_ =	sdelay $0x4  }
0x3a: {  	(v2sf) =	vpush v1, $0x0;
	_ =	sdelay $0x7  }
0x3b: {  	s0 =	spop (v2sf)  }
0x3c: {  	s21 =	sand.u32 $0x7, s0  }
0x3d: {  	s25 =	sshra.s32 s0, $0x1F;
	p0 =	slt.s32 s0, $0x1;
	p1 =	sne.s32 s21, $0x0  }
0x3e: {  	s26 =	sshrl.u32 s25, $0x1D;
	p0 =	por !p0, !p1  }
0x3f: {  	s3 =	simm.s32 $0x1;
	s2 =	sadd.s32 s26, s0;
	p0 =	por !p0, !p0  }
0x40: {  	s2 =	sshra.s32 s2, $0x3;
	s3 =	simm.s32 @!p0 $0x0  }
0x41: {  	s3 =	ssub.s32 s2, s3  }
0x42: {  	s2 =	spop (v2sf);
	s31 =	sshll.u32 s3, $0x3  }
0x43: {  	s4 =	ssub.s32 s2, s31  }
0x44: {  	s4 =	sadd.s32 $0x7F, s4  }
0x45: {  	s8 =	sand.u32 $0x7F, s4  }
0x46: {  	s10 =	sshra.s32 s4, $0x1F;
	p5 =	slt.s32 s4, $0x1;
	p6 =	sne.s32 s8, $0x0  }
0x47: {  	s28 =	sshrl.u32 s10, $0x19;
	p0 =	por !p5, !p6  }
0x48: {  	s8 =	simm.s32 $0x1;
	s4 =	sadd.s32 s28, s4;
	p0 =	por !p0, !p0  }
0x49: {  	s4 =	sshra.s32 s4, $0x7;
	s8 =	simm.s32 @!p0 $0x0  }
0x4a: {  	s21 =	ssub.s32 s4, s8  }
0x4b: {  	p1 =	slt.s32 s21, $0x1  }
0x4c: {  	s4 =	sand.u32 @!p1 $0x1FFFFFFF, s3  }
0x4d: {  	s10 =	simm.s32 @!p1 $0x0;
	s11 =	simm.s32 @!p1 $0x17980;
	s8 =	sadd.s32 @!p1 s6, s4  }
0x4e: {  	[tilespmem:s11], [sflag:$0x3] =	stream.linear.gather @!p1 [hbm4b:s8+s10], $0x40, $0x38;
	[tilespmem:$0x1BD00] =	vst v63  }
0x4f: {  	s4 =	sadd.s32 @!p1 s7, s4;
	s8 =	simm.s32 @!p1 $0x17A00  }
0x50: {  	[tilespmem:s8], [sflag:$0x3] =	stream.linear.gather @!p1 [hbm4b:s4+s10], $0x40, $0x38;
	[tilespmem:$0x1BD00] =	vst v63  }
0x51: {  	s4 =	sadd.s32 @!p1 $0x40, s31  }
0x52: {  	s4 =	sshrl.u32 @!p1 s4, $0x3  }
0x53: {  	s11 =	simm.s32 @!p1 $0x1BB00;
	s8 =	sadd.s32 @!p1 s6, s4  }
0x54: {  	[tilespmem:s11], [sflag:$0x6] =	stream.linear.gather @!p1 [hbm4b:s8+s10], $0x40, $0x38;
	[tilespmem:$0x1BD00] =	vst v63  }
0x55: {  	s4 =	sadd.s32 @!p1 s7, s4;
	s8 =	simm.s32 @!p1 $0x1BB80  }
0x56: {  	[tilespmem:s8], [sflag:$0x6] =	stream.linear.gather @!p1 [hbm4b:s4+s10], $0x40, $0x38;
	[tilespmem:$0x1BD00] =	vst v63  }
0x57: {  	s4 =	simm.s32 @p2 $0x0;
	s8 =	simm.s32 @p2 $0x9D00;
	s10 =	rddreg [dreg:$0x6]  }
0x58: {  	[tilespmem:s8], [sflag:$0x1] =	stream.linear.gather @p2 [hbm4b:s10+s4], $0x9480, $0x38;
	[tilespmem:$0x1BD00] =	vst v63  }
0x59: {  	s4 =	simm.s32 @!p2 $0x0;
	s8 =	simm.s32 @!p2 $0x9D00;
	s10 =	rddreg [dreg:$0x5]  }
0x5a: {  	[tilespmem:s8], [sflag:$0x1] =	stream.linear.gather @!p2 [hbm4b:s10+s4], $0x9C80, $0x38;
	[tilespmem:$0x1BD00] =	vst v63  }
0x5b: {  	s4 =	simm.s32 $0x40;
	s8 =	simm.s32 $0x0  }
.LBB2_2:
0x5c: {  	p0 =	sne.s32 s4, $0x273C0;
	[tilespmem:s8+$0x0] =	vst v0;
	s8 =	smov.u32 s4;
	s4 =	sadd.s32 $0x40, s4  }
.Ltmp2:
0x5d: {  	(pc) =	sbr.rel @p0 .LBB2_2-.Ltmp2, $2  }
0x5e: {  	_ =	sdelay $0x2  }
0x5f: {  	s8 =	sshra.s32 s8, $0x2  }
0x60: {  	[tilespmem:s8+$0x0] =	vst v0;
	s4 =	simm.s32 @p2 $0x1  }
0x61: {  	_ =	swait.ge @p2 [sflag:s4], $0x9480  }
.Ltmp3:
0x62: {  	[sflag:s4] =	ssyncset.done @p2 $0x0;
	(pc) =	sbr.rel @p1 .LBB2_4-.Ltmp3, $4  }
0x63: {  	[sflag:s4] =	ssyncadd.s32 @p2 $0xFFFF6B80;
	s4 =	simm.s32 @!p2 $0x1  }
0x64: {  	_ =	swait.ge @!p2 [sflag:s4], $0x9C80  }
0x65: {  	[sflag:s4] =	ssyncset.done @!p2 $0x0  }
0x66: {  	[sflag:s4] =	ssyncadd.s32 @!p2 $0xFFFF6380  }
0x67: {  	s4 =	simm.s32 $0x3  }
0x68: {  	_ =	swait.ge [sflag:s4], $0x40  }
0x69: {  	[sflag:s4] =	ssyncset.done $0x0  }
0x6a: {  	s26 =	simm.s32 $0x40;
	s8 =	simm.s32 $0x17980;
	[sflag:s4] =	ssyncadd.s32 $0xFFFFFFC0  }
0x6b: {  	s10 =	simm.s32 $0x13980;
	s3 =	sshll.u32 s3, $0x7;
	_ =	swait.ge [sflag:s4], $0x40  }
0x6c: {  	s28 =	simm.s32 $0x15980;
	s15 =	sadd.s32 $0xFFFFFFFF, s21;
	[sflag:s4] =	ssyncset.done $0x0  }
0x6d: {  	s14 =	simm.s32 $0xFFFFFFFF;
	s3 =	sand.u32 $0x1FFFFF80, s3;
	[sflag:s4] =	ssyncadd.s32 $0xFFFFFFC0  }
0x6e: {  	[tilespmem:s10], [sflag:$0x1] =	stream.indirect.gather [hbm4b:s1+s26], $0x80, s8, s26, $0xb8;
	[tilespmem:$0x1BD00] =	vst v63  }
0x6f: {  	v8 =	vimm.f32 $0.0e+00;
	v7 =	vimm.f32 $0.0e+00;
	s11 =	smov.u32 s31;
	s12 =	simm.s32 $0x0;
	s3 =	sadd.s32 s5, s3  }
0x70: {  	v5 =	vimm.f32 $0.0e+00;
	v6 =	vimm.f32 $0.0e+00;
	v1 =	vimm.f32 $0.0e+00;
	[tilespmem:s28], [sflag:$0x2] =	stream.linear.gather [hbm4b:s3+s22], $0x2000, $0x38;
	[tilespmem:$0x1BD00] =	vst v63  }
0x71: {  	v3 =	vimm.f32 $0.0e+00;
	v2 =	vimm.f32 $0.0e+00;
	v4 =	vimm.f32 $0.0e+00;
	s8 =	sadd.s32 $0xC0, s31;
	s10 =	sadd.s32 $0x40, s31;
	s3 =	sadd.s32 $0x80, s31  }
.LBB2_6:
0x72: {  	_ =	swait.ge [sflag:s17], $0x2000  }
0x73: {  	[sflag:s17] =	ssyncset.done $0x0  }
0x74: {  	[sflag:s17] =	ssyncadd.s32 $0xFFFFE000  }
0x75: {  	_ =	swait.ge [sflag:s23], $0x2000  }
0x76: {  	[sflag:s23] =	ssyncset.done $0x0  }
0x77: {  	[sflag:s23] =	ssyncadd.s32 $0xFFFFE000  }
0x78: {  	v9 =	vld [tilespmem:$0x17A00]  }
0x79: {  	v10 =	vld [tilespmem:$0x17A10]  }
0x7a: {  	v11 =	vld [tilespmem:$0x17A20]  }
0x7b: {  	v12 =	vld [tilespmem:$0x17A30]  }
0x7c: {  	v13 =	vld [tilespmem:$0x17A40]  }
0x7d: {  	[tilespmem:$0x17A80] =	vst v9  }
0x7e: {  	p0 =	sge.s32 s12, s15;
	s18 =	sshll.u32 s12, $0x7;
	[tilespmem:$0x17A90] =	vst v10  }
0x7f: {  	s16 =	sadd.s32 @!p0 s18, s3;
	[tilespmem:$0x17AA0] =	vst v11  }
0x80: {  	s4 =	sshrl.u32 @!p0 s16, $0x3;
	[tilespmem:$0x17AB0] =	vst v12  }
0x81: {  	s19 =	simm.s32 @!p0 $0x0;
	s20 =	simm.s32 @!p0 $0x17980;
	s13 =	sadd.s32 @!p0 s6, s4;
	[tilespmem:$0x17AC0] =	vst v13  }
0x82: {  	[tilespmem:s20], [sflag:$0x3] =	stream.linear.gather @!p0 [hbm4b:s13+s19], $0x40, $0x38;
	[tilespmem:$0x1BD00] =	vst v63  }
0x83: {  	s20 =	simm.s32 @!p0 $0x0  }
0x84: {  	s20 =	simm.s32 @p0 $0x1  }
0x85: {  	s4 =	sadd.s32 @!p0 s7, s4;
	s13 =	simm.s32 @!p0 $0x17A00;
	[smem:$0x7FC] =	sst s20  }
0x86: {  	[tilespmem:s13], [sflag:$0x3] =	stream.linear.gather @!p0 [hbm4b:s4+s19], $0x40, $0x38;
	[tilespmem:$0x1BD00] =	vst v63  }
0x87: {  	_ =	swait.ge [sflag:s24], $0x40  }
0x88: {  	[sflag:s24] =	ssyncset.done $0x0  }
0x89: {  	s13 =	sadd.s32 s18, s31;
	[sflag:s24] =	ssyncadd.s32 $0xFFFFFFC0  }
0x8a: {  	s25 =	simm.s32 $0x17B00;
	s4 =	sshll.u32 s13, $0x4;
	_ =	swait.ge [sflag:s24], $0x40  }
0x8b: {  	s19 =	simm.s32 $0x40;
	s4 =	sadd.s32 $0x400, s4;
	[sflag:s24] =	ssyncset.done $0x0  }
0x8c: {  	s20 =	simm.s32 $0x1BB00;
	s4 =	sand.u32 $0x1FFFFF80, s4;
	[sflag:s24] =	ssyncadd.s32 $0xFFFFFFC0  }
0x8d: {  	[tilespmem:s25], [sflag:$0x4] =	stream.indirect.gather [hbm4b:s1+s19], $0x80, s20, s19, $0xb8;
	[tilespmem:$0x1BD00] =	vst v63  }
0x8e: {  	s26 =	simm.s32 $0x19B00;
	s4 =	sadd.s32 s5, s4  }
0x8f: {  	[tilespmem:s26], [sflag:$0x5] =	stream.linear.gather [hbm4b:s4+s22], $0x2000, $0x38;
	[tilespmem:$0x1BD00] =	vst v63  }
0x90: {  	s4 =	simm.s32 $0x17A80  }
0x91: {  	v9 =	vld [tilespmem:s4+$0x0];
	_ =	sdelay $0x4  }
0x92: {  	(v2sf) =	vpush v9, $0x0;
	_ =	sdelay $0xc  }
0x93: {  	p6 =	sge.s32 s11, s0;
	p1 =	slt.s32 s11, s2  }
0x94: {  	p0 =	por !p6, !p1  }
0x95: {  	p0 =	por !p0, !p0;
	s20 =	spop (v2sf)  }
0x96: {  	p2 =	seq.s32 @p0 s20, s14  }
0x97: {  	p3 =	por p2, !p0  }
0x98: {  	s13 =	ssub.s32 @!p3 s14, s9  }
0x99: {  	p1 =	sgt.s32 @!p3 s13, $0x0  }
0x9a: {  	p4 =	por @p0 !p1, p2;
	p1 =	por p0, p0  }
0x9b: {  	p4 =	por !p4, !p1  }
0x9c: {  	s13 =	simm.s32 @!p4 $0x0;
	p4 =	sgt.s32 @!p3 s14, $0xFFFFFFFF  }
0x9d: {  	p2 =	por @p0 !p4, p2;
	s13 =	smin.u32 @!p3 s13, $0x139  }
0x9e: {  	s19 =	sshll.u32 @!p3 s13, $0x7;
	p2 =	por !p2, !p1  }
0x9f: {  	s19 =	simm.s32 @!p2 $0x9C80  }
0xa0: {  	[tilespmem:s19+$0x70] =	vst @!p3 v8  }
0xa1: {  	[tilespmem:s19+$0x60] =	vst @!p3 v7  }
0xa2: {  	[tilespmem:s19+$0x50] =	vst @!p3 v5  }
0xa3: {  	s13 =	smov.u32 s14;
	[tilespmem:s19+$0x40] =	vst @!p3 v6  }
0xa4: {  	s13 =	smov.u32 @p0 s20;
	[tilespmem:s19+$0x30] =	vst @!p3 v1  }
0xa5: {  	s25 =	ssub.s32 s13, s9;
	[tilespmem:s19+$0x20] =	vst @!p3 v3  }
0xa6: {  	[tilespmem:s19+$0x0] =	vst @!p3 v4;
	p0 =	sgt.s32 s25, $0x0  }
0xa7: {  	[tilespmem:s19+$0x10] =	vst @!p3 v2;
	s19 =	simm.s32 $0x0;
	s25 =	simm.s32 @!p0 $0x0  }
0xa8: {  	v12 =	vld [tilespmem:s19+$0x139F0];
	s25 =	smin.u32 s25, $0x138  }
0xa9: {  	v10 =	vld [tilespmem:s19+$0x139A0];
	s28 =	sshll.u32 s25, $0x7  }
0xaa: {  	v9 =	vld [tilespmem:s28+$0x9D20]  }
0xab: {  	v11 =	vld [tilespmem:s28+$0x9D30]  }
0xac: {  	p4 =	seq.s32 s20, s14;
	s14 =	simm.s32 $0x200;
	s20 =	smov.u32 s11;
	v13 =	vld [tilespmem:s28+$0x9D60]  }
.LBB2_7:
0xad: {  	s25 =	smov.u32 s14;
	s14 =	sadd.s32 $0x200, s14  }
0xae: {  	p0 =	sne.s32 s14, $0x8000  }
0xaf: {  	v14 =	vld [tilespmem:s19+$0x159F0];
	[smem:$0x7F9] =	sst s0;
	s0 =	simm.s32 @!p0 $0x0  }
0xb0: {  	s0 =	simm.s32 @p0 $0x1  }
0xb1: {  	[smem:$0x7FB] =	sst s0  }
0xb2: {  	s0 =	sld [smem:$0x7F9];
	v15 =	vld [tilespmem:s19+$0x15990]  }
0xb3: {  	v16 =	vld [tilespmem:s19+$0x139B0]  }
0xb4: {  	v17 =	vld [tilespmem:s19+$0x159E0]  }
0xb5: {  	v18 =	vld [tilespmem:s19+$0x139D0]  }
0xb6: {  	s4 =	sadd.s32 $0x1, s4;
	v19 =	vld [tilespmem:s19+$0x15980]  }
0xb7: {  	v20 =	vld [tilespmem:s4+$0x0]  }
0xb8: {  	v21 =	vld [tilespmem:s19+$0x139C0]  }
0xb9: {  	v22 =	vld [tilespmem:s19+$0x139E0]  }
0xba: {  	v23 =	vld [tilespmem:s19+$0x159B0]  }
0xbb: {  	v24 =	vld [tilespmem:s19+$0x159A0]  }
0xbc: {  	v54 =	vld [tilespmem:s19+$0x13990]  }
0xbd: {  	v25 =	vld [tilespmem:s19+$0x159D0];
	(v2sf) =	vpush v20, $0x0  }
0xbe: {  	v26 =	vld [tilespmem:s19+$0x159C0]  }
0xbf: {  	v55 =	vld [tilespmem:s19+$0x13980]  }
0xc0: {  	v27 =	vld [tilespmem:s28+$0x9D50]  }
0xc1: {  	v56 =	vpsel !p4, $0x0, v4;
	v29 =	vld [tilespmem:s28+$0x9D70]  }
0xc2: {  	v58 =	vpsel !p4, $0x0, v2;
	v57 =	vld [tilespmem:s28+$0x9D10];
	v12 =	vadd.f32 v12, v14;
	v17 =	vadd.f32 v22, v17  }
0xc3: {  	v59 =	vpsel !p4, $0x0, v8;
	v14 =	vld [tilespmem:s28+$0x9D40];
	v16 =	vadd.f32 v16, v23;
	v15 =	vadd.f32 v54, v15  }
0xc4: {  	v28 =	vpsel !p4, $0x0, v6;
	v30 =	vld [tilespmem:s28+$0x9D00];
	v18 =	vadd.f32 v18, v25;
	v10 =	vadd.f32 v10, v24  }
0xc5: {  	v60 =	vpsel !p4, $0x0, v5;
	v21 =	vadd.f32 v21, v26;
	v19 =	vadd.f32 v55, v19  }
0xc6: {  	v61 =	vpsel !p4, $0x0, v1;
	v12 =	vadd.f32 v29, v12;
	v13 =	vadd.f32 v13, v17  }
0xc7: {  	v62 =	vpsel !p4, $0x0, v7;
	v11 =	vadd.f32 v11, v16;
	v18 =	vadd.f32 v27, v18  }
0xc8: {  	v9 =	vadd.f32 v9, v10;
	v10 =	vpsel !p4, $0x0, v3;
	v15 =	vadd.f32 v57, v15  }
0xc9: {  	s20 =	sadd.s32 $0x1, s20;
	v14 =	vadd.f32 v14, v21;
	v63 =	vadd.f32 v30, v19;
	v12 =	vmax.f32 v12, $0.0e+00  }
0xca: {  	p2 =	slt.s32 s20, s2;
	p6 =	sge.s32 s20, s0;
	v13 =	vmax.f32 v13, $0.0e+00;
	v11 =	vmax.f32 v11, $0.0e+00;
	v9 =	vmax.f32 v9, $0.0e+00  }
0xcb: {  	p0 =	por !p6, !p2;
	v15 =	vmax.f32 v15, $0.0e+00;
	v14 =	vmax.f32 v14, $0.0e+00;
	v11 =	vadd.f32 v11, v61  }
0xcc: {  	s26 =	smov.u32 s13;
	p6 =	por !p0, !p0;
	v13 =	vadd.f32 v13, v62;
	v9 =	vadd.f32 v9, v10;
	v10 =	vmax.f32 v18, $0.0e+00;
	s19 =	spop (v2sf)  }
0xcd: {  	v10 =	vadd.f32 v10, v60;
	v1 =	vpsel p1, v11, v1;
	v11 =	vadd.f32 v14, v28;
	p0 =	seq.s32 @p6 s19, s26;
	p2 =	seq.s32 s19, s26  }
0xce: {  	v14 =	vmax.f32 v63, $0.0e+00;
	v3 =	vpsel p1, v9, v3;
	v9 =	vadd.f32 v15, v58;
	s28 =	simm.s32 @!p2 $0x0;
	p5 =	por p0, !p6  }
0xcf: {  	v5 =	vpsel p1, v10, v5;
	v10 =	vadd.f32 v12, v59;
	v12 =	vadd.f32 v14, v56;
	s28 =	simm.s32 @p2 $0x1;
	p2 =	sgt.s32 @!p5 s26, $0xFFFFFFFF;
	s26 =	ssub.s32 @!p5 s26, s9  }
0xd0: {  	v7 =	vpsel p1, v13, v7;
	v6 =	vpsel p1, v11, v6;
	p3 =	sgt.s32 @!p5 s26, $0x0  }
0xd1: {  	v2 =	vpsel p1, v9, v2;
	v8 =	vpsel p1, v10, v8;
	v4 =	vpsel p1, v12, v4;
	p1 =	por p6, p6;
	p2 =	por @p6 !p2, p0;
	p0 =	por @p6 !p3, p0  }
0xd2: {  	p0 =	por !p0, !p1  }
0xd3: {  	s26 =	simm.s32 @!p0 $0x0  }
0xd4: {  	s26 =	smin.u32 @!p5 s26, $0x139  }
0xd5: {  	p0 =	por !p2, !p1;
	s26 =	sshll.u32 @!p5 s26, $0x7  }
0xd6: {  	s26 =	simm.s32 @!p0 $0x9C80  }
0xd7: {  	[tilespmem:s26+$0x70] =	vst @!p5 v8  }
0xd8: {  	[tilespmem:s26+$0x60] =	vst @!p5 v7  }
0xd9: {  	[tilespmem:s26+$0x50] =	vst @!p5 v5  }
0xda: {  	[tilespmem:s26+$0x40] =	vst @!p5 v6  }
0xdb: {  	[tilespmem:s26+$0x30] =	vst @!p5 v1  }
0xdc: {  	s13 =	smov.u32 @p6 s19;
	[smem:$0x7FA] =	sst s28;
	[tilespmem:s26+$0x20] =	vst @!p5 v3  }
0xdd: {  	s19 =	ssub.s32 s13, s9;
	s28 =	sld [smem:$0x7FA];
	[tilespmem:s26+$0x0] =	vst @!p5 v4  }
0xde: {  	p4 =	sgt.s32 s19, $0x0;
	[tilespmem:s26+$0x10] =	vst @!p5 v2;
	s26 =	sld [smem:$0x7FB]  }
0xdf: {  	s19 =	simm.s32 @!p4 $0x0  }
0xe0: {  	s19 =	smin.u32 s19, $0x138  }
0xe1: {  	p4 =	seq.s32 s28, $0x1;
	s28 =	sshll.u32 s19, $0x7;
	p0 =	seq.s32 s26, $0x1  }
.Ltmp4:
0xe2: {  	v9 =	vld [tilespmem:s28+$0x9D20];
	(pc) =	sbr.rel @p0 .LBB2_7-.Ltmp4, $4  }
0xe3: {  	v11 =	vld [tilespmem:s28+$0x9D30]  }
0xe4: {  	s19 =	sshra.s32 s25, $0x2;
	v13 =	vld [tilespmem:s28+$0x9D60]  }
0xe5: {  	v12 =	vld [tilespmem:s19+$0x139F0]  }
0xe6: {  	v10 =	vld [tilespmem:s19+$0x139A0]  }
0xe7: {  	v14 =	vld [tilespmem:s19+$0x159F0]  }
0xe8: {  	v15 =	vld [tilespmem:s19+$0x15990]  }
0xe9: {  	v16 =	vld [tilespmem:s19+$0x139B0]  }
0xea: {  	v17 =	vld [tilespmem:s19+$0x159E0]  }
0xeb: {  	v18 =	vld [tilespmem:s19+$0x139D0]  }
0xec: {  	v19 =	vld [tilespmem:s19+$0x15980]  }
0xed: {  	v20 =	vld [tilespmem:s19+$0x139C0]  }
0xee: {  	v21 =	vld [tilespmem:s19+$0x139E0]  }
0xef: {  	v22 =	vld [tilespmem:s19+$0x159B0]  }
0xf0: {  	v23 =	vld [tilespmem:s19+$0x159A0]  }
0xf1: {  	v24 =	vld [tilespmem:s19+$0x13990]  }
0xf2: {  	v25 =	vld [tilespmem:s19+$0x159D0]  }
0xf3: {  	v26 =	vld [tilespmem:s19+$0x159C0]  }
0xf4: {  	v27 =	vld [tilespmem:s19+$0x13980]  }
0xf5: {  	v28 =	vld [tilespmem:s28+$0x9D50]  }
0xf6: {  	v29 =	vld [tilespmem:s28+$0x9D10]  }
0xf7: {  	v30 =	vld [tilespmem:s28+$0x9D40]  }
0xf8: {  	v31 =	vld [tilespmem:s28+$0x9D70]  }
0xf9: {  	v32 =	vld [tilespmem:s28+$0x9D00];
	_ =	swait.ge [sflag:s29], $0x2000  }
0xfa: {  	[sflag:s29] =	ssyncset.done $0x0  }
0xfb: {  	[sflag:s29] =	ssyncadd.s32 $0xFFFFE000  }
0xfc: {  	_ =	swait.ge [sflag:s30], $0x2000  }
0xfd: {  	[sflag:s30] =	ssyncset.done $0x0  }
0xfe: {  	[sflag:s30] =	ssyncadd.s32 $0xFFFFE000  }
0xff: {  	v33 =	vld [tilespmem:$0x1BB80]  }
0x100: {  	v34 =	vld [tilespmem:$0x1BB90]  }
0x101: {  	v35 =	vld [tilespmem:$0x1BBA0]  }
0x102: {  	s4 =	sld [smem:$0x7FC];
	v36 =	vld [tilespmem:$0x1BBB0]  }
0x103: {  	v37 =	vld [tilespmem:$0x1BBC0]  }
0x104: {  	[tilespmem:$0x1BC00] =	vst v33  }
0x105: {  	p0 =	seq.s32 s4, $0x1;
	[tilespmem:$0x1BC10] =	vst v34  }
0x106: {  	s4 =	sadd.s32 @!p0 s18, s8;
	[tilespmem:$0x1BC20] =	vst v35  }
0x107: {  	s4 =	sshrl.u32 @!p0 s4, $0x3;
	[tilespmem:$0x1BC30] =	vst v36  }
0x108: {  	s18 =	simm.s32 @!p0 $0x0;
	s19 =	simm.s32 @!p0 $0x1BB00;
	s14 =	sadd.s32 @!p0 s6, s4;
	[tilespmem:$0x1BC40] =	vst v37  }
0x109: {  	[tilespmem:s19], [sflag:$0x6] =	stream.linear.gather @!p0 [hbm4b:s14+s18], $0x40, $0x38;
	[tilespmem:$0x1BD00] =	vst v63  }
0x10a: {  	s4 =	sadd.s32 @!p0 s7, s4;
	s14 =	simm.s32 @!p0 $0x1BB80  }
0x10b: {  	[tilespmem:s14], [sflag:$0x6] =	stream.linear.gather @!p0 [hbm4b:s4+s18], $0x40, $0x38;
	[tilespmem:$0x1BD00] =	vst v63  }
0x10c: {  	s4 =	simm.s32 @!p0 $0x3  }
0x10d: {  	_ =	swait.ge @!p0 [sflag:s4], $0x40  }
0x10e: {  	[sflag:s4] =	ssyncset.done @!p0 $0x0  }
0x10f: {  	[sflag:s4] =	ssyncadd.s32 @!p0 $0xFFFFFFC0  }
0x110: {  	_ =	swait.ge @!p0 [sflag:s4], $0x40  }
0x111: {  	s19 =	simm.s32 @!p0 $0x13980;
	[sflag:s4] =	ssyncset.done @!p0 $0x0  }
0x112: {  	s14 =	simm.s32 @!p0 $0x17980;
	[sflag:s4] =	ssyncadd.s32 @!p0 $0xFFFFFFC0;
	s4 =	simm.s32 @!p0 $0x40  }
0x113: {  	[tilespmem:s19], [sflag:$0x1] =	stream.indirect.gather @!p0 [hbm4b:s1+s4], $0x80, s14, s4, $0xb8;
	[tilespmem:$0x1BD00] =	vst v63  }
0x114: {  	s4 =	sshll.u32 @!p0 s16, $0x4  }
0x115: {  	s4 =	sand.u32 @!p0 $0x1FFFFF80, s4  }
0x116: {  	s14 =	simm.s32 @!p0 $0x15980;
	s16 =	simm.s32 $0x1BC00;
	s4 =	sadd.s32 @!p0 s5, s4  }
0x117: {  	[tilespmem:s14], [sflag:$0x2] =	stream.linear.gather @!p0 [hbm4b:s4+s18], $0x2000, $0x38;
	[tilespmem:$0x1BD00] =	vst v63  }
0x118: {  	v56 =	vld [tilespmem:s16+$0x0];
	_ =	sdelay $0x4  }
0x119: {  	(v2sf) =	vpush v56, $0x0;
	_ =	sdelay $0xc  }
0x11a: {  	p5 =	sge.s32 s10, s0;
	p6 =	slt.s32 s10, s2  }
0x11b: {  	p0 =	por !p5, !p6  }
0x11c: {  	v57 =	vpsel !p4, $0x0, v4;
	v17 =	vadd.f32 v21, v17;
	p5 =	por !p0, !p0;
	s4 =	spop (v2sf)  }
0x11d: {  	v58 =	vpsel !p4, $0x0, v2;
	v16 =	vadd.f32 v16, v22;
	v15 =	vadd.f32 v24, v15;
	p6 =	seq.s32 @p5 s4, s13  }
0x11e: {  	v59 =	vpsel !p4, $0x0, v6;
	v12 =	vadd.f32 v12, v14;
	v18 =	vadd.f32 v18, v25;
	p0 =	por p6, !p5  }
0x11f: {  	v60 =	vpsel !p4, $0x0, v5;
	v10 =	vadd.f32 v10, v23;
	v20 =	vadd.f32 v20, v26;
	s14 =	ssub.s32 @!p0 s13, s9  }
0x120: {  	p2 =	por p1, p1;
	v61 =	vpsel !p4, $0x0, v1;
	v19 =	vadd.f32 v27, v19;
	v13 =	vadd.f32 v13, v17;
	p1 =	sgt.s32 @!p0 s14, $0x0  }
0x121: {  	v62 =	vpsel !p4, $0x0, v7;
	v11 =	vadd.f32 v11, v16;
	v12 =	vadd.f32 v31, v12;
	p3 =	por p5, p5;
	p1 =	por @p5 !p1, p6  }
0x122: {  	v14 =	vpsel !p4, $0x0, v8;
	v18 =	vadd.f32 v28, v18;
	v9 =	vadd.f32 v9, v10;
	p1 =	por !p1, !p3  }
0x123: {  	v10 =	vpsel !p4, $0x0, v3;
	v20 =	vadd.f32 v30, v20;
	v12 =	vmax.f32 v12, $0.0e+00;
	s14 =	simm.s32 @!p1 $0x0;
	p1 =	sgt.s32 @!p0 s13, $0xFFFFFFFF  }
0x124: {  	v13 =	vmax.f32 v13, $0.0e+00;
	v11 =	vmax.f32 v11, $0.0e+00;
	v12 =	vadd.f32 v12, v14;
	p1 =	por @p5 !p1, p6;
	s14 =	smin.u32 @!p0 s14, $0x139  }
0x125: {  	v63 =	vmax.f32 v20, $0.0e+00;
	v13 =	vadd.f32 v13, v62;
	v14 =	vmax.f32 v18, $0.0e+00;
	s18 =	sshll.u32 @!p0 s14, $0x7;
	p1 =	por !p1, !p3  }
0x126: {  	v9 =	vmax.f32 v9, $0.0e+00;
	v14 =	vadd.f32 v14, v60;
	v8 =	vpsel p2, v12, v8;
	s18 =	simm.s32 @!p1 $0x9C80  }
0x127: {  	v16 =	vadd.f32 v63, v59;
	v12 =	vadd.f32 v32, v19;
	v7 =	vpsel p2, v13, v7;
	[tilespmem:s18+$0x70] =	vst @!p0 v8  }
0x128: {  	v11 =	vadd.f32 v11, v61;
	v13 =	vadd.f32 v29, v15;
	v5 =	vpsel p2, v14, v5;
	[tilespmem:s18+$0x60] =	vst @!p0 v7  }
0x129: {  	v9 =	vadd.f32 v9, v10;
	v6 =	vpsel p2, v16, v6;
	v10 =	vmax.f32 v12, $0.0e+00;
	[tilespmem:s18+$0x50] =	vst @!p0 v5  }
0x12a: {  	v1 =	vpsel p2, v11, v1;
	v12 =	vmax.f32 v13, $0.0e+00;
	v10 =	vadd.f32 v10, v57;
	s14 =	smov.u32 s13;
	[tilespmem:s18+$0x40] =	vst @!p0 v6  }
0x12b: {  	v3 =	vpsel p2, v9, v3;
	v9 =	vadd.f32 v12, v58;
	s14 =	smov.u32 @p5 s4;
	[tilespmem:s18+$0x30] =	vst @!p0 v1  }
0x12c: {  	v4 =	vpsel p2, v10, v4;
	s19 =	ssub.s32 s14, s9;
	[tilespmem:s18+$0x20] =	vst @!p0 v3  }
0x12d: {  	v2 =	vpsel p2, v9, v2;
	[tilespmem:s18+$0x0] =	vst @!p0 v4;
	p1 =	sgt.s32 s19, $0x0  }
0x12e: {  	s26 =	simm.s32 $0x0;
	[tilespmem:s18+$0x10] =	vst @!p0 v2;
	s19 =	simm.s32 @!p1 $0x0  }
0x12f: {  	v12 =	vld [tilespmem:s26+$0x17B70];
	s19 =	smin.u32 s19, $0x138  }
0x130: {  	v10 =	vld [tilespmem:s26+$0x17B20];
	s20 =	sshll.u32 s19, $0x7  }
0x131: {  	v9 =	vld [tilespmem:s20+$0x9D20]  }
0x132: {  	v11 =	vld [tilespmem:s20+$0x9D30]  }
0x133: {  	p0 =	seq.s32 s4, s13;
	s4 =	simm.s32 $0x200;
	s13 =	smov.u32 s10;
	v13 =	vld [tilespmem:s20+$0x9D60]  }
.LBB2_9:
0x134: {  	v14 =	vld [tilespmem:s26+$0x19B70]  }
0x135: {  	v15 =	vld [tilespmem:s26+$0x19B10]  }
0x136: {  	v16 =	vld [tilespmem:s26+$0x17B30]  }
0x137: {  	v17 =	vld [tilespmem:s26+$0x19B60]  }
0x138: {  	s16 =	sadd.s32 $0x1, s16;
	v18 =	vld [tilespmem:s26+$0x17B50]  }
0x139: {  	v20 =	vld [tilespmem:s16+$0x0]  }
0x13a: {  	v19 =	vld [tilespmem:s26+$0x19B00]  }
0x13b: {  	v21 =	vld [tilespmem:s26+$0x17B40]  }
0x13c: {  	v22 =	vld [tilespmem:s26+$0x17B60]  }
0x13d: {  	v23 =	vld [tilespmem:s26+$0x19B30]  }
0x13e: {  	v24 =	vld [tilespmem:s26+$0x19B20];
	(v2sf) =	vpush v20, $0x0  }
0x13f: {  	v54 =	vld [tilespmem:s26+$0x17B10]  }
0x140: {  	v25 =	vld [tilespmem:s26+$0x19B50]  }
0x141: {  	v26 =	vld [tilespmem:s26+$0x19B40]  }
0x142: {  	v55 =	vld [tilespmem:s26+$0x17B00]  }
0x143: {  	v56 =	vpsel !p0, $0x0, v4;
	v27 =	vld [tilespmem:s20+$0x9D50]  }
0x144: {  	v57 =	vld [tilespmem:s20+$0x9D10];
	v58 =	vpsel !p0, $0x0, v2;
	v17 =	vadd.f32 v22, v17;
	v16 =	vadd.f32 v16, v23  }
0x145: {  	v59 =	vpsel !p0, $0x0, v8;
	v29 =	vld [tilespmem:s20+$0x9D70];
	v15 =	vadd.f32 v54, v15;
	v12 =	vadd.f32 v12, v14  }
0x146: {  	v28 =	vpsel !p0, $0x0, v6;
	v30 =	vld [tilespmem:s20+$0x9D00];
	v18 =	vadd.f32 v18, v25;
	v10 =	vadd.f32 v10, v24  }
0x147: {  	v60 =	vpsel !p0, $0x0, v5;
	v21 =	vadd.f32 v21, v26;
	v19 =	vadd.f32 v55, v19  }
0x148: {  	v61 =	vpsel !p0, $0x0, v1;
	v14 =	vld [tilespmem:s20+$0x9D40];
	v13 =	vadd.f32 v13, v17;
	v11 =	vadd.f32 v11, v16  }
0x149: {  	s18 =	smov.u32 s4;
	s4 =	sadd.s32 $0x200, s4;
	v62 =	vpsel !p0, $0x0, v7;
	v18 =	vadd.f32 v27, v18;
	v9 =	vadd.f32 v9, v10  }
0x14a: {  	p1 =	sne.s32 s4, $0x8000;
	v10 =	vpsel !p0, $0x0, v3;
	v15 =	vadd.f32 v57, v15;
	v12 =	vadd.f32 v29, v12  }
0x14b: {  	s13 =	sadd.s32 $0x1, s13;
	s25 =	smov.u32 s14;
	s19 =	simm.s32 @!p1 $0x0;
	v63 =	vadd.f32 v30, v19;
	v13 =	vmax.f32 v13, $0.0e+00;
	v11 =	vmax.f32 v11, $0.0e+00  }
0x14c: {  	p5 =	sge.s32 s13, s0;
	p6 =	slt.s32 s13, s2;
	s19 =	simm.s32 @p1 $0x1;
	v9 =	vmax.f32 v9, $0.0e+00;
	v15 =	vmax.f32 v15, $0.0e+00;
	v11 =	vadd.f32 v11, v61  }
0x14d: {  	[smem:$0x7F8] =	sst s19;
	p0 =	por !p5, !p6;
	v14 =	vadd.f32 v14, v21;
	v9 =	vadd.f32 v9, v10;
	v10 =	vmax.f32 v18, $0.0e+00;
	s19 =	spop (v2sf)  }
0x14e: {  	p5 =	por !p0, !p0;
	v12 =	vmax.f32 v12, $0.0e+00;
	v13 =	vadd.f32 v13, v62;
	v10 =	vadd.f32 v10, v60;
	p1 =	seq.s32 s19, s25  }
0x14f: {  	v14 =	vmax.f32 v14, $0.0e+00;
	v1 =	vpsel p3, v11, v1;
	v3 =	vpsel p3, v9, v3;
	p0 =	seq.s32 @p5 s19, s25;
	s20 =	simm.s32 @!p1 $0x0  }
0x150: {  	v9 =	vadd.f32 v15, v58;
	v11 =	vadd.f32 v14, v28;
	v14 =	vmax.f32 v63, $0.0e+00;
	p4 =	por p0, !p5;
	s20 =	simm.s32 @p1 $0x1  }
0x151: {  	v5 =	vpsel p3, v10, v5;
	v10 =	vadd.f32 v12, v59;
	v12 =	vadd.f32 v14, v56;
	[smem:$0x7F7] =	sst s20;
	s20 =	ssub.s32 @!p4 s25, s9  }
0x152: {  	v7 =	vpsel p3, v13, v7;
	v2 =	vpsel p3, v9, v2;
	p6 =	sgt.s32 @!p4 s25, $0xFFFFFFFF;
	p1 =	sgt.s32 @!p4 s20, $0x0  }
0x153: {  	v6 =	vpsel p3, v11, v6;
	v8 =	vpsel p3, v10, v8;
	v4 =	vpsel p3, v12, v4;
	p3 =	por p5, p5;
	p6 =	por @p5 !p6, p0;
	p0 =	por @p5 !p1, p0  }
0x154: {  	p0 =	por !p0, !p3  }
0x155: {  	s20 =	simm.s32 @!p0 $0x0  }
0x156: {  	s20 =	smin.u32 @!p4 s20, $0x139  }
0x157: {  	p0 =	por !p6, !p3;
	s20 =	sshll.u32 @!p4 s20, $0x7  }
0x158: {  	s20 =	simm.s32 @!p0 $0x9C80  }
0x159: {  	[tilespmem:s20+$0x70] =	vst @!p4 v8  }
0x15a: {  	[tilespmem:s20+$0x60] =	vst @!p4 v7  }
0x15b: {  	s14 =	smov.u32 @p5 s19;
	[tilespmem:s20+$0x50] =	vst @!p4 v5  }
0x15c: {  	s19 =	ssub.s32 s14, s9;
	[tilespmem:s20+$0x40] =	vst @!p4 v6  }
0x15d: {  	s28 =	sld [smem:$0x7F8];
	p2 =	sgt.s32 s19, $0x0;
	[tilespmem:s20+$0x30] =	vst @!p4 v1  }
0x15e: {  	s19 =	simm.s32 @!p2 $0x0;
	[tilespmem:s20+$0x20] =	vst @!p4 v3  }
0x15f: {  	s19 =	smin.u32 s19, $0x138;
	[tilespmem:s20+$0x0] =	vst @!p4 v4  }
0x160: {  	s26 =	sld [smem:$0x7F7];
	p1 =	seq.s32 s28, $0x1;
	[tilespmem:s20+$0x10] =	vst @!p4 v2;
	s20 =	sshll.u32 s19, $0x7  }
.Ltmp5:
0x161: {  	v9 =	vld [tilespmem:s20+$0x9D20];
	(pc) =	sbr.rel @p1 .LBB2_9-.Ltmp5, $4  }
0x162: {  	v11 =	vld [tilespmem:s20+$0x9D30]  }
0x163: {  	p0 =	seq.s32 s26, $0x1;
	s26 =	sshra.s32 s18, $0x2;
	v13 =	vld [tilespmem:s20+$0x9D60]  }
0x164: {  	v12 =	vld [tilespmem:s26+$0x17B70]  }
0x165: {  	v10 =	vld [tilespmem:s26+$0x17B20]  }
0x166: {  	v14 =	vld [tilespmem:s26+$0x19B70]  }
0x167: {  	v15 =	vld [tilespmem:s26+$0x19B10]  }
0x168: {  	v16 =	vld [tilespmem:s26+$0x17B30]  }
0x169: {  	v17 =	vld [tilespmem:s26+$0x19B60]  }
0x16a: {  	v18 =	vld [tilespmem:s26+$0x17B50]  }
0x16b: {  	v19 =	vld [tilespmem:s26+$0x19B00]  }
0x16c: {  	v20 =	vld [tilespmem:s26+$0x17B40]  }
0x16d: {  	v21 =	vld [tilespmem:s26+$0x17B60]  }
0x16e: {  	v22 =	vld [tilespmem:s26+$0x19B30]  }
0x16f: {  	v23 =	vld [tilespmem:s26+$0x19B20]  }
0x170: {  	v24 =	vld [tilespmem:s26+$0x17B10]  }
0x171: {  	v25 =	vld [tilespmem:s26+$0x19B50]  }
0x172: {  	v26 =	vld [tilespmem:s26+$0x19B40]  }
0x173: {  	v51 =	vld [tilespmem:s26+$0x17B00]  }
0x174: {  	v52 =	vld [tilespmem:s20+$0x9D50]  }
0x175: {  	v54 =	vld [tilespmem:s20+$0x9D10]  }
0x176: {  	v53 =	vpsel !p0, $0x0, v4;
	v55 =	vld [tilespmem:s20+$0x9D40];
	v17 =	vadd.f32 v21, v17;
	v16 =	vadd.f32 v16, v22  }
0x177: {  	v27 =	vpsel !p0, $0x0, v2;
	v57 =	vld [tilespmem:s20+$0x9D70];
	v15 =	vadd.f32 v24, v15;
	v12 =	vadd.f32 v12, v14  }
0x178: {  	v56 =	vpsel !p0, $0x0, v8;
	v29 =	vld [tilespmem:s20+$0x9D00];
	v18 =	vadd.f32 v18, v25;
	v10 =	vadd.f32 v10, v23  }
0x179: {  	v28 =	vpsel !p0, $0x0, v6;
	v20 =	vadd.f32 v20, v26;
	v19 =	vadd.f32 v51, v19  }
0x17a: {  	v58 =	vpsel !p0, $0x0, v1;
	v13 =	vadd.f32 v13, v17;
	v11 =	vadd.f32 v11, v16  }
0x17b: {  	v59 =	vpsel !p0, $0x0, v7;
	v18 =	vadd.f32 v52, v18;
	v9 =	vadd.f32 v9, v10  }
0x17c: {  	v60 =	vpsel !p0, $0x0, v5;
	v15 =	vadd.f32 v54, v15;
	v14 =	vadd.f32 v55, v20  }
0x17d: {  	v10 =	vpsel !p0, $0x0, v3;
	v12 =	vadd.f32 v57, v12;
	v19 =	vadd.f32 v29, v19  }
0x17e: {  	v13 =	vmax.f32 v13, $0.0e+00;
	v11 =	vmax.f32 v11, $0.0e+00;
	v9 =	vmax.f32 v9, $0.0e+00  }
0x17f: {  	s12 =	sadd.s32 $0x1, s12;
	v15 =	vmax.f32 v15, $0.0e+00;
	v14 =	vmax.f32 v14, $0.0e+00;
	v11 =	vadd.f32 v11, v58  }
0x180: {  	p0 =	sne.s32 s12, s21;
	v13 =	vadd.f32 v13, v59;
	v9 =	vadd.f32 v9, v10;
	v10 =	vmax.f32 v18, $0.0e+00  }
.Ltmp6:
0x181: {  	v62 =	vmax.f32 v19, $0.0e+00;
	v61 =	vadd.f32 v14, v28;
	v10 =	vadd.f32 v10, v60;
	(pc) =	sbr.rel @p0 .LBB2_6-.Ltmp6, $4  }
.Ltmp7:
0x182: {  	v63 =	vadd.f32 v15, v27;
	v1 =	vpsel p3, v11, v1;
	v11 =	vmax.f32 v12, $0.0e+00;
	(pc) =	sbr.rel @!p0 .LBB2_11-.Ltmp7, $4  }
0x183: {  	v11 =	vadd.f32 v11, v56;
	v5 =	vpsel p3, v10, v5;
	v10 =	vadd.f32 v62, v53  }
0x184: {  	v3 =	vpsel p3, v9, v3;
	v7 =	vpsel p3, v13, v7;
	v6 =	vpsel p3, v61, v6  }
0x185: {  	s11 =	sadd.s32 $0x80, s11;
	s10 =	sadd.s32 $0x80, s10;
	v2 =	vpsel p3, v63, v2;
	v8 =	vpsel p3, v11, v8;
	v4 =	vpsel p3, v10, v4  }
0x186: {  	_ = 	snop  }
.LBB2_12:
0x187: {  	_ =	sfence.sel $0x180000  }
0x188: {  	[bflag:$0x0] =	sbarrier.arrive $0xFFFF  }
0x189: {  	_ =	strace $0x90000047  }
0x18a: {  	s0 =	stileid.u32;
	[bflag:$0x2] =	sbarrier.arrive $0xFFFF  }
0x18b: {  	p0 =	sne.s32 s0, $0x0;
	s0 =	rddreg [dreg:$0x2]  }
0x18c: {  	s0 =	sadd.s32 @!p0 $0x100000, s0  }
0x18d: {  	[sflag:s0] =	ssyncadd.tile.s32 @!p0 $0x1;
	_ =	shalt  }
.Lfunc_end2:
_tile_overlayer_lowered:
.L_overlay_start_2:
0x18e: {  	(tag) =	ssettag $0x2  }
0x18f: {  	s0 =	rddreg [dreg:$0x0];
	s2 =	stileid.u32  }
0x190: {  	s1 =	rddreg [dreg:$0x1];
	p0 =	sne.s32 s2, $0x0  }
0x191: {  	s3 =	rddreg [dreg:$0x2];
	[bflag:$0x3] =	sbarrier.arrive $0xFFFF;
	s2 =	simm.s32 @!p0 $0x1C07  }
0x192: {  	[timem:s3], [sflag:s2] =	dma.local @!p0 [hbm:s0], s1  }
0x193: {  	s0 =	simm.s32 @!p0 $0x7  }
0x194: {  	_ =	swait.ge @!p0 [sflag:s0], s1  }
0x195: {  	s1 =	ssub.s32 @!p0 $0x0, s1;
	[sflag:s0] =	ssyncset.done @!p0 $0x0  }
0x196: {  	[sflag:s0] =	ssyncadd.s32 @!p0 s1  }
0x197: {  	[bflag:$0x3] =	sbarrier.arrive $0xFFFF  }
0x198: {  	_ =	shalt  }

</sc_bundles>
